<compile_context>
chip_gen: v7x
topology: tpu7x:2x2x1
jax: 0.10.2.dev20260603
libtpu: 0.0.44.dev20260713+nightly
codegen_flags: <defaults>
</compile_context>

<pallas_src>
import jax
import jax.numpy as jnp
from jax import lax
from jax.experimental import pallas as pl
from jax.experimental.pallas import tpu as pltpu
from jax.experimental.pallas import tpu_sc as plsc

N_ROWS = 1_000_000
D = 32
SCALE = D ** 0.5

NC = 2
NS = 16
NW = NC * NS

B_SAMPLES = 16384
SEQ = 50
S_PER_W = B_SAMPLES // NW
IDX_PER_W = S_PER_W * SEQ
GROUP = 16
ROWS_PER_GROUP = GROUP * SEQ
GROUPS = S_PER_W // GROUP
DESCS = ((0, 128), (128, 128), (256, 128), (384, 128),
         (512, 128), (640, 128), (768, 32))

MUL_UNROLL = 10


_T_BLK = 16384


def _scale_body(x_ref, o_ref, p_ref):
    x = x_ref[...] * SCALE
    o_ref[...] = x
    xt = x.T
    p_ref[...] = jnp.concatenate(
        [xt, jnp.zeros((_T_BLK, 128 - D), jnp.float32)], axis=1)


def _scale_table(weight):
    wt = weight.T
    grid = (N_ROWS + _T_BLK - 1) // _T_BLK
    mt, mpad = pl.pallas_call(
        _scale_body,
        out_shape=(
            jax.ShapeDtypeStruct((D, N_ROWS), jnp.float32),
            jax.ShapeDtypeStruct((N_ROWS, 128), jnp.float32),
        ),
        grid=(grid,),
        in_specs=[pl.BlockSpec((D, _T_BLK), lambda i: (0, i))],
        out_specs=(
            pl.BlockSpec((D, _T_BLK), lambda i: (0, i)),
            pl.BlockSpec((_T_BLK, 128), lambda i: (i, 0)),
        ),
    )(wt)
    return mt.T, mpad




def _scale_relayout(ra, rb, obuf):
    @pl.loop(0, GROUP)
    def _s(si):
        @pl.loop(0, SEQ, unroll=MUL_UNROLL)
        def _row(r):
            flat = si * SEQ + r
            obuf[si, r, pl.ds(0, 16)] = ra[flat, :]
            obuf[si, r, pl.ds(16, 16)] = rb[flat, :]


def _gather_body(idx_hbm, w_hbm, lu_hbm,
                 idx_v, a0, b0, a1, b1, la0, lb0, la1, lb1, obuf,
                 g_in0, g_in1, g_osem):
    c = lax.axis_index("c")
    s = lax.axis_index("s")
    wid = s * NC + c

    pltpu.sync_copy(idx_hbm.at[wid], idx_v)
    s_base = wid * S_PER_W
    rabufs = ((a0, b0), (a1, b1))
    lists = ((la0, lb0), (la1, lb1))
    g_isems = (g_in0, g_in1)

    def build_lists(g, b):
        la, lb = lists[b]
        @pl.loop(0, ROWS_PER_GROUP // 16, unroll=5)
        def _k(k):
            v = idx_v[pl.ds(g * ROWS_PER_GROUP + k * 16, 16)] * 8
            la[pl.ds(k * 16, 16)] = v
            lb[pl.ds(k * 16, 16)] = v + 1

    def fire_group(g, b):
        ra, rb = rabufs[b]
        la, lb = lists[b]
        for off, n in DESCS:
            pltpu.async_copy(w_hbm.at[la.at[pl.ds(off, n)]],
                             ra.at[pl.ds(off, n)], g_isems[b])
            pltpu.async_copy(w_hbm.at[lb.at[pl.ds(off, n)]],
                             rb.at[pl.ds(off, n)], g_isems[b])

    def wait_group(g, b):
        ra, rb = rabufs[b]
        la, lb = lists[b]
        for off, n in DESCS:
            pltpu.make_async_copy(w_hbm.at[la.at[pl.ds(off, n)]],
                                  ra.at[pl.ds(off, n)], g_isems[b]).wait()
            pltpu.make_async_copy(w_hbm.at[lb.at[pl.ds(off, n)]],
                                  rb.at[pl.ds(off, n)], g_isems[b]).wait()

    def out_dst(g):
        return lu_hbm.at[pl.ds(s_base + g * GROUP, GROUP)]

    build_lists(0, 0)
    fire_group(0, 0)

    @pl.loop(0, GROUPS // 2)
    def _g(p):
        for b in range(2):
            g = 2 * p + b
            nb = 1 - b
            wait_group(g, b)
            @pl.when(g + 1 < GROUPS)
            def _():
                build_lists(g + 1, nb)
                fire_group(g + 1, nb)
            @pl.when(g >= 1)
            def _():
                pltpu.make_async_copy(obuf, out_dst(g - 1), g_osem).wait()
            _scale_relayout(rabufs[b][0], rabufs[b][1], obuf)
            pltpu.async_copy(obuf, out_dst(g), g_osem)

    pltpu.make_async_copy(obuf, out_dst(GROUPS - 1), g_osem).wait()


def _sc_gather(idx_flat, w16):
    mesh = plsc.VectorSubcoreMesh(core_axis_name="c", subcore_axis_name="s")
    k = pl.kernel(
        _gather_body,
        out_type=jax.ShapeDtypeStruct((B_SAMPLES, SEQ, D), jnp.float32),
        mesh=mesh,
        compiler_params=pltpu.CompilerParams(use_tc_tiling_on_sc=False),
        scratch_types=[
            pltpu.VMEM((IDX_PER_W,), jnp.int32),
            pltpu.VMEM((ROWS_PER_GROUP, 16), jnp.float32),
            pltpu.VMEM((ROWS_PER_GROUP, 16), jnp.float32),
            pltpu.VMEM((ROWS_PER_GROUP, 16), jnp.float32),
            pltpu.VMEM((ROWS_PER_GROUP, 16), jnp.float32),
            pltpu.VMEM((ROWS_PER_GROUP,), jnp.int32),
            pltpu.VMEM((ROWS_PER_GROUP,), jnp.int32),
            pltpu.VMEM((ROWS_PER_GROUP,), jnp.int32),
            pltpu.VMEM((ROWS_PER_GROUP,), jnp.int32),
            pltpu.VMEM((GROUP, SEQ, D), jnp.float32),
        ] + [pltpu.SemaphoreType.DMA] * 3,
    )
    return k(idx_flat, w16)


def kernel(indices, weight):
    masked, mpad = _scale_table(weight)
    w16 = mpad.reshape(N_ROWS * 8, 16)
    idx_flat = indices.astype(jnp.int32).reshape(NW, IDX_PER_W)
    lu = _sc_gather(idx_flat, w16)
    return lu, masked

# --- scband reference (transcript-rebuilt; emitter-appended) ---
"""Pipeline reference for scband-embedding-dropout-78228534329860 (READ-ONLY COPY).

The authoritative reference and input builder live on the scoring server;
editing this copy changes nothing except your own understanding.
"""

import jax, jax.numpy as jnp
import numpy as np

N_SYMBOLS = 1000000
OUT_DIM = 32
DROPOUT_SCALE = OUT_DIM ** 0.5  # 'default' dropout_scale = sqrt(output_dim)


def setup_inputs(seed: int = 0) -> dict:
    key = jax.random.key(seed)
    k1, k2 = jax.random.split(key)
    indices = jax.random.randint(k1, (16384, 50), 0, N_SYMBOLS, dtype=jnp.int32)
    weight = jax.random.normal(k2, (N_SYMBOLS, OUT_DIM), dtype=jnp.float32)
    return {"indices": indices, "weight": weight}


def reference(indices, weight):
    # EmbeddingDropout.forward with dropout_keep_prob == 1.0 (no bernoulli mask)
    ii = indices.astype(jnp.int32)
    if ii.shape[-1] != 1:
        # nd < 3: infer trailing singleton dim
        ii = ii[..., None]
    masked_weight = weight * DROPOUT_SCALE
    lu = jnp.take(masked_weight, ii[..., 0], axis=0)
    return (lu, masked_weight)

if __name__ == "__main__":
    import jax
    _d = setup_inputs()
    print(jax.jit(kernel)(*tuple(_d.values())))

</pallas_src>

<mosaic_0001>
#map = affine_map<(d0, d1) -> (0, 0)>
#map1 = affine_map<(d0, d1) -> (0, 0, 0)>
module attributes {stable_mosaic.version = 14 : i64} {
  func.func @_gather_body(%arg0: i32, %arg1: i32, %arg2: memref<32x25600xi32, #tpu.memory_space<hbm>>, %arg3: memref<8000000x16xf32, #tpu.memory_space<hbm>>, %arg4: memref<16384x50x32xf32, #tpu.memory_space<hbm>>, %arg5: memref<25600xi32, #tpu.memory_space<vmem>>, %arg6: memref<800x16xf32, #tpu.memory_space<vmem>>, %arg7: memref<800x16xf32, #tpu.memory_space<vmem>>, %arg8: memref<800x16xf32, #tpu.memory_space<vmem>>, %arg9: memref<800x16xf32, #tpu.memory_space<vmem>>, %arg10: memref<800xi32, #tpu.memory_space<vmem>>, %arg11: memref<800xi32, #tpu.memory_space<vmem>>, %arg12: memref<800xi32, #tpu.memory_space<vmem>>, %arg13: memref<800xi32, #tpu.memory_space<vmem>>, %arg14: memref<16x50x32xf32, #tpu.memory_space<vmem>>, %arg15: memref<!tpu.dma_semaphore, #tpu.memory_space<semaphore_mem>>, %arg16: memref<!tpu.dma_semaphore, #tpu.memory_space<semaphore_mem>>, %arg17: memref<!tpu.dma_semaphore, #tpu.memory_space<semaphore_mem>>) attributes {dimension_semantics = [#tpu.dimension_semantics<core_parallel>, #tpu.dimension_semantics<subcore_parallel>], iteration_bounds = array<i64: 2, 16>, scalar_prefetch = 0 : i64, scratch_operands = 13 : i64, tpu.core_type = #tpu.core_type<sc_vector_subcore>, window_params = [{transform_indices = #map}, {transform_indices = #map}, {transform_indices = #map1}]} {
    %mul3A = arith.constant 2 : i32
    %mul3A_0 = arith.muli %arg1, %mul3A : i32
    %add3A = arith.addi %mul3A_0, %arg0 : i32
    "tpu.region"() ({
      %run_scoped3A = tpu.sem_alloc : memref<!tpu.dma_semaphore, #tpu.memory_space<semaphore_mem>>
      %dma_start3A_130 = arith.constant 0 : i32
      %dma_start3A_131 = tpu.memref_slice %arg2[%add3A, %dma_start3A_130] : memref<32x25600xi32, #tpu.memory_space<hbm>> -> memref<1x25600xi32, #tpu.memory_space<hbm>>
      %dma_start3A_132 = tpu.memref_squeeze %dma_start3A_131 : memref<1x25600xi32, #tpu.memory_space<hbm>> -> memref<25600xi32, #tpu.memory_space<hbm>>
      %dma_start3A_133 = arith.constant 0 : i32
      %dma_start3A_134 = tpu.memref_slice %arg2[%add3A, %dma_start3A_133] : memref<32x25600xi32, #tpu.memory_space<hbm>> -> memref<1x25600xi32, #tpu.memory_space<hbm>>
      %dma_start3A_135 = tpu.memref_squeeze %dma_start3A_134 : memref<1x25600xi32, #tpu.memory_space<hbm>> -> memref<25600xi32, #tpu.memory_space<hbm>>
      tpu.enqueue_dma source(%dma_start3A_135 : memref<25600xi32, #tpu.memory_space<hbm>>) target(%arg5 : memref<25600xi32, #tpu.memory_space<vmem>>) target_semaphore(%run_scoped3A : memref<!tpu.dma_semaphore, #tpu.memory_space<semaphore_mem>>)
      %dma_wait3A_136 = arith.constant 0 : i32
      %dma_wait3A_137 = tpu.memref_slice %arg2[%add3A, %dma_wait3A_136] : memref<32x25600xi32, #tpu.memory_space<hbm>> -> memref<1x25600xi32, #tpu.memory_space<hbm>>
      %dma_wait3A_138 = tpu.memref_squeeze %dma_wait3A_137 : memref<1x25600xi32, #tpu.memory_space<hbm>> -> memref<25600xi32, #tpu.memory_space<hbm>>
      %dma_wait3A_139 = arith.constant 0 : i32
      %dma_wait3A_140 = tpu.memref_slice %arg2[%add3A, %dma_wait3A_139] : memref<32x25600xi32, #tpu.memory_space<hbm>> -> memref<1x25600xi32, #tpu.memory_space<hbm>>
      %dma_wait3A_141 = tpu.memref_squeeze %dma_wait3A_140 : memref<1x25600xi32, #tpu.memory_space<hbm>> -> memref<25600xi32, #tpu.memory_space<hbm>>
      tpu.wait_dma2 semaphore(%run_scoped3A : memref<!tpu.dma_semaphore, #tpu.memory_space<semaphore_mem>>) src(%dma_wait3A_141 : memref<25600xi32, #tpu.memory_space<hbm>>) dst(%arg5 : memref<25600xi32, #tpu.memory_space<vmem>>)
      tpu.yield
    }) : () -> ()
    %mul3A_1 = arith.constant 512 : i32
    %mul3A_2 = arith.muli %add3A, %mul3A_1 : i32
    %scan3A = arith.constant 0 : i32
    %scan3A_3 = arith.constant 50 : i32
    %scan3A_4 = arith.addi %scan3A, %scan3A_3 : i32
    %scan3A_5 = arith.constant 5 : i32
    scf.for %scan3A_130 = %scan3A to %scan3A_4 step %scan3A_5  : i32 {
      %mul3A_131 = arith.constant 1 : i32
      %mul3A_132 = arith.muli %scan3A_130, %mul3A_131 : i32
      %add3A_133 = arith.constant 0 : i32
      %add3A_134 = arith.addi %add3A_133, %mul3A_132 : i32
      %mul3A_135 = arith.constant 16 : i32
      %mul3A_136 = arith.muli %add3A_134, %mul3A_135 : i32
      %add3A_137 = arith.constant 0 : i32
      %add3A_138 = arith.addi %add3A_137, %mul3A_136 : i32
      %get3A = arith.index_cast %add3A_138 : i32 to index
      %get3A_139 = tpu.vector_load %arg5[%get3A] {strides = array<i32>} : memref<25600xi32, #tpu.memory_space<vmem>>, vector<16xi32>,
      %get3A_140 = vector.shape_cast %get3A_139 : vector<16xi32> to vector<16xi32>
      %mul3A_141 = arith.constant 8 : i32
      %mul3A_142 = vector.broadcast %mul3A_141 : i32 to vector<16xi32>
      %mul3A_143 = arith.muli %get3A_140, %mul3A_142 : vector<16xi32>
      %mul3A_144 = arith.constant 16 : i32
      %mul3A_145 = arith.muli %add3A_134, %mul3A_144 : i32
      %swap3A = arith.index_cast %mul3A_145 : i32 to index
      %swap3A_146 = tpu.vector_load %arg10[%swap3A] {strides = array<i32>} : memref<800xi32, #tpu.memory_space<vmem>>, vector<16xi32>,
      %swap3A_147 = vector.shape_cast %swap3A_146 : vector<16xi32> to vector<16xi32>
      %swap3A_148 = vector.shape_cast %mul3A_143 : vector<16xi32> to vector<16xi32>
      tpu.vector_store %arg10[%swap3A], %swap3A_148 {strides = array<i32>} : memref<800xi32, #tpu.memory_space<vmem>>, vector<16xi32>,
      %add3A_149 = arith.constant 1 : i32
      %add3A_150 = vector.broadcast %add3A_149 : i32 to vector<16xi32>
      %add3A_151 = arith.addi %mul3A_143, %add3A_150 : vector<16xi32>
      %mul3A_152 = arith.constant 16 : i32
      %mul3A_153 = arith.muli %add3A_134, %mul3A_152 : i32
      %swap3A_154 = arith.index_cast %mul3A_153 : i32 to index
      %swap3A_155 = tpu.vector_load %arg11[%swap3A_154] {strides = array<i32>} : memref<800xi32, #tpu.memory_space<vmem>>, vector<16xi32>,
      %swap3A_156 = vector.shape_cast %swap3A_155 : vector<16xi32> to vector<16xi32>
      %swap3A_157 = vector.shape_cast %add3A_151 : vector<16xi32> to vector<16xi32>
      tpu.vector_store %arg11[%swap3A_154], %swap3A_157 {strides = array<i32>} : memref<800xi32, #tpu.memory_space<vmem>>, vector<16xi32>,
      %scan3A_158 = arith.constant 1 : i32
      %scan3A_159 = arith.addi %scan3A_130, %scan3A_158 : i32
      %mul3A_160 = arith.constant 1 : i32
      %mul3A_161 = arith.muli %scan3A_159, %mul3A_160 : i32
      %add3A_162 = arith.constant 0 : i32
      %add3A_163 = arith.addi %add3A_162, %mul3A_161 : i32
      %mul3A_164 = arith.constant 16 : i32
      %mul3A_165 = arith.muli %add3A_163, %mul3A_164 : i32
      %add3A_166 = arith.constant 0 : i32
      %add3A_167 = arith.addi %add3A_166, %mul3A_165 : i32
      %get3A_168 = arith.index_cast %add3A_167 : i32 to index
      %get3A_169 = tpu.vector_load %arg5[%get3A_168] {strides = array<i32>} : memref<25600xi32, #tpu.memory_space<vmem>>, vector<16xi32>,
      %get3A_170 = vector.shape_cast %get3A_169 : vector<16xi32> to vector<16xi32>
      %mul3A_171 = arith.constant 8 : i32
      %mul3A_172 = vector.broadcast %mul3A_171 : i32 to vector<16xi32>
      %mul3A_173 = arith.muli %get3A_170, %mul3A_172 : vector<16xi32>
      %mul3A_174 = arith.constant 16 : i32
      %mul3A_175 = arith.muli %add3A_163, %mul3A_174 : i32
      %swap3A_176 = arith.index_cast %mul3A_175 : i32 to index
      %swap3A_177 = tpu.vector_load %arg10[%swap3A_176] {strides = array<i32>} : memref<800xi32, #tpu.memory_space<vmem>>, vector<16xi32>,
      %swap3A_178 = vector.shape_cast %swap3A_177 : vector<16xi32> to vector<16xi32>
      %swap3A_179 = vector.shape_cast %mul3A_173 : vector<16xi32> to vector<16xi32>
      tpu.vector_store %arg10[%swap3A_176], %swap3A_179 {strides = array<i32>} : memref<800xi32, #tpu.memory_space<vmem>>, vector<16xi32>,
      %add3A_180 = arith.constant 1 : i32
      %add3A_181 = vector.broadcast %add3A_180 : i32 to vector<16xi32>
      %add3A_182 = arith.addi %mul3A_173, %add3A_181 : vector<16xi32>
      %mul3A_183 = arith.constant 16 : i32
      %mul3A_184 = arith.muli %add3A_163, %mul3A_183 : i32
      %swap3A_185 = arith.index_cast %mul3A_184 : i32 to index
      %swap3A_186 = tpu.vector_load %arg11[%swap3A_185] {strides = array<i32>} : memref<800xi32, #tpu.memory_space<vmem>>, vector<16xi32>,
      %swap3A_187 = vector.shape_cast %swap3A_186 : vector<16xi32> to vector<16xi32>
      %swap3A_188 = vector.shape_cast %add3A_182 : vector<16xi32> to vector<16xi32>
      tpu.vector_store %arg11[%swap3A_185], %swap3A_188 {strides = array<i32>} : memref<800xi32, #tpu.memory_space<vmem>>, vector<16xi32>,
      %scan3A_189 = arith.constant 2 : i32
      %scan3A_190 = arith.addi %scan3A_130, %scan3A_189 : i32
      %mul3A_191 = arith.constant 1 : i32
      %mul3A_192 = arith.muli %scan3A_190, %mul3A_191 : i32
      %add3A_193 = arith.constant 0 : i32
      %add3A_194 = arith.addi %add3A_193, %mul3A_192 : i32
      %mul3A_195 = arith.constant 16 : i32
      %mul3A_196 = arith.muli %add3A_194, %mul3A_195 : i32
      %add3A_197 = arith.constant 0 : i32
      %add3A_198 = arith.addi %add3A_197, %mul3A_196 : i32
      %get3A_199 = arith.index_cast %add3A_198 : i32 to index
      %get3A_200 = tpu.vector_load %arg5[%get3A_199] {strides = array<i32>} : memref<25600xi32, #tpu.memory_space<vmem>>, vector<16xi32>,
      %get3A_201 = vector.shape_cast %get3A_200 : vector<16xi32> to vector<16xi32>
      %mul3A_202 = arith.constant 8 : i32
      %mul3A_203 = vector.broadcast %mul3A_202 : i32 to vector<16xi32>
      %mul3A_204 = arith.muli %get3A_201, %mul3A_203 : vector<16xi32>
      %mul3A_205 = arith.constant 16 : i32
      %mul3A_206 = arith.muli %add3A_194, %mul3A_205 : i32
      %swap3A_207 = arith.index_cast %mul3A_206 : i32 to index
      %swap3A_208 = tpu.vector_load %arg10[%swap3A_207] {strides = array<i32>} : memref<800xi32, #tpu.memory_space<vmem>>, vector<16xi32>,
      %swap3A_209 = vector.shape_cast %swap3A_208 : vector<16xi32> to vector<16xi32>
      %swap3A_210 = vector.shape_cast %mul3A_204 : vector<16xi32> to vector<16xi32>
      tpu.vector_store %arg10[%swap3A_207], %swap3A_210 {strides = array<i32>} : memref<800xi32, #tpu.memory_space<vmem>>, vector<16xi32>,
      %add3A_211 = arith.constant 1 : i32
      %add3A_212 = vector.broadcast %add3A_211 : i32 to vector<16xi32>
      %add3A_213 = arith.addi %mul3A_204, %add3A_212 : vector<16xi32>
      %mul3A_214 = arith.constant 16 : i32
      %mul3A_215 = arith.muli %add3A_194, %mul3A_214 : i32
      %swap3A_216 = arith.index_cast %mul3A_215 : i32 to index
      %swap3A_217 = tpu.vector_load %arg11[%swap3A_216] {strides = array<i32>} : memref<800xi32, #tpu.memory_space<vmem>>, vector<16xi32>,
      %swap3A_218 = vector.shape_cast %swap3A_217 : vector<16xi32> to vector<16xi32>
      %swap3A_219 = vector.shape_cast %add3A_213 : vector<16xi32> to vector<16xi32>
      tpu.vector_store %arg11[%swap3A_216], %swap3A_219 {strides = array<i32>} : memref<800xi32, #tpu.memory_space<vmem>>, vector<16xi32>,
      %scan3A_220 = arith.constant 3 : i32
      %scan3A_221 = arith.addi %scan3A_130, %scan3A_220 : i32
      %mul3A_222 = arith.constant 1 : i32
      %mul3A_223 = arith.muli %scan3A_221, %mul3A_222 : i32
      %add3A_224 = arith.constant 0 : i32
      %add3A_225 = arith.addi %add3A_224, %mul3A_223 : i32
      %mul3A_226 = arith.constant 16 : i32
      %mul3A_227 = arith.muli %add3A_225, %mul3A_226 : i32
      %add3A_228 = arith.constant 0 : i32
      %add3A_229 = arith.addi %add3A_228, %mul3A_227 : i32
      %get3A_230 = arith.index_cast %add3A_229 : i32 to index
      %get3A_231 = tpu.vector_load %arg5[%get3A_230] {strides = array<i32>} : memref<25600xi32, #tpu.memory_space<vmem>>, vector<16xi32>,
      %get3A_232 = vector.shape_cast %get3A_231 : vector<16xi32> to vector<16xi32>
      %mul3A_233 = arith.constant 8 : i32
      %mul3A_234 = vector.broadcast %mul3A_233 : i32 to vector<16xi32>
      %mul3A_235 = arith.muli %get3A_232, %mul3A_234 : vector<16xi32>
      %mul3A_236 = arith.constant 16 : i32
      %mul3A_237 = arith.muli %add3A_225, %mul3A_236 : i32
      %swap3A_238 = arith.index_cast %mul3A_237 : i32 to index
      %swap3A_239 = tpu.vector_load %arg10[%swap3A_238] {strides = array<i32>} : memref<800xi32, #tpu.memory_space<vmem>>, vector<16xi32>,
      %swap3A_240 = vector.shape_cast %swap3A_239 : vector<16xi32> to vector<16xi32>
      %swap3A_241 = vector.shape_cast %mul3A_235 : vector<16xi32> to vector<16xi32>
      tpu.vector_store %arg10[%swap3A_238], %swap3A_241 {strides = array<i32>} : memref<800xi32, #tpu.memory_space<vmem>>, vector<16xi32>,
      %add3A_242 = arith.constant 1 : i32
      %add3A_243 = vector.broadcast %add3A_242 : i32 to vector<16xi32>
      %add3A_244 = arith.addi %mul3A_235, %add3A_243 : vector<16xi32>
      %mul3A_245 = arith.constant 16 : i32
      %mul3A_246 = arith.muli %add3A_225, %mul3A_245 : i32
      %swap3A_247 = arith.index_cast %mul3A_246 : i32 to index
      %swap3A_248 = tpu.vector_load %arg11[%swap3A_247] {strides = array<i32>} : memref<800xi32, #tpu.memory_space<vmem>>, vector<16xi32>,
      %swap3A_249 = vector.shape_cast %swap3A_248 : vector<16xi32> to vector<16xi32>
      %swap3A_250 = vector.shape_cast %add3A_244 : vector<16xi32> to vector<16xi32>
      tpu.vector_store %arg11[%swap3A_247], %swap3A_250 {strides = array<i32>} : memref<800xi32, #tpu.memory_space<vmem>>, vector<16xi32>,
      %scan3A_251 = arith.constant 4 : i32
      %scan3A_252 = arith.addi %scan3A_130, %scan3A_251 : i32
      %mul3A_253 = arith.constant 1 : i32
      %mul3A_254 = arith.muli %scan3A_252, %mul3A_253 : i32
      %add3A_255 = arith.constant 0 : i32
      %add3A_256 = arith.addi %add3A_255, %mul3A_254 : i32
      %mul3A_257 = arith.constant 16 : i32
      %mul3A_258 = arith.muli %add3A_256, %mul3A_257 : i32
      %add3A_259 = arith.constant 0 : i32
      %add3A_260 = arith.addi %add3A_259, %mul3A_258 : i32
      %get3A_261 = arith.index_cast %add3A_260 : i32 to index
      %get3A_262 = tpu.vector_load %arg5[%get3A_261] {strides = array<i32>} : memref<25600xi32, #tpu.memory_space<vmem>>, vector<16xi32>,
      %get3A_263 = vector.shape_cast %get3A_262 : vector<16xi32> to vector<16xi32>
      %mul3A_264 = arith.constant 8 : i32
      %mul3A_265 = vector.broadcast %mul3A_264 : i32 to vector<16xi32>
      %mul3A_266 = arith.muli %get3A_263, %mul3A_265 : vector<16xi32>
      %mul3A_267 = arith.constant 16 : i32
      %mul3A_268 = arith.muli %add3A_256, %mul3A_267 : i32
      %swap3A_269 = arith.index_cast %mul3A_268 : i32 to index
      %swap3A_270 = tpu.vector_load %arg10[%swap3A_269] {strides = array<i32>} : memref<800xi32, #tpu.memory_space<vmem>>, vector<16xi32>,
      %swap3A_271 = vector.shape_cast %swap3A_270 : vector<16xi32> to vector<16xi32>
      %swap3A_272 = vector.shape_cast %mul3A_266 : vector<16xi32> to vector<16xi32>
      tpu.vector_store %arg10[%swap3A_269], %swap3A_272 {strides = array<i32>} : memref<800xi32, #tpu.memory_space<vmem>>, vector<16xi32>,
      %add3A_273 = arith.constant 1 : i32
      %add3A_274 = vector.broadcast %add3A_273 : i32 to vector<16xi32>
      %add3A_275 = arith.addi %mul3A_266, %add3A_274 : vector<16xi32>
      %mul3A_276 = arith.constant 16 : i32
      %mul3A_277 = arith.muli %add3A_256, %mul3A_276 : i32
      %swap3A_278 = arith.index_cast %mul3A_277 : i32 to index
      %swap3A_279 = tpu.vector_load %arg11[%swap3A_278] {strides = array<i32>} : memref<800xi32, #tpu.memory_space<vmem>>, vector<16xi32>,
      %swap3A_280 = vector.shape_cast %swap3A_279 : vector<16xi32> to vector<16xi32>
      %swap3A_281 = vector.shape_cast %add3A_275 : vector<16xi32> to vector<16xi32>
      tpu.vector_store %arg11[%swap3A_278], %swap3A_281 {strides = array<i32>} : memref<800xi32, #tpu.memory_space<vmem>>, vector<16xi32>,
    }
    %scan3A_6 = arith.constant 50 : i32
    %dma_start3A = arith.constant 0 : i32
    %dma_start3A_7 = arith.constant 0 : i32
    %dma_start3A_8 = tpu.memref_slice %arg6[%dma_start3A, %dma_start3A_7] : memref<800x16xf32, #tpu.memory_space<vmem>> -> memref<128x16xf32, #tpu.memory_space<vmem>>
    %dma_start3A_9 = arith.constant 0 : i32
    %dma_start3A_10 = tpu.memref_slice %arg10[%dma_start3A_9] : memref<800xi32, #tpu.memory_space<vmem>> -> memref<128xi32, #tpu.memory_space<vmem>>
    %dma_start3A_11 = arith.constant 0 : i32
    %dma_start3A_12 = arith.constant 0 : i32
    %dma_start3A_13 = tpu.memref_slice %arg3[%dma_start3A_11, %dma_start3A_12] : memref<8000000x16xf32, #tpu.memory_space<hbm>> -> memref<8000000x16xf32, #tpu.memory_space<hbm>>
    tpu.enqueue_indirect_dma source(%dma_start3A_13 : memref<8000000x16xf32, #tpu.memory_space<hbm>>) target(%dma_start3A_8 : memref<128x16xf32, #tpu.memory_space<vmem>>) offsets(%dma_start3A_10 : memref<128xi32, #tpu.memory_space<vmem>>) semaphore(%arg15 : memref<!tpu.dma_semaphore, #tpu.memory_space<semaphore_mem>>)
    %dma_start3A_14 = arith.constant 0 : i32
    %dma_start3A_15 = arith.constant 0 : i32
    %dma_start3A_16 = tpu.memref_slice %arg7[%dma_start3A_14, %dma_start3A_15] : memref<800x16xf32, #tpu.memory_space<vmem>> -> memref<128x16xf32, #tpu.memory_space<vmem>>
    %dma_start3A_17 = arith.constant 0 : i32
    %dma_start3A_18 = tpu.memref_slice %arg11[%dma_start3A_17] : memref<800xi32, #tpu.memory_space<vmem>> -> memref<128xi32, #tpu.memory_space<vmem>>
    %dma_start3A_19 = arith.constant 0 : i32
    %dma_start3A_20 = arith.constant 0 : i32
    %dma_start3A_21 = tpu.memref_slice %arg3[%dma_start3A_19, %dma_start3A_20] : memref<8000000x16xf32, #tpu.memory_space<hbm>> -> memref<8000000x16xf32, #tpu.memory_space<hbm>>
    tpu.enqueue_indirect_dma source(%dma_start3A_21 : memref<8000000x16xf32, #tpu.memory_space<hbm>>) target(%dma_start3A_16 : memref<128x16xf32, #tpu.memory_space<vmem>>) offsets(%dma_start3A_18 : memref<128xi32, #tpu.memory_space<vmem>>) semaphore(%arg15 : memref<!tpu.dma_semaphore, #tpu.memory_space<semaphore_mem>>)
    %dma_start3A_22 = arith.constant 128 : i32
    %dma_start3A_23 = arith.constant 0 : i32
    %dma_start3A_24 = tpu.memref_slice %arg6[%dma_start3A_22, %dma_start3A_23] : memref<800x16xf32, #tpu.memory_space<vmem>> -> memref<128x16xf32, #tpu.memory_space<vmem>>
    %dma_start3A_25 = arith.constant 128 : i32
    %dma_start3A_26 = tpu.memref_slice %arg10[%dma_start3A_25] : memref<800xi32, #tpu.memory_space<vmem>> -> memref<128xi32, #tpu.memory_space<vmem>>
    %dma_start3A_27 = arith.constant 0 : i32
    %dma_start3A_28 = arith.constant 0 : i32
    %dma_start3A_29 = tpu.memref_slice %arg3[%dma_start3A_27, %dma_start3A_28] : memref<8000000x16xf32, #tpu.memory_space<hbm>> -> memref<8000000x16xf32, #tpu.memory_space<hbm>>
    tpu.enqueue_indirect_dma source(%dma_start3A_29 : memref<8000000x16xf32, #tpu.memory_space<hbm>>) target(%dma_start3A_24 : memref<128x16xf32, #tpu.memory_space<vmem>>) offsets(%dma_start3A_26 : memref<128xi32, #tpu.memory_space<vmem>>) semaphore(%arg15 : memref<!tpu.dma_semaphore, #tpu.memory_space<semaphore_mem>>)
    %dma_start3A_30 = arith.constant 128 : i32
    %dma_start3A_31 = arith.constant 0 : i32
    %dma_start3A_32 = tpu.memref_slice %arg7[%dma_start3A_30, %dma_start3A_31] : memref<800x16xf32, #tpu.memory_space<vmem>> -> memref<128x16xf32, #tpu.memory_space<vmem>>
    %dma_start3A_33 = arith.constant 128 : i32
    %dma_start3A_34 = tpu.memref_slice %arg11[%dma_start3A_33] : memref<800xi32, #tpu.memory_space<vmem>> -> memref<128xi32, #tpu.memory_space<vmem>>
    %dma_start3A_35 = arith.constant 0 : i32
    %dma_start3A_36 = arith.constant 0 : i32
    %dma_start3A_37 = tpu.memref_slice %arg3[%dma_start3A_35, %dma_start3A_36] : memref<8000000x16xf32, #tpu.memory_space<hbm>> -> memref<8000000x16xf32, #tpu.memory_space<hbm>>
    tpu.enqueue_indirect_dma source(%dma_start3A_37 : memref<8000000x16xf32, #tpu.memory_space<hbm>>) target(%dma_start3A_32 : memref<128x16xf32, #tpu.memory_space<vmem>>) offsets(%dma_start3A_34 : memref<128xi32, #tpu.memory_space<vmem>>) semaphore(%arg15 : memref<!tpu.dma_semaphore, #tpu.memory_space<semaphore_mem>>)
    %dma_start3A_38 = arith.constant 256 : i32
    %dma_start3A_39 = arith.constant 0 : i32
    %dma_start3A_40 = tpu.memref_slice %arg6[%dma_start3A_38, %dma_start3A_39] : memref<800x16xf32, #tpu.memory_space<vmem>> -> memref<128x16xf32, #tpu.memory_space<vmem>>
    %dma_start3A_41 = arith.constant 256 : i32
    %dma_start3A_42 = tpu.memref_slice %arg10[%dma_start3A_41] : memref<800xi32, #tpu.memory_space<vmem>> -> memref<128xi32, #tpu.memory_space<vmem>>
    %dma_start3A_43 = arith.constant 0 : i32
    %dma_start3A_44 = arith.constant 0 : i32
    %dma_start3A_45 = tpu.memref_slice %arg3[%dma_start3A_43, %dma_start3A_44] : memref<8000000x16xf32, #tpu.memory_space<hbm>> -> memref<8000000x16xf32, #tpu.memory_space<hbm>>
    tpu.enqueue_indirect_dma source(%dma_start3A_45 : memref<8000000x16xf32, #tpu.memory_space<hbm>>) target(%dma_start3A_40 : memref<128x16xf32, #tpu.memory_space<vmem>>) offsets(%dma_start3A_42 : memref<128xi32, #tpu.memory_space<vmem>>) semaphore(%arg15 : memref<!tpu.dma_semaphore, #tpu.memory_space<semaphore_mem>>)
    %dma_start3A_46 = arith.constant 256 : i32
    %dma_start3A_47 = arith.constant 0 : i32
    %dma_start3A_48 = tpu.memref_slice %arg7[%dma_start3A_46, %dma_start3A_47] : memref<800x16xf32, #tpu.memory_space<vmem>> -> memref<128x16xf32, #tpu.memory_space<vmem>>
    %dma_start3A_49 = arith.constant 256 : i32
    %dma_start3A_50 = tpu.memref_slice %arg11[%dma_start3A_49] : memref<800xi32, #tpu.memory_space<vmem>> -> memref<128xi32, #tpu.memory_space<vmem>>
    %dma_start3A_51 = arith.constant 0 : i32
    %dma_start3A_52 = arith.constant 0 : i32
    %dma_start3A_53 = tpu.memref_slice %arg3[%dma_start3A_51, %dma_start3A_52] : memref<8000000x16xf32, #tpu.memory_space<hbm>> -> memref<8000000x16xf32, #tpu.memory_space<hbm>>
    tpu.enqueue_indirect_dma source(%dma_start3A_53 : memref<8000000x16xf32, #tpu.memory_space<hbm>>) target(%dma_start3A_48 : memref<128x16xf32, #tpu.memory_space<vmem>>) offsets(%dma_start3A_50 : memref<128xi32, #tpu.memory_space<vmem>>) semaphore(%arg15 : memref<!tpu.dma_semaphore, #tpu.memory_space<semaphore_mem>>)
    %dma_start3A_54 = arith.constant 384 : i32
    %dma_start3A_55 = arith.constant 0 : i32
    %dma_start3A_56 = tpu.memref_slice %arg6[%dma_start3A_54, %dma_start3A_55] : memref<800x16xf32, #tpu.memory_space<vmem>> -> memref<128x16xf32, #tpu.memory_space<vmem>>
    %dma_start3A_57 = arith.constant 384 : i32
    %dma_start3A_58 = tpu.memref_slice %arg10[%dma_start3A_57] : memref<800xi32, #tpu.memory_space<vmem>> -> memref<128xi32, #tpu.memory_space<vmem>>
    %dma_start3A_59 = arith.constant 0 : i32
    %dma_start3A_60 = arith.constant 0 : i32
    %dma_start3A_61 = tpu.memref_slice %arg3[%dma_start3A_59, %dma_start3A_60] : memref<8000000x16xf32, #tpu.memory_space<hbm>> -> memref<8000000x16xf32, #tpu.memory_space<hbm>>
    tpu.enqueue_indirect_dma source(%dma_start3A_61 : memref<8000000x16xf32, #tpu.memory_space<hbm>>) target(%dma_start3A_56 : memref<128x16xf32, #tpu.memory_space<vmem>>) offsets(%dma_start3A_58 : memref<128xi32, #tpu.memory_space<vmem>>) semaphore(%arg15 : memref<!tpu.dma_semaphore, #tpu.memory_space<semaphore_mem>>)
    %dma_start3A_62 = arith.constant 384 : i32
    %dma_start3A_63 = arith.constant 0 : i32
    %dma_start3A_64 = tpu.memref_slice %arg7[%dma_start3A_62, %dma_start3A_63] : memref<800x16xf32, #tpu.memory_space<vmem>> -> memref<128x16xf32, #tpu.memory_space<vmem>>
    %dma_start3A_65 = arith.constant 384 : i32
    %dma_start3A_66 = tpu.memref_slice %arg11[%dma_start3A_65] : memref<800xi32, #tpu.memory_space<vmem>> -> memref<128xi32, #tpu.memory_space<vmem>>
    %dma_start3A_67 = arith.constant 0 : i32
    %dma_start3A_68 = arith.constant 0 : i32
    %dma_start3A_69 = tpu.memref_slice %arg3[%dma_start3A_67, %dma_start3A_68] : memref<8000000x16xf32, #tpu.memory_space<hbm>> -> memref<8000000x16xf32, #tpu.memory_space<hbm>>
    tpu.enqueue_indirect_dma source(%dma_start3A_69 : memref<8000000x16xf32, #tpu.memory_space<hbm>>) target(%dma_start3A_64 : memref<128x16xf32, #tpu.memory_space<vmem>>) offsets(%dma_start3A_66 : memref<128xi32, #tpu.memory_space<vmem>>) semaphore(%arg15 : memref<!tpu.dma_semaphore, #tpu.memory_space<semaphore_mem>>)
    %dma_start3A_70 = arith.constant 512 : i32
    %dma_start3A_71 = arith.constant 0 : i32
    %dma_start3A_72 = tpu.memref_slice %arg6[%dma_start3A_70, %dma_start3A_71] : memref<800x16xf32, #tpu.memory_space<vmem>> -> memref<128x16xf32, #tpu.memory_space<vmem>>
    %dma_start3A_73 = arith.constant 512 : i32
    %dma_start3A_74 = tpu.memref_slice %arg10[%dma_start3A_73] : memref<800xi32, #tpu.memory_space<vmem>> -> memref<128xi32, #tpu.memory_space<vmem>>
    %dma_start3A_75 = arith.constant 0 : i32
    %dma_start3A_76 = arith.constant 0 : i32
    %dma_start3A_77 = tpu.memref_slice %arg3[%dma_start3A_75, %dma_start3A_76] : memref<8000000x16xf32, #tpu.memory_space<hbm>> -> memref<8000000x16xf32, #tpu.memory_space<hbm>>
    tpu.enqueue_indirect_dma source(%dma_start3A_77 : memref<8000000x16xf32, #tpu.memory_space<hbm>>) target(%dma_start3A_72 : memref<128x16xf32, #tpu.memory_space<vmem>>) offsets(%dma_start3A_74 : memref<128xi32, #tpu.memory_space<vmem>>) semaphore(%arg15 : memref<!tpu.dma_semaphore, #tpu.memory_space<semaphore_mem>>)
    %dma_start3A_78 = arith.constant 512 : i32
    %dma_start3A_79 = arith.constant 0 : i32
    %dma_start3A_80 = tpu.memref_slice %arg7[%dma_start3A_78, %dma_start3A_79] : memref<800x16xf32, #tpu.memory_space<vmem>> -> memref<128x16xf32, #tpu.memory_space<vmem>>
    %dma_start3A_81 = arith.constant 512 : i32
    %dma_start3A_82 = tpu.memref_slice %arg11[%dma_start3A_81] : memref<800xi32, #tpu.memory_space<vmem>> -> memref<128xi32, #tpu.memory_space<vmem>>
    %dma_start3A_83 = arith.constant 0 : i32
    %dma_start3A_84 = arith.constant 0 : i32
    %dma_start3A_85 = tpu.memref_slice %arg3[%dma_start3A_83, %dma_start3A_84] : memref<8000000x16xf32, #tpu.memory_space<hbm>> -> memref<8000000x16xf32, #tpu.memory_space<hbm>>
    tpu.enqueue_indirect_dma source(%dma_start3A_85 : memref<8000000x16xf32, #tpu.memory_space<hbm>>) target(%dma_start3A_80 : memref<128x16xf32, #tpu.memory_space<vmem>>) offsets(%dma_start3A_82 : memref<128xi32, #tpu.memory_space<vmem>>) semaphore(%arg15 : memref<!tpu.dma_semaphore, #tpu.memory_space<semaphore_mem>>)
    %dma_start3A_86 = arith.constant 640 : i32
    %dma_start3A_87 = arith.constant 0 : i32
    %dma_start3A_88 = tpu.memref_slice %arg6[%dma_start3A_86, %dma_start3A_87] : memref<800x16xf32, #tpu.memory_space<vmem>> -> memref<128x16xf32, #tpu.memory_space<vmem>>
    %dma_start3A_89 = arith.constant 640 : i32
    %dma_start3A_90 = tpu.memref_slice %arg10[%dma_start3A_89] : memref<800xi32, #tpu.memory_space<vmem>> -> memref<128xi32, #tpu.memory_space<vmem>>
    %dma_start3A_91 = arith.constant 0 : i32
    %dma_start3A_92 = arith.constant 0 : i32
    %dma_start3A_93 = tpu.memref_slice %arg3[%dma_start3A_91, %dma_start3A_92] : memref<8000000x16xf32, #tpu.memory_space<hbm>> -> memref<8000000x16xf32, #tpu.memory_space<hbm>>
    tpu.enqueue_indirect_dma source(%dma_start3A_93 : memref<8000000x16xf32, #tpu.memory_space<hbm>>) target(%dma_start3A_88 : memref<128x16xf32, #tpu.memory_space<vmem>>) offsets(%dma_start3A_90 : memref<128xi32, #tpu.memory_space<vmem>>) semaphore(%arg15 : memref<!tpu.dma_semaphore, #tpu.memory_space<semaphore_mem>>)
    %dma_start3A_94 = arith.constant 640 : i32
    %dma_start3A_95 = arith.constant 0 : i32
    %dma_start3A_96 = tpu.memref_slice %arg7[%dma_start3A_94, %dma_start3A_95] : memref<800x16xf32, #tpu.memory_space<vmem>> -> memref<128x16xf32, #tpu.memory_space<vmem>>
    %dma_start3A_97 = arith.constant 640 : i32
    %dma_start3A_98 = tpu.memref_slice %arg11[%dma_start3A_97] : memref<800xi32, #tpu.memory_space<vmem>> -> memref<128xi32, #tpu.memory_space<vmem>>
    %dma_start3A_99 = arith.constant 0 : i32
    %dma_start3A_100 = arith.constant 0 : i32
    %dma_start3A_101 = tpu.memref_slice %arg3[%dma_start3A_99, %dma_start3A_100] : memref<8000000x16xf32, #tpu.memory_space<hbm>> -> memref<8000000x16xf32, #tpu.memory_space<hbm>>
    tpu.enqueue_indirect_dma source(%dma_start3A_101 : memref<8000000x16xf32, #tpu.memory_space<hbm>>) target(%dma_start3A_96 : memref<128x16xf32, #tpu.memory_space<vmem>>) offsets(%dma_start3A_98 : memref<128xi32, #tpu.memory_space<vmem>>) semaphore(%arg15 : memref<!tpu.dma_semaphore, #tpu.memory_space<semaphore_mem>>)
    %dma_start3A_102 = arith.constant 768 : i32
    %dma_start3A_103 = arith.constant 0 : i32
    %dma_start3A_104 = tpu.memref_slice %arg6[%dma_start3A_102, %dma_start3A_103] : memref<800x16xf32, #tpu.memory_space<vmem>> -> memref<32x16xf32, #tpu.memory_space<vmem>>
    %dma_start3A_105 = arith.constant 768 : i32
    %dma_start3A_106 = tpu.memref_slice %arg10[%dma_start3A_105] : memref<800xi32, #tpu.memory_space<vmem>> -> memref<32xi32, #tpu.memory_space<vmem>>
    %dma_start3A_107 = arith.constant 0 : i32
    %dma_start3A_108 = arith.constant 0 : i32
    %dma_start3A_109 = tpu.memref_slice %arg3[%dma_start3A_107, %dma_start3A_108] : memref<8000000x16xf32, #tpu.memory_space<hbm>> -> memref<8000000x16xf32, #tpu.memory_space<hbm>>
    tpu.enqueue_indirect_dma source(%dma_start3A_109 : memref<8000000x16xf32, #tpu.memory_space<hbm>>) target(%dma_start3A_104 : memref<32x16xf32, #tpu.memory_space<vmem>>) offsets(%dma_start3A_106 : memref<32xi32, #tpu.memory_space<vmem>>) semaphore(%arg15 : memref<!tpu.dma_semaphore, #tpu.memory_space<semaphore_mem>>)
    %dma_start3A_110 = arith.constant 768 : i32
    %dma_start3A_111 = arith.constant 0 : i32
    %dma_start3A_112 = tpu.memref_slice %arg7[%dma_start3A_110, %dma_start3A_111] : memref<800x16xf32, #tpu.memory_space<vmem>> -> memref<32x16xf32, #tpu.memory_space<vmem>>
    %dma_start3A_113 = arith.constant 768 : i32
    %dma_start3A_114 = tpu.memref_slice %arg11[%dma_start3A_113] : memref<800xi32, #tpu.memory_space<vmem>> -> memref<32xi32, #tpu.memory_space<vmem>>
    %dma_start3A_115 = arith.constant 0 : i32
    %dma_start3A_116 = arith.constant 0 : i32
    %dma_start3A_117 = tpu.memref_slice %arg3[%dma_start3A_115, %dma_start3A_116] : memref<8000000x16xf32, #tpu.memory_space<hbm>> -> memref<8000000x16xf32, #tpu.memory_space<hbm>>
    tpu.enqueue_indirect_dma source(%dma_start3A_117 : memref<8000000x16xf32, #tpu.memory_space<hbm>>) target(%dma_start3A_112 : memref<32x16xf32, #tpu.memory_space<vmem>>) offsets(%dma_start3A_114 : memref<32xi32, #tpu.memory_space<vmem>>) semaphore(%arg15 : memref<!tpu.dma_semaphore, #tpu.memory_space<semaphore_mem>>)
    %scan3A_118 = arith.constant 0 : i32
    %scan3A_119 = arith.constant 16 : i32
    %scan3A_120 = arith.addi %scan3A_118, %scan3A_119 : i32
    %scan3A_121 = arith.constant 1 : i32
    scf.for %scan3A_130 = %scan3A_118 to %scan3A_120 step %scan3A_121  : i32 {
      %mul3A_131 = arith.constant 1 : i32
      %mul3A_132 = arith.muli %scan3A_130, %mul3A_131 : i32
      %add3A_133 = arith.constant 0 : i32
      %add3A_134 = arith.addi %add3A_133, %mul3A_132 : i32
      %mul3A_135 = arith.constant 2 : i32
      %mul3A_136 = arith.muli %mul3A_135, %add3A_134 : i32
      %add3A_137 = arith.constant 0 : i32
      %add3A_138 = arith.addi %mul3A_136, %add3A_137 : i32
      %dma_wait3A_139 = arith.constant 0 : i32
      %dma_wait3A_140 = arith.constant 0 : i32
      %dma_wait3A_141 = tpu.memref_slice %arg6[%dma_wait3A_139, %dma_wait3A_140] : memref<800x16xf32, #tpu.memory_space<vmem>> -> memref<128x16xf32, #tpu.memory_space<vmem>>
      %dma_wait3A_142 = arith.constant 0 : i32
      %dma_wait3A_143 = tpu.memref_slice %arg10[%dma_wait3A_142] : memref<800xi32, #tpu.memory_space<vmem>> -> memref<128xi32, #tpu.memory_space<vmem>>
      %dma_wait3A_144 = arith.constant 0 : i32
      %dma_wait3A_145 = arith.constant 0 : i32
      %dma_wait3A_146 = tpu.memref_slice %arg3[%dma_wait3A_144, %dma_wait3A_145] : memref<8000000x16xf32, #tpu.memory_space<hbm>> -> memref<8000000x16xf32, #tpu.memory_space<hbm>>
      tpu.wait_indirect_dma semaphore(%arg15 : memref<!tpu.dma_semaphore, #tpu.memory_space<semaphore_mem>>) src(%dma_wait3A_146 : memref<8000000x16xf32, #tpu.memory_space<hbm>>) dst(%dma_wait3A_141 : memref<128x16xf32, #tpu.memory_space<vmem>>)
      %dma_wait3A_147 = arith.constant 0 : i32
      %dma_wait3A_148 = arith.constant 0 : i32
      %dma_wait3A_149 = tpu.memref_slice %arg7[%dma_wait3A_147, %dma_wait3A_148] : memref<800x16xf32, #tpu.memory_space<vmem>> -> memref<128x16xf32, #tpu.memory_space<vmem>>
      %dma_wait3A_150 = arith.constant 0 : i32
      %dma_wait3A_151 = tpu.memref_slice %arg11[%dma_wait3A_150] : memref<800xi32, #tpu.memory_space<vmem>> -> memref<128xi32, #tpu.memory_space<vmem>>
      %dma_wait3A_152 = arith.constant 0 : i32
      %dma_wait3A_153 = arith.constant 0 : i32
      %dma_wait3A_154 = tpu.memref_slice %arg3[%dma_wait3A_152, %dma_wait3A_153] : memref<8000000x16xf32, #tpu.memory_space<hbm>> -> memref<8000000x16xf32, #tpu.memory_space<hbm>>
      tpu.wait_indirect_dma semaphore(%arg15 : memref<!tpu.dma_semaphore, #tpu.memory_space<semaphore_mem>>) src(%dma_wait3A_154 : memref<8000000x16xf32, #tpu.memory_space<hbm>>) dst(%dma_wait3A_149 : memref<128x16xf32, #tpu.memory_space<vmem>>)
      %dma_wait3A_155 = arith.constant 128 : i32
      %dma_wait3A_156 = arith.constant 0 : i32
      %dma_wait3A_157 = tpu.memref_slice %arg6[%dma_wait3A_155, %dma_wait3A_156] : memref<800x16xf32, #tpu.memory_space<vmem>> -> memref<128x16xf32, #tpu.memory_space<vmem>>
      %dma_wait3A_158 = arith.constant 128 : i32
      %dma_wait3A_159 = tpu.memref_slice %arg10[%dma_wait3A_158] : memref<800xi32, #tpu.memory_space<vmem>> -> memref<128xi32, #tpu.memory_space<vmem>>
      %dma_wait3A_160 = arith.constant 0 : i32
      %dma_wait3A_161 = arith.constant 0 : i32
      %dma_wait3A_162 = tpu.memref_slice %arg3[%dma_wait3A_160, %dma_wait3A_161] : memref<8000000x16xf32, #tpu.memory_space<hbm>> -> memref<8000000x16xf32, #tpu.memory_space<hbm>>
      tpu.wait_indirect_dma semaphore(%arg15 : memref<!tpu.dma_semaphore, #tpu.memory_space<semaphore_mem>>) src(%dma_wait3A_162 : memref<8000000x16xf32, #tpu.memory_space<hbm>>) dst(%dma_wait3A_157 : memref<128x16xf32, #tpu.memory_space<vmem>>)
      %dma_wait3A_163 = arith.constant 128 : i32
      %dma_wait3A_164 = arith.constant 0 : i32
      %dma_wait3A_165 = tpu.memref_slice %arg7[%dma_wait3A_163, %dma_wait3A_164] : memref<800x16xf32, #tpu.memory_space<vmem>> -> memref<128x16xf32, #tpu.memory_space<vmem>>
      %dma_wait3A_166 = arith.constant 128 : i32
      %dma_wait3A_167 = tpu.memref_slice %arg11[%dma_wait3A_166] : memref<800xi32, #tpu.memory_space<vmem>> -> memref<128xi32, #tpu.memory_space<vmem>>
      %dma_wait3A_168 = arith.constant 0 : i32
      %dma_wait3A_169 = arith.constant 0 : i32
      %dma_wait3A_170 = tpu.memref_slice %arg3[%dma_wait3A_168, %dma_wait3A_169] : memref<8000000x16xf32, #tpu.memory_space<hbm>> -> memref<8000000x16xf32, #tpu.memory_space<hbm>>
      tpu.wait_indirect_dma semaphore(%arg15 : memref<!tpu.dma_semaphore, #tpu.memory_space<semaphore_mem>>) src(%dma_wait3A_170 : memref<8000000x16xf32, #tpu.memory_space<hbm>>) dst(%dma_wait3A_165 : memref<128x16xf32, #tpu.memory_space<vmem>>)
      %dma_wait3A_171 = arith.constant 256 : i32
      %dma_wait3A_172 = arith.constant 0 : i32
      %dma_wait3A_173 = tpu.memref_slice %arg6[%dma_wait3A_171, %dma_wait3A_172] : memref<800x16xf32, #tpu.memory_space<vmem>> -> memref<128x16xf32, #tpu.memory_space<vmem>>
      %dma_wait3A_174 = arith.constant 256 : i32
      %dma_wait3A_175 = tpu.memref_slice %arg10[%dma_wait3A_174] : memref<800xi32, #tpu.memory_space<vmem>> -> memref<128xi32, #tpu.memory_space<vmem>>
      %dma_wait3A_176 = arith.constant 0 : i32
      %dma_wait3A_177 = arith.constant 0 : i32
      %dma_wait3A_178 = tpu.memref_slice %arg3[%dma_wait3A_176, %dma_wait3A_177] : memref<8000000x16xf32, #tpu.memory_space<hbm>> -> memref<8000000x16xf32, #tpu.memory_space<hbm>>
      tpu.wait_indirect_dma semaphore(%arg15 : memref<!tpu.dma_semaphore, #tpu.memory_space<semaphore_mem>>) src(%dma_wait3A_178 : memref<8000000x16xf32, #tpu.memory_space<hbm>>) dst(%dma_wait3A_173 : memref<128x16xf32, #tpu.memory_space<vmem>>)
      %dma_wait3A_179 = arith.constant 256 : i32
      %dma_wait3A_180 = arith.constant 0 : i32
      %dma_wait3A_181 = tpu.memref_slice %arg7[%dma_wait3A_179, %dma_wait3A_180] : memref<800x16xf32, #tpu.memory_space<vmem>> -> memref<128x16xf32, #tpu.memory_space<vmem>>
      %dma_wait3A_182 = arith.constant 256 : i32
      %dma_wait3A_183 = tpu.memref_slice %arg11[%dma_wait3A_182] : memref<800xi32, #tpu.memory_space<vmem>> -> memref<128xi32, #tpu.memory_space<vmem>>
      %dma_wait3A_184 = arith.constant 0 : i32
      %dma_wait3A_185 = arith.constant 0 : i32
      %dma_wait3A_186 = tpu.memref_slice %arg3[%dma_wait3A_184, %dma_wait3A_185] : memref<8000000x16xf32, #tpu.memory_space<hbm>> -> memref<8000000x16xf32, #tpu.memory_space<hbm>>
      tpu.wait_indirect_dma semaphore(%arg15 : memref<!tpu.dma_semaphore, #tpu.memory_space<semaphore_mem>>) src(%dma_wait3A_186 : memref<8000000x16xf32, #tpu.memory_space<hbm>>) dst(%dma_wait3A_181 : memref<128x16xf32, #tpu.memory_space<vmem>>)
      %dma_wait3A_187 = arith.constant 384 : i32
      %dma_wait3A_188 = arith.constant 0 : i32
      %dma_wait3A_189 = tpu.memref_slice %arg6[%dma_wait3A_187, %dma_wait3A_188] : memref<800x16xf32, #tpu.memory_space<vmem>> -> memref<128x16xf32, #tpu.memory_space<vmem>>
      %dma_wait3A_190 = arith.constant 384 : i32
      %dma_wait3A_191 = tpu.memref_slice %arg10[%dma_wait3A_190] : memref<800xi32, #tpu.memory_space<vmem>> -> memref<128xi32, #tpu.memory_space<vmem>>
      %dma_wait3A_192 = arith.constant 0 : i32
      %dma_wait3A_193 = arith.constant 0 : i32
      %dma_wait3A_194 = tpu.memref_slice %arg3[%dma_wait3A_192, %dma_wait3A_193] : memref<8000000x16xf32, #tpu.memory_space<hbm>> -> memref<8000000x16xf32, #tpu.memory_space<hbm>>
      tpu.wait_indirect_dma semaphore(%arg15 : memref<!tpu.dma_semaphore, #tpu.memory_space<semaphore_mem>>) src(%dma_wait3A_194 : memref<8000000x16xf32, #tpu.memory_space<hbm>>) dst(%dma_wait3A_189 : memref<128x16xf32, #tpu.memory_space<vmem>>)
      %dma_wait3A_195 = arith.constant 384 : i32
      %dma_wait3A_196 = arith.constant 0 : i32
      %dma_wait3A_197 = tpu.memref_slice %arg7[%dma_wait3A_195, %dma_wait3A_196] : memref<800x16xf32, #tpu.memory_space<vmem>> -> memref<128x16xf32, #tpu.memory_space<vmem>>
      %dma_wait3A_198 = arith.constant 384 : i32
      %dma_wait3A_199 = tpu.memref_slice %arg11[%dma_wait3A_198] : memref<800xi32, #tpu.memory_space<vmem>> -> memref<128xi32, #tpu.memory_space<vmem>>
      %dma_wait3A_200 = arith.constant 0 : i32
      %dma_wait3A_201 = arith.constant 0 : i32
      %dma_wait3A_202 = tpu.memref_slice %arg3[%dma_wait3A_200, %dma_wait3A_201] : memref<8000000x16xf32, #tpu.memory_space<hbm>> -> memref<8000000x16xf32, #tpu.memory_space<hbm>>
      tpu.wait_indirect_dma semaphore(%arg15 : memref<!tpu.dma_semaphore, #tpu.memory_space<semaphore_mem>>) src(%dma_wait3A_202 : memref<8000000x16xf32, #tpu.memory_space<hbm>>) dst(%dma_wait3A_197 : memref<128x16xf32, #tpu.memory_space<vmem>>)
      %dma_wait3A_203 = arith.constant 512 : i32
      %dma_wait3A_204 = arith.constant 0 : i32
      %dma_wait3A_205 = tpu.memref_slice %arg6[%dma_wait3A_203, %dma_wait3A_204] : memref<800x16xf32, #tpu.memory_space<vmem>> -> memref<128x16xf32, #tpu.memory_space<vmem>>
      %dma_wait3A_206 = arith.constant 512 : i32
      %dma_wait3A_207 = tpu.memref_slice %arg10[%dma_wait3A_206] : memref<800xi32, #tpu.memory_space<vmem>> -> memref<128xi32, #tpu.memory_space<vmem>>
      %dma_wait3A_208 = arith.constant 0 : i32
      %dma_wait3A_209 = arith.constant 0 : i32
      %dma_wait3A_210 = tpu.memref_slice %arg3[%dma_wait3A_208, %dma_wait3A_209] : memref<8000000x16xf32, #tpu.memory_space<hbm>> -> memref<8000000x16xf32, #tpu.memory_space<hbm>>
      tpu.wait_indirect_dma semaphore(%arg15 : memref<!tpu.dma_semaphore, #tpu.memory_space<semaphore_mem>>) src(%dma_wait3A_210 : memref<8000000x16xf32, #tpu.memory_space<hbm>>) dst(%dma_wait3A_205 : memref<128x16xf32, #tpu.memory_space<vmem>>)
      %dma_wait3A_211 = arith.constant 512 : i32
      %dma_wait3A_212 = arith.constant 0 : i32
      %dma_wait3A_213 = tpu.memref_slice %arg7[%dma_wait3A_211, %dma_wait3A_212] : memref<800x16xf32, #tpu.memory_space<vmem>> -> memref<128x16xf32, #tpu.memory_space<vmem>>
      %dma_wait3A_214 = arith.constant 512 : i32
      %dma_wait3A_215 = tpu.memref_slice %arg11[%dma_wait3A_214] : memref<800xi32, #tpu.memory_space<vmem>> -> memref<128xi32, #tpu.memory_space<vmem>>
      %dma_wait3A_216 = arith.constant 0 : i32
      %dma_wait3A_217 = arith.constant 0 : i32
      %dma_wait3A_218 = tpu.memref_slice %arg3[%dma_wait3A_216, %dma_wait3A_217] : memref<8000000x16xf32, #tpu.memory_space<hbm>> -> memref<8000000x16xf32, #tpu.memory_space<hbm>>
      tpu.wait_indirect_dma semaphore(%arg15 : memref<!tpu.dma_semaphore, #tpu.memory_space<semaphore_mem>>) src(%dma_wait3A_218 : memref<8000000x16xf32, #tpu.memory_space<hbm>>) dst(%dma_wait3A_213 : memref<128x16xf32, #tpu.memory_space<vmem>>)
      %dma_wait3A_219 = arith.constant 640 : i32
      %dma_wait3A_220 = arith.constant 0 : i32
      %dma_wait3A_221 = tpu.memref_slice %arg6[%dma_wait3A_219, %dma_wait3A_220] : memref<800x16xf32, #tpu.memory_space<vmem>> -> memref<128x16xf32, #tpu.memory_space<vmem>>
      %dma_wait3A_222 = arith.constant 640 : i32
      %dma_wait3A_223 = tpu.memref_slice %arg10[%dma_wait3A_222] : memref<800xi32, #tpu.memory_space<vmem>> -> memref<128xi32, #tpu.memory_space<vmem>>
      %dma_wait3A_224 = arith.constant 0 : i32
      %dma_wait3A_225 = arith.constant 0 : i32
      %dma_wait3A_226 = tpu.memref_slice %arg3[%dma_wait3A_224, %dma_wait3A_225] : memref<8000000x16xf32, #tpu.memory_space<hbm>> -> memref<8000000x16xf32, #tpu.memory_space<hbm>>
      tpu.wait_indirect_dma semaphore(%arg15 : memref<!tpu.dma_semaphore, #tpu.memory_space<semaphore_mem>>) src(%dma_wait3A_226 : memref<8000000x16xf32, #tpu.memory_space<hbm>>) dst(%dma_wait3A_221 : memref<128x16xf32, #tpu.memory_space<vmem>>)
      %dma_wait3A_227 = arith.constant 640 : i32
      %dma_wait3A_228 = arith.constant 0 : i32
      %dma_wait3A_229 = tpu.memref_slice %arg7[%dma_wait3A_227, %dma_wait3A_228] : memref<800x16xf32, #tpu.memory_space<vmem>> -> memref<128x16xf32, #tpu.memory_space<vmem>>
      %dma_wait3A_230 = arith.constant 640 : i32
      %dma_wait3A_231 = tpu.memref_slice %arg11[%dma_wait3A_230] : memref<800xi32, #tpu.memory_space<vmem>> -> memref<128xi32, #tpu.memory_space<vmem>>
      %dma_wait3A_232 = arith.constant 0 : i32
      %dma_wait3A_233 = arith.constant 0 : i32
      %dma_wait3A_234 = tpu.memref_slice %arg3[%dma_wait3A_232, %dma_wait3A_233] : memref<8000000x16xf32, #tpu.memory_space<hbm>> -> memref<8000000x16xf32, #tpu.memory_space<hbm>>
      tpu.wait_indirect_dma semaphore(%arg15 : memref<!tpu.dma_semaphore, #tpu.memory_space<semaphore_mem>>) src(%dma_wait3A_234 : memref<8000000x16xf32, #tpu.memory_space<hbm>>) dst(%dma_wait3A_229 : memref<128x16xf32, #tpu.memory_space<vmem>>)
      %dma_wait3A_235 = arith.constant 768 : i32
      %dma_wait3A_236 = arith.constant 0 : i32
      %dma_wait3A_237 = tpu.memref_slice %arg6[%dma_wait3A_235, %dma_wait3A_236] : memref<800x16xf32, #tpu.memory_space<vmem>> -> memref<32x16xf32, #tpu.memory_space<vmem>>
      %dma_wait3A_238 = arith.constant 768 : i32
      %dma_wait3A_239 = tpu.memref_slice %arg10[%dma_wait3A_238] : memref<800xi32, #tpu.memory_space<vmem>> -> memref<32xi32, #tpu.memory_space<vmem>>
      %dma_wait3A_240 = arith.constant 0 : i32
      %dma_wait3A_241 = arith.constant 0 : i32
      %dma_wait3A_242 = tpu.memref_slice %arg3[%dma_wait3A_240, %dma_wait3A_241] : memref<8000000x16xf32, #tpu.memory_space<hbm>> -> memref<8000000x16xf32, #tpu.memory_space<hbm>>
      tpu.wait_indirect_dma semaphore(%arg15 : memref<!tpu.dma_semaphore, #tpu.memory_space<semaphore_mem>>) src(%dma_wait3A_242 : memref<8000000x16xf32, #tpu.memory_space<hbm>>) dst(%dma_wait3A_237 : memref<32x16xf32, #tpu.memory_space<vmem>>)
      %dma_wait3A_243 = arith.constant 768 : i32
      %dma_wait3A_244 = arith.constant 0 : i32
      %dma_wait3A_245 = tpu.memref_slice %arg7[%dma_wait3A_243, %dma_wait3A_244] : memref<800x16xf32, #tpu.memory_space<vmem>> -> memref<32x16xf32, #tpu.memory_space<vmem>>
      %dma_wait3A_246 = arith.constant 768 : i32
      %dma_wait3A_247 = tpu.memref_slice %arg11[%dma_wait3A_246] : memref<800xi32, #tpu.memory_space<vmem>> -> memref<32xi32, #tpu.memory_space<vmem>>
      %dma_wait3A_248 = arith.constant 0 : i32
      %dma_wait3A_249 = arith.constant 0 : i32
      %dma_wait3A_250 = tpu.memref_slice %arg3[%dma_wait3A_248, %dma_wait3A_249] : memref<8000000x16xf32, #tpu.memory_space<hbm>> -> memref<8000000x16xf32, #tpu.memory_space<hbm>>
      tpu.wait_indirect_dma semaphore(%arg15 : memref<!tpu.dma_semaphore, #tpu.memory_space<semaphore_mem>>) src(%dma_wait3A_250 : memref<8000000x16xf32, #tpu.memory_space<hbm>>) dst(%dma_wait3A_245 : memref<32x16xf32, #tpu.memory_space<vmem>>)
      %add3A_251 = arith.constant 1 : i32
      %add3A_252 = arith.addi %add3A_138, %add3A_251 : i32
      %lt3A = arith.constant 32 : i32
      %lt3A_253 = arith.cmpi slt, %add3A_252, %lt3A : i32
      %convert_element_type3A = arith.extui %lt3A_253 : i1 to i32
      %cond3A = arith.constant 0 : i32
      %cond3A_254 = arith.cmpi ne, %convert_element_type3A, %cond3A : i32
      scf.if %cond3A_254 {
        %add3A_415 = arith.constant 1 : i32
        %add3A_416 = arith.addi %add3A_138, %add3A_415 : i32
        %scan3A_417 = arith.constant 0 : i32
        %scan3A_418 = arith.constant 50 : i32
        %scan3A_419 = arith.addi %scan3A_417, %scan3A_418 : i32
        %scan3A_420 = arith.constant 5 : i32
        scf.for %scan3A_536 = %scan3A_417 to %scan3A_419 step %scan3A_420  : i32 {
          %mul3A_537 = arith.constant 1 : i32
          %mul3A_538 = arith.muli %scan3A_536, %mul3A_537 : i32
          %add3A_539 = arith.constant 0 : i32
          %add3A_540 = arith.addi %add3A_539, %mul3A_538 : i32
          %mul3A_541 = arith.constant 800 : i32
          %mul3A_542 = arith.muli %add3A_416, %mul3A_541 : i32
          %mul3A_543 = arith.constant 16 : i32
          %mul3A_544 = arith.muli %add3A_540, %mul3A_543 : i32
          %add3A_545 = arith.addi %mul3A_542, %mul3A_544 : i32
          %get3A = arith.index_cast %add3A_545 : i32 to index
          %get3A_546 = tpu.vector_load %arg5[%get3A] {strides = array<i32>} : memref<25600xi32, #tpu.memory_space<vmem>>, vector<16xi32>,
          %get3A_547 = vector.shape_cast %get3A_546 : vector<16xi32> to vector<16xi32>
          %mul3A_548 = arith.constant 8 : i32
          %mul3A_549 = vector.broadcast %mul3A_548 : i32 to vector<16xi32>
          %mul3A_550 = arith.muli %get3A_547, %mul3A_549 : vector<16xi32>
          %mul3A_551 = arith.constant 16 : i32
          %mul3A_552 = arith.muli %add3A_540, %mul3A_551 : i32
          %swap3A = arith.index_cast %mul3A_552 : i32 to index
          %swap3A_553 = tpu.vector_load %arg12[%swap3A] {strides = array<i32>} : memref<800xi32, #tpu.memory_space<vmem>>, vector<16xi32>,
          %swap3A_554 = vector.shape_cast %swap3A_553 : vector<16xi32> to vector<16xi32>
          %swap3A_555 = vector.shape_cast %mul3A_550 : vector<16xi32> to vector<16xi32>
          tpu.vector_store %arg12[%swap3A], %swap3A_555 {strides = array<i32>} : memref<800xi32, #tpu.memory_space<vmem>>, vector<16xi32>,
          %add3A_556 = arith.constant 1 : i32
          %add3A_557 = vector.broadcast %add3A_556 : i32 to vector<16xi32>
          %add3A_558 = arith.addi %mul3A_550, %add3A_557 : vector<16xi32>
          %mul3A_559 = arith.constant 16 : i32
          %mul3A_560 = arith.muli %add3A_540, %mul3A_559 : i32
          %swap3A_561 = arith.index_cast %mul3A_560 : i32 to index
          %swap3A_562 = tpu.vector_load %arg13[%swap3A_561] {strides = array<i32>} : memref<800xi32, #tpu.memory_space<vmem>>, vector<16xi32>,
          %swap3A_563 = vector.shape_cast %swap3A_562 : vector<16xi32> to vector<16xi32>
          %swap3A_564 = vector.shape_cast %add3A_558 : vector<16xi32> to vector<16xi32>
          tpu.vector_store %arg13[%swap3A_561], %swap3A_564 {strides = array<i32>} : memref<800xi32, #tpu.memory_space<vmem>>, vector<16xi32>,
          %scan3A_565 = arith.constant 1 : i32
          %scan3A_566 = arith.addi %scan3A_536, %scan3A_565 : i32
          %mul3A_567 = arith.constant 1 : i32
          %mul3A_568 = arith.muli %scan3A_566, %mul3A_567 : i32
          %add3A_569 = arith.constant 0 : i32
          %add3A_570 = arith.addi %add3A_569, %mul3A_568 : i32
          %mul3A_571 = arith.constant 800 : i32
          %mul3A_572 = arith.muli %add3A_416, %mul3A_571 : i32
          %mul3A_573 = arith.constant 16 : i32
          %mul3A_574 = arith.muli %add3A_570, %mul3A_573 : i32
          %add3A_575 = arith.addi %mul3A_572, %mul3A_574 : i32
          %get3A_576 = arith.index_cast %add3A_575 : i32 to index
          %get3A_577 = tpu.vector_load %arg5[%get3A_576] {strides = array<i32>} : memref<25600xi32, #tpu.memory_space<vmem>>, vector<16xi32>,
          %get3A_578 = vector.shape_cast %get3A_577 : vector<16xi32> to vector<16xi32>
          %mul3A_579 = arith.constant 8 : i32
          %mul3A_580 = vector.broadcast %mul3A_579 : i32 to vector<16xi32>
          %mul3A_581 = arith.muli %get3A_578, %mul3A_580 : vector<16xi32>
          %mul3A_582 = arith.constant 16 : i32
          %mul3A_583 = arith.muli %add3A_570, %mul3A_582 : i32
          %swap3A_584 = arith.index_cast %mul3A_583 : i32 to index
          %swap3A_585 = tpu.vector_load %arg12[%swap3A_584] {strides = array<i32>} : memref<800xi32, #tpu.memory_space<vmem>>, vector<16xi32>,
          %swap3A_586 = vector.shape_cast %swap3A_585 : vector<16xi32> to vector<16xi32>
          %swap3A_587 = vector.shape_cast %mul3A_581 : vector<16xi32> to vector<16xi32>
          tpu.vector_store %arg12[%swap3A_584], %swap3A_587 {strides = array<i32>} : memref<800xi32, #tpu.memory_space<vmem>>, vector<16xi32>,
          %add3A_588 = arith.constant 1 : i32
          %add3A_589 = vector.broadcast %add3A_588 : i32 to vector<16xi32>
          %add3A_590 = arith.addi %mul3A_581, %add3A_589 : vector<16xi32>
          %mul3A_591 = arith.constant 16 : i32
          %mul3A_592 = arith.muli %add3A_570, %mul3A_591 : i32
          %swap3A_593 = arith.index_cast %mul3A_592 : i32 to index
          %swap3A_594 = tpu.vector_load %arg13[%swap3A_593] {strides = array<i32>} : memref<800xi32, #tpu.memory_space<vmem>>, vector<16xi32>,
          %swap3A_595 = vector.shape_cast %swap3A_594 : vector<16xi32> to vector<16xi32>
          %swap3A_596 = vector.shape_cast %add3A_590 : vector<16xi32> to vector<16xi32>
          tpu.vector_store %arg13[%swap3A_593], %swap3A_596 {strides = array<i32>} : memref<800xi32, #tpu.memory_space<vmem>>, vector<16xi32>,
          %scan3A_597 = arith.constant 2 : i32
          %scan3A_598 = arith.addi %scan3A_536, %scan3A_597 : i32
          %mul3A_599 = arith.constant 1 : i32
          %mul3A_600 = arith.muli %scan3A_598, %mul3A_599 : i32
          %add3A_601 = arith.constant 0 : i32
          %add3A_602 = arith.addi %add3A_601, %mul3A_600 : i32
          %mul3A_603 = arith.constant 800 : i32
          %mul3A_604 = arith.muli %add3A_416, %mul3A_603 : i32
          %mul3A_605 = arith.constant 16 : i32
          %mul3A_606 = arith.muli %add3A_602, %mul3A_605 : i32
          %add3A_607 = arith.addi %mul3A_604, %mul3A_606 : i32
          %get3A_608 = arith.index_cast %add3A_607 : i32 to index
          %get3A_609 = tpu.vector_load %arg5[%get3A_608] {strides = array<i32>} : memref<25600xi32, #tpu.memory_space<vmem>>, vector<16xi32>,
          %get3A_610 = vector.shape_cast %get3A_609 : vector<16xi32> to vector<16xi32>
          %mul3A_611 = arith.constant 8 : i32
          %mul3A_612 = vector.broadcast %mul3A_611 : i32 to vector<16xi32>
          %mul3A_613 = arith.muli %get3A_610, %mul3A_612 : vector<16xi32>
          %mul3A_614 = arith.constant 16 : i32
          %mul3A_615 = arith.muli %add3A_602, %mul3A_614 : i32
          %swap3A_616 = arith.index_cast %mul3A_615 : i32 to index
          %swap3A_617 = tpu.vector_load %arg12[%swap3A_616] {strides = array<i32>} : memref<800xi32, #tpu.memory_space<vmem>>, vector<16xi32>,
          %swap3A_618 = vector.shape_cast %swap3A_617 : vector<16xi32> to vector<16xi32>
          %swap3A_619 = vector.shape_cast %mul3A_613 : vector<16xi32> to vector<16xi32>
          tpu.vector_store %arg12[%swap3A_616], %swap3A_619 {strides = array<i32>} : memref<800xi32, #tpu.memory_space<vmem>>, vector<16xi32>,
          %add3A_620 = arith.constant 1 : i32
          %add3A_621 = vector.broadcast %add3A_620 : i32 to vector<16xi32>
          %add3A_622 = arith.addi %mul3A_613, %add3A_621 : vector<16xi32>
          %mul3A_623 = arith.constant 16 : i32
          %mul3A_624 = arith.muli %add3A_602, %mul3A_623 : i32
          %swap3A_625 = arith.index_cast %mul3A_624 : i32 to index
          %swap3A_626 = tpu.vector_load %arg13[%swap3A_625] {strides = array<i32>} : memref<800xi32, #tpu.memory_space<vmem>>, vector<16xi32>,
          %swap3A_627 = vector.shape_cast %swap3A_626 : vector<16xi32> to vector<16xi32>
          %swap3A_628 = vector.shape_cast %add3A_622 : vector<16xi32> to vector<16xi32>
          tpu.vector_store %arg13[%swap3A_625], %swap3A_628 {strides = array<i32>} : memref<800xi32, #tpu.memory_space<vmem>>, vector<16xi32>,
          %scan3A_629 = arith.constant 3 : i32
          %scan3A_630 = arith.addi %scan3A_536, %scan3A_629 : i32
          %mul3A_631 = arith.constant 1 : i32
          %mul3A_632 = arith.muli %scan3A_630, %mul3A_631 : i32
          %add3A_633 = arith.constant 0 : i32
          %add3A_634 = arith.addi %add3A_633, %mul3A_632 : i32
          %mul3A_635 = arith.constant 800 : i32
          %mul3A_636 = arith.muli %add3A_416, %mul3A_635 : i32
          %mul3A_637 = arith.constant 16 : i32
          %mul3A_638 = arith.muli %add3A_634, %mul3A_637 : i32
          %add3A_639 = arith.addi %mul3A_636, %mul3A_638 : i32
          %get3A_640 = arith.index_cast %add3A_639 : i32 to index
          %get3A_641 = tpu.vector_load %arg5[%get3A_640] {strides = array<i32>} : memref<25600xi32, #tpu.memory_space<vmem>>, vector<16xi32>,
          %get3A_642 = vector.shape_cast %get3A_641 : vector<16xi32> to vector<16xi32>
          %mul3A_643 = arith.constant 8 : i32
          %mul3A_644 = vector.broadcast %mul3A_643 : i32 to vector<16xi32>
          %mul3A_645 = arith.muli %get3A_642, %mul3A_644 : vector<16xi32>
          %mul3A_646 = arith.constant 16 : i32
          %mul3A_647 = arith.muli %add3A_634, %mul3A_646 : i32
          %swap3A_648 = arith.index_cast %mul3A_647 : i32 to index
          %swap3A_649 = tpu.vector_load %arg12[%swap3A_648] {strides = array<i32>} : memref<800xi32, #tpu.memory_space<vmem>>, vector<16xi32>,
          %swap3A_650 = vector.shape_cast %swap3A_649 : vector<16xi32> to vector<16xi32>
          %swap3A_651 = vector.shape_cast %mul3A_645 : vector<16xi32> to vector<16xi32>
          tpu.vector_store %arg12[%swap3A_648], %swap3A_651 {strides = array<i32>} : memref<800xi32, #tpu.memory_space<vmem>>, vector<16xi32>,
          %add3A_652 = arith.constant 1 : i32
          %add3A_653 = vector.broadcast %add3A_652 : i32 to vector<16xi32>
          %add3A_654 = arith.addi %mul3A_645, %add3A_653 : vector<16xi32>
          %mul3A_655 = arith.constant 16 : i32
          %mul3A_656 = arith.muli %add3A_634, %mul3A_655 : i32
          %swap3A_657 = arith.index_cast %mul3A_656 : i32 to index
          %swap3A_658 = tpu.vector_load %arg13[%swap3A_657] {strides = array<i32>} : memref<800xi32, #tpu.memory_space<vmem>>, vector<16xi32>,
          %swap3A_659 = vector.shape_cast %swap3A_658 : vector<16xi32> to vector<16xi32>
          %swap3A_660 = vector.shape_cast %add3A_654 : vector<16xi32> to vector<16xi32>
          tpu.vector_store %arg13[%swap3A_657], %swap3A_660 {strides = array<i32>} : memref<800xi32, #tpu.memory_space<vmem>>, vector<16xi32>,
          %scan3A_661 = arith.constant 4 : i32
          %scan3A_662 = arith.addi %scan3A_536, %scan3A_661 : i32
          %mul3A_663 = arith.constant 1 : i32
          %mul3A_664 = arith.muli %scan3A_662, %mul3A_663 : i32
          %add3A_665 = arith.constant 0 : i32
          %add3A_666 = arith.addi %add3A_665, %mul3A_664 : i32
          %mul3A_667 = arith.constant 800 : i32
          %mul3A_668 = arith.muli %add3A_416, %mul3A_667 : i32
          %mul3A_669 = arith.constant 16 : i32
          %mul3A_670 = arith.muli %add3A_666, %mul3A_669 : i32
          %add3A_671 = arith.addi %mul3A_668, %mul3A_670 : i32
          %get3A_672 = arith.index_cast %add3A_671 : i32 to index
          %get3A_673 = tpu.vector_load %arg5[%get3A_672] {strides = array<i32>} : memref<25600xi32, #tpu.memory_space<vmem>>, vector<16xi32>,
          %get3A_674 = vector.shape_cast %get3A_673 : vector<16xi32> to vector<16xi32>
          %mul3A_675 = arith.constant 8 : i32
          %mul3A_676 = vector.broadcast %mul3A_675 : i32 to vector<16xi32>
          %mul3A_677 = arith.muli %get3A_674, %mul3A_676 : vector<16xi32>
          %mul3A_678 = arith.constant 16 : i32
          %mul3A_679 = arith.muli %add3A_666, %mul3A_678 : i32
          %swap3A_680 = arith.index_cast %mul3A_679 : i32 to index
          %swap3A_681 = tpu.vector_load %arg12[%swap3A_680] {strides = array<i32>} : memref<800xi32, #tpu.memory_space<vmem>>, vector<16xi32>,
          %swap3A_682 = vector.shape_cast %swap3A_681 : vector<16xi32> to vector<16xi32>
          %swap3A_683 = vector.shape_cast %mul3A_677 : vector<16xi32> to vector<16xi32>
          tpu.vector_store %arg12[%swap3A_680], %swap3A_683 {strides = array<i32>} : memref<800xi32, #tpu.memory_space<vmem>>, vector<16xi32>,
          %add3A_684 = arith.constant 1 : i32
          %add3A_685 = vector.broadcast %add3A_684 : i32 to vector<16xi32>
          %add3A_686 = arith.addi %mul3A_677, %add3A_685 : vector<16xi32>
          %mul3A_687 = arith.constant 16 : i32
          %mul3A_688 = arith.muli %add3A_666, %mul3A_687 : i32
          %swap3A_689 = arith.index_cast %mul3A_688 : i32 to index
          %swap3A_690 = tpu.vector_load %arg13[%swap3A_689] {strides = array<i32>} : memref<800xi32, #tpu.memory_space<vmem>>, vector<16xi32>,
          %swap3A_691 = vector.shape_cast %swap3A_690 : vector<16xi32> to vector<16xi32>
          %swap3A_692 = vector.shape_cast %add3A_686 : vector<16xi32> to vector<16xi32>
          tpu.vector_store %arg13[%swap3A_689], %swap3A_692 {strides = array<i32>} : memref<800xi32, #tpu.memory_space<vmem>>, vector<16xi32>,
        }
        %scan3A_421 = arith.constant 50 : i32
        %add3A_422 = arith.constant 1 : i32
        %add3A_423 = arith.addi %add3A_138, %add3A_422 : i32
        %dma_start3A_424 = arith.constant 0 : i32
        %dma_start3A_425 = arith.constant 0 : i32
        %dma_start3A_426 = tpu.memref_slice %arg8[%dma_start3A_424, %dma_start3A_425] : memref<800x16xf32, #tpu.memory_space<vmem>> -> memref<128x16xf32, #tpu.memory_space<vmem>>
        %dma_start3A_427 = arith.constant 0 : i32
        %dma_start3A_428 = tpu.memref_slice %arg12[%dma_start3A_427] : memref<800xi32, #tpu.memory_space<vmem>> -> memref<128xi32, #tpu.memory_space<vmem>>
        %dma_start3A_429 = arith.constant 0 : i32
        %dma_start3A_430 = arith.constant 0 : i32
        %dma_start3A_431 = tpu.memref_slice %arg3[%dma_start3A_429, %dma_start3A_430] : memref<8000000x16xf32, #tpu.memory_space<hbm>> -> memref<8000000x16xf32, #tpu.memory_space<hbm>>
        tpu.enqueue_indirect_dma source(%dma_start3A_431 : memref<8000000x16xf32, #tpu.memory_space<hbm>>) target(%dma_start3A_426 : memref<128x16xf32, #tpu.memory_space<vmem>>) offsets(%dma_start3A_428 : memref<128xi32, #tpu.memory_space<vmem>>) semaphore(%arg16 : memref<!tpu.dma_semaphore, #tpu.memory_space<semaphore_mem>>)
        %dma_start3A_432 = arith.constant 0 : i32
        %dma_start3A_433 = arith.constant 0 : i32
        %dma_start3A_434 = tpu.memref_slice %arg9[%dma_start3A_432, %dma_start3A_433] : memref<800x16xf32, #tpu.memory_space<vmem>> -> memref<128x16xf32, #tpu.memory_space<vmem>>
        %dma_start3A_435 = arith.constant 0 : i32
        %dma_start3A_436 = tpu.memref_slice %arg13[%dma_start3A_435] : memref<800xi32, #tpu.memory_space<vmem>> -> memref<128xi32, #tpu.memory_space<vmem>>
        %dma_start3A_437 = arith.constant 0 : i32
        %dma_start3A_438 = arith.constant 0 : i32
        %dma_start3A_439 = tpu.memref_slice %arg3[%dma_start3A_437, %dma_start3A_438] : memref<8000000x16xf32, #tpu.memory_space<hbm>> -> memref<8000000x16xf32, #tpu.memory_space<hbm>>
        tpu.enqueue_indirect_dma source(%dma_start3A_439 : memref<8000000x16xf32, #tpu.memory_space<hbm>>) target(%dma_start3A_434 : memref<128x16xf32, #tpu.memory_space<vmem>>) offsets(%dma_start3A_436 : memref<128xi32, #tpu.memory_space<vmem>>) semaphore(%arg16 : memref<!tpu.dma_semaphore, #tpu.memory_space<semaphore_mem>>)
        %dma_start3A_440 = arith.constant 128 : i32
        %dma_start3A_441 = arith.constant 0 : i32
        %dma_start3A_442 = tpu.memref_slice %arg8[%dma_start3A_440, %dma_start3A_441] : memref<800x16xf32, #tpu.memory_space<vmem>> -> memref<128x16xf32, #tpu.memory_space<vmem>>
        %dma_start3A_443 = arith.constant 128 : i32
        %dma_start3A_444 = tpu.memref_slice %arg12[%dma_start3A_443] : memref<800xi32, #tpu.memory_space<vmem>> -> memref<128xi32, #tpu.memory_space<vmem>>
        %dma_start3A_445 = arith.constant 0 : i32
        %dma_start3A_446 = arith.constant 0 : i32
        %dma_start3A_447 = tpu.memref_slice %arg3[%dma_start3A_445, %dma_start3A_446] : memref<8000000x16xf32, #tpu.memory_space<hbm>> -> memref<8000000x16xf32, #tpu.memory_space<hbm>>
        tpu.enqueue_indirect_dma source(%dma_start3A_447 : memref<8000000x16xf32, #tpu.memory_space<hbm>>) target(%dma_start3A_442 : memref<128x16xf32, #tpu.memory_space<vmem>>) offsets(%dma_start3A_444 : memref<128xi32, #tpu.memory_space<vmem>>) semaphore(%arg16 : memref<!tpu.dma_semaphore, #tpu.memory_space<semaphore_mem>>)
        %dma_start3A_448 = arith.constant 128 : i32
        %dma_start3A_449 = arith.constant 0 : i32
        %dma_start3A_450 = tpu.memref_slice %arg9[%dma_start3A_448, %dma_start3A_449] : memref<800x16xf32, #tpu.memory_space<vmem>> -> memref<128x16xf32, #tpu.memory_space<vmem>>
        %dma_start3A_451 = arith.constant 128 : i32
        %dma_start3A_452 = tpu.memref_slice %arg13[%dma_start3A_451] : memref<800xi32, #tpu.memory_space<vmem>> -> memref<128xi32, #tpu.memory_space<vmem>>
        %dma_start3A_453 = arith.constant 0 : i32
        %dma_start3A_454 = arith.constant 0 : i32
        %dma_start3A_455 = tpu.memref_slice %arg3[%dma_start3A_453, %dma_start3A_454] : memref<8000000x16xf32, #tpu.memory_space<hbm>> -> memref<8000000x16xf32, #tpu.memory_space<hbm>>
        tpu.enqueue_indirect_dma source(%dma_start3A_455 : memref<8000000x16xf32, #tpu.memory_space<hbm>>) target(%dma_start3A_450 : memref<128x16xf32, #tpu.memory_space<vmem>>) offsets(%dma_start3A_452 : memref<128xi32, #tpu.memory_space<vmem>>) semaphore(%arg16 : memref<!tpu.dma_semaphore, #tpu.memory_space<semaphore_mem>>)
        %dma_start3A_456 = arith.constant 256 : i32
        %dma_start3A_457 = arith.constant 0 : i32
        %dma_start3A_458 = tpu.memref_slice %arg8[%dma_start3A_456, %dma_start3A_457] : memref<800x16xf32, #tpu.memory_space<vmem>> -> memref<128x16xf32, #tpu.memory_space<vmem>>
        %dma_start3A_459 = arith.constant 256 : i32
        %dma_start3A_460 = tpu.memref_slice %arg12[%dma_start3A_459] : memref<800xi32, #tpu.memory_space<vmem>> -> memref<128xi32, #tpu.memory_space<vmem>>
        %dma_start3A_461 = arith.constant 0 : i32
        %dma_start3A_462 = arith.constant 0 : i32
        %dma_start3A_463 = tpu.memref_slice %arg3[%dma_start3A_461, %dma_start3A_462] : memref<8000000x16xf32, #tpu.memory_space<hbm>> -> memref<8000000x16xf32, #tpu.memory_space<hbm>>
        tpu.enqueue_indirect_dma source(%dma_start3A_463 : memref<8000000x16xf32, #tpu.memory_space<hbm>>) target(%dma_start3A_458 : memref<128x16xf32, #tpu.memory_space<vmem>>) offsets(%dma_start3A_460 : memref<128xi32, #tpu.memory_space<vmem>>) semaphore(%arg16 : memref<!tpu.dma_semaphore, #tpu.memory_space<semaphore_mem>>)
        %dma_start3A_464 = arith.constant 256 : i32
        %dma_start3A_465 = arith.constant 0 : i32
        %dma_start3A_466 = tpu.memref_slice %arg9[%dma_start3A_464, %dma_start3A_465] : memref<800x16xf32, #tpu.memory_space<vmem>> -> memref<128x16xf32, #tpu.memory_space<vmem>>
        %dma_start3A_467 = arith.constant 256 : i32
        %dma_start3A_468 = tpu.memref_slice %arg13[%dma_start3A_467] : memref<800xi32, #tpu.memory_space<vmem>> -> memref<128xi32, #tpu.memory_space<vmem>>
        %dma_start3A_469 = arith.constant 0 : i32
        %dma_start3A_470 = arith.constant 0 : i32
        %dma_start3A_471 = tpu.memref_slice %arg3[%dma_start3A_469, %dma_start3A_470] : memref<8000000x16xf32, #tpu.memory_space<hbm>> -> memref<8000000x16xf32, #tpu.memory_space<hbm>>
        tpu.enqueue_indirect_dma source(%dma_start3A_471 : memref<8000000x16xf32, #tpu.memory_space<hbm>>) target(%dma_start3A_466 : memref<128x16xf32, #tpu.memory_space<vmem>>) offsets(%dma_start3A_468 : memref<128xi32, #tpu.memory_space<vmem>>) semaphore(%arg16 : memref<!tpu.dma_semaphore, #tpu.memory_space<semaphore_mem>>)
        %dma_start3A_472 = arith.constant 384 : i32
        %dma_start3A_473 = arith.constant 0 : i32
        %dma_start3A_474 = tpu.memref_slice %arg8[%dma_start3A_472, %dma_start3A_473] : memref<800x16xf32, #tpu.memory_space<vmem>> -> memref<128x16xf32, #tpu.memory_space<vmem>>
        %dma_start3A_475 = arith.constant 384 : i32
        %dma_start3A_476 = tpu.memref_slice %arg12[%dma_start3A_475] : memref<800xi32, #tpu.memory_space<vmem>> -> memref<128xi32, #tpu.memory_space<vmem>>
        %dma_start3A_477 = arith.constant 0 : i32
        %dma_start3A_478 = arith.constant 0 : i32
        %dma_start3A_479 = tpu.memref_slice %arg3[%dma_start3A_477, %dma_start3A_478] : memref<8000000x16xf32, #tpu.memory_space<hbm>> -> memref<8000000x16xf32, #tpu.memory_space<hbm>>
        tpu.enqueue_indirect_dma source(%dma_start3A_479 : memref<8000000x16xf32, #tpu.memory_space<hbm>>) target(%dma_start3A_474 : memref<128x16xf32, #tpu.memory_space<vmem>>) offsets(%dma_start3A_476 : memref<128xi32, #tpu.memory_space<vmem>>) semaphore(%arg16 : memref<!tpu.dma_semaphore, #tpu.memory_space<semaphore_mem>>)
        %dma_start3A_480 = arith.constant 384 : i32
        %dma_start3A_481 = arith.constant 0 : i32
        %dma_start3A_482 = tpu.memref_slice %arg9[%dma_start3A_480, %dma_start3A_481] : memref<800x16xf32, #tpu.memory_space<vmem>> -> memref<128x16xf32, #tpu.memory_space<vmem>>
        %dma_start3A_483 = arith.constant 384 : i32
        %dma_start3A_484 = tpu.memref_slice %arg13[%dma_start3A_483] : memref<800xi32, #tpu.memory_space<vmem>> -> memref<128xi32, #tpu.memory_space<vmem>>
        %dma_start3A_485 = arith.constant 0 : i32
        %dma_start3A_486 = arith.constant 0 : i32
        %dma_start3A_487 = tpu.memref_slice %arg3[%dma_start3A_485, %dma_start3A_486] : memref<8000000x16xf32, #tpu.memory_space<hbm>> -> memref<8000000x16xf32, #tpu.memory_space<hbm>>
        tpu.enqueue_indirect_dma source(%dma_start3A_487 : memref<8000000x16xf32, #tpu.memory_space<hbm>>) target(%dma_start3A_482 : memref<128x16xf32, #tpu.memory_space<vmem>>) offsets(%dma_start3A_484 : memref<128xi32, #tpu.memory_space<vmem>>) semaphore(%arg16 : memref<!tpu.dma_semaphore, #tpu.memory_space<semaphore_mem>>)
        %dma_start3A_488 = arith.constant 512 : i32
        %dma_start3A_489 = arith.constant 0 : i32
        %dma_start3A_490 = tpu.memref_slice %arg8[%dma_start3A_488, %dma_start3A_489] : memref<800x16xf32, #tpu.memory_space<vmem>> -> memref<128x16xf32, #tpu.memory_space<vmem>>
        %dma_start3A_491 = arith.constant 512 : i32
        %dma_start3A_492 = tpu.memref_slice %arg12[%dma_start3A_491] : memref<800xi32, #tpu.memory_space<vmem>> -> memref<128xi32, #tpu.memory_space<vmem>>
        %dma_start3A_493 = arith.constant 0 : i32
        %dma_start3A_494 = arith.constant 0 : i32
        %dma_start3A_495 = tpu.memref_slice %arg3[%dma_start3A_493, %dma_start3A_494] : memref<8000000x16xf32, #tpu.memory_space<hbm>> -> memref<8000000x16xf32, #tpu.memory_space<hbm>>
        tpu.enqueue_indirect_dma source(%dma_start3A_495 : memref<8000000x16xf32, #tpu.memory_space<hbm>>) target(%dma_start3A_490 : memref<128x16xf32, #tpu.memory_space<vmem>>) offsets(%dma_start3A_492 : memref<128xi32, #tpu.memory_space<vmem>>) semaphore(%arg16 : memref<!tpu.dma_semaphore, #tpu.memory_space<semaphore_mem>>)
        %dma_start3A_496 = arith.constant 512 : i32
        %dma_start3A_497 = arith.constant 0 : i32
        %dma_start3A_498 = tpu.memref_slice %arg9[%dma_start3A_496, %dma_start3A_497] : memref<800x16xf32, #tpu.memory_space<vmem>> -> memref<128x16xf32, #tpu.memory_space<vmem>>
        %dma_start3A_499 = arith.constant 512 : i32
        %dma_start3A_500 = tpu.memref_slice %arg13[%dma_start3A_499] : memref<800xi32, #tpu.memory_space<vmem>> -> memref<128xi32, #tpu.memory_space<vmem>>
        %dma_start3A_501 = arith.constant 0 : i32
        %dma_start3A_502 = arith.constant 0 : i32
        %dma_start3A_503 = tpu.memref_slice %arg3[%dma_start3A_501, %dma_start3A_502] : memref<8000000x16xf32, #tpu.memory_space<hbm>> -> memref<8000000x16xf32, #tpu.memory_space<hbm>>
        tpu.enqueue_indirect_dma source(%dma_start3A_503 : memref<8000000x16xf32, #tpu.memory_space<hbm>>) target(%dma_start3A_498 : memref<128x16xf32, #tpu.memory_space<vmem>>) offsets(%dma_start3A_500 : memref<128xi32, #tpu.memory_space<vmem>>) semaphore(%arg16 : memref<!tpu.dma_semaphore, #tpu.memory_space<semaphore_mem>>)
        %dma_start3A_504 = arith.constant 640 : i32
        %dma_start3A_505 = arith.constant 0 : i32
        %dma_start3A_506 = tpu.memref_slice %arg8[%dma_start3A_504, %dma_start3A_505] : memref<800x16xf32, #tpu.memory_space<vmem>> -> memref<128x16xf32, #tpu.memory_space<vmem>>
        %dma_start3A_507 = arith.constant 640 : i32
        %dma_start3A_508 = tpu.memref_slice %arg12[%dma_start3A_507] : memref<800xi32, #tpu.memory_space<vmem>> -> memref<128xi32, #tpu.memory_space<vmem>>
        %dma_start3A_509 = arith.constant 0 : i32
        %dma_start3A_510 = arith.constant 0 : i32
        %dma_start3A_511 = tpu.memref_slice %arg3[%dma_start3A_509, %dma_start3A_510] : memref<8000000x16xf32, #tpu.memory_space<hbm>> -> memref<8000000x16xf32, #tpu.memory_space<hbm>>
        tpu.enqueue_indirect_dma source(%dma_start3A_511 : memref<8000000x16xf32, #tpu.memory_space<hbm>>) target(%dma_start3A_506 : memref<128x16xf32, #tpu.memory_space<vmem>>) offsets(%dma_start3A_508 : memref<128xi32, #tpu.memory_space<vmem>>) semaphore(%arg16 : memref<!tpu.dma_semaphore, #tpu.memory_space<semaphore_mem>>)
        %dma_start3A_512 = arith.constant 640 : i32
        %dma_start3A_513 = arith.constant 0 : i32
        %dma_start3A_514 = tpu.memref_slice %arg9[%dma_start3A_512, %dma_start3A_513] : memref<800x16xf32, #tpu.memory_space<vmem>> -> memref<128x16xf32, #tpu.memory_space<vmem>>
        %dma_start3A_515 = arith.constant 640 : i32
        %dma_start3A_516 = tpu.memref_slice %arg13[%dma_start3A_515] : memref<800xi32, #tpu.memory_space<vmem>> -> memref<128xi32, #tpu.memory_space<vmem>>
        %dma_start3A_517 = arith.constant 0 : i32
        %dma_start3A_518 = arith.constant 0 : i32
        %dma_start3A_519 = tpu.memref_slice %arg3[%dma_start3A_517, %dma_start3A_518] : memref<8000000x16xf32, #tpu.memory_space<hbm>> -> memref<8000000x16xf32, #tpu.memory_space<hbm>>
        tpu.enqueue_indirect_dma source(%dma_start3A_519 : memref<8000000x16xf32, #tpu.memory_space<hbm>>) target(%dma_start3A_514 : memref<128x16xf32, #tpu.memory_space<vmem>>) offsets(%dma_start3A_516 : memref<128xi32, #tpu.memory_space<vmem>>) semaphore(%arg16 : memref<!tpu.dma_semaphore, #tpu.memory_space<semaphore_mem>>)
        %dma_start3A_520 = arith.constant 768 : i32
        %dma_start3A_521 = arith.constant 0 : i32
        %dma_start3A_522 = tpu.memref_slice %arg8[%dma_start3A_520, %dma_start3A_521] : memref<800x16xf32, #tpu.memory_space<vmem>> -> memref<32x16xf32, #tpu.memory_space<vmem>>
        %dma_start3A_523 = arith.constant 768 : i32
        %dma_start3A_524 = tpu.memref_slice %arg12[%dma_start3A_523] : memref<800xi32, #tpu.memory_space<vmem>> -> memref<32xi32, #tpu.memory_space<vmem>>
        %dma_start3A_525 = arith.constant 0 : i32
        %dma_start3A_526 = arith.constant 0 : i32
        %dma_start3A_527 = tpu.memref_slice %arg3[%dma_start3A_525, %dma_start3A_526] : memref<8000000x16xf32, #tpu.memory_space<hbm>> -> memref<8000000x16xf32, #tpu.memory_space<hbm>>
        tpu.enqueue_indirect_dma source(%dma_start3A_527 : memref<8000000x16xf32, #tpu.memory_space<hbm>>) target(%dma_start3A_522 : memref<32x16xf32, #tpu.memory_space<vmem>>) offsets(%dma_start3A_524 : memref<32xi32, #tpu.memory_space<vmem>>) semaphore(%arg16 : memref<!tpu.dma_semaphore, #tpu.memory_space<semaphore_mem>>)
        %dma_start3A_528 = arith.constant 768 : i32
        %dma_start3A_529 = arith.constant 0 : i32
        %dma_start3A_530 = tpu.memref_slice %arg9[%dma_start3A_528, %dma_start3A_529] : memref<800x16xf32, #tpu.memory_space<vmem>> -> memref<32x16xf32, #tpu.memory_space<vmem>>
        %dma_start3A_531 = arith.constant 768 : i32
        %dma_start3A_532 = tpu.memref_slice %arg13[%dma_start3A_531] : memref<800xi32, #tpu.memory_space<vmem>> -> memref<32xi32, #tpu.memory_space<vmem>>
        %dma_start3A_533 = arith.constant 0 : i32
        %dma_start3A_534 = arith.constant 0 : i32
        %dma_start3A_535 = tpu.memref_slice %arg3[%dma_start3A_533, %dma_start3A_534] : memref<8000000x16xf32, #tpu.memory_space<hbm>> -> memref<8000000x16xf32, #tpu.memory_space<hbm>>
        tpu.enqueue_indirect_dma source(%dma_start3A_535 : memref<8000000x16xf32, #tpu.memory_space<hbm>>) target(%dma_start3A_530 : memref<32x16xf32, #tpu.memory_space<vmem>>) offsets(%dma_start3A_532 : memref<32xi32, #tpu.memory_space<vmem>>) semaphore(%arg16 : memref<!tpu.dma_semaphore, #tpu.memory_space<semaphore_mem>>)
      } else {
      }
      %ge3A = arith.constant 1 : i32
      %ge3A_255 = arith.cmpi sge, %add3A_138, %ge3A : i32
      %convert_element_type3A_256 = arith.extui %ge3A_255 : i1 to i32
      %cond3A_257 = arith.constant 0 : i32
      %cond3A_258 = arith.cmpi ne, %convert_element_type3A_256, %cond3A_257 : i32
      scf.if %cond3A_258 {
        %sub3A = arith.constant 1 : i32
        %sub3A_415 = arith.subi %add3A_138, %sub3A : i32
        %mul3A_416 = arith.constant 16 : i32
        %mul3A_417 = arith.muli %sub3A_415, %mul3A_416 : i32
        %add3A_418 = arith.addi %mul3A_2, %mul3A_417 : i32
        %dma_wait3A_419 = arith.constant 0 : i32
        %dma_wait3A_420 = arith.constant 0 : i32
        %dma_wait3A_421 = tpu.memref_slice %arg4[%add3A_418, %dma_wait3A_419, %dma_wait3A_420] : memref<16384x50x32xf32, #tpu.memory_space<hbm>> -> memref<16x50x32xf32, #tpu.memory_space<hbm>>
        %dma_wait3A_422 = arith.constant 0 : i32
        %dma_wait3A_423 = arith.constant 0 : i32
        %dma_wait3A_424 = tpu.memref_slice %arg4[%add3A_418, %dma_wait3A_422, %dma_wait3A_423] : memref<16384x50x32xf32, #tpu.memory_space<hbm>> -> memref<16x50x32xf32, #tpu.memory_space<hbm>>
        tpu.wait_dma2 semaphore(%arg17 : memref<!tpu.dma_semaphore, #tpu.memory_space<semaphore_mem>>) src(%arg14 : memref<16x50x32xf32, #tpu.memory_space<vmem>>) dst(%dma_wait3A_424 : memref<16x50x32xf32, #tpu.memory_space<hbm>>)
      } else {
      }
      %scan3A_259 = arith.constant 0 : i32
      %scan3A_260 = arith.constant 16 : i32
      %scan3A_261 = arith.addi %scan3A_259, %scan3A_260 : i32
      %scan3A_262 = arith.constant 1 : i32
      scf.for %scan3A_415 = %scan3A_259 to %scan3A_261 step %scan3A_262  : i32 {
        %mul3A_416 = arith.constant 1 : i32
        %mul3A_417 = arith.muli %scan3A_415, %mul3A_416 : i32
        %add3A_418 = arith.constant 0 : i32
        %add3A_419 = arith.addi %add3A_418, %mul3A_417 : i32
        %scan3A_420 = arith.constant 0 : i32
        %scan3A_421 = arith.constant 50 : i32
        %scan3A_422 = arith.addi %scan3A_420, %scan3A_421 : i32
        %scan3A_423 = arith.constant 10 : i32
        scf.for %scan3A_425 = %scan3A_420 to %scan3A_422 step %scan3A_423  : i32 {
          %mul3A_426 = arith.constant 1 : i32
          %mul3A_427 = arith.muli %scan3A_425, %mul3A_426 : i32
          %add3A_428 = arith.constant 0 : i32
          %add3A_429 = arith.addi %add3A_428, %mul3A_427 : i32
          %mul3A_430 = arith.constant 50 : i32
          %mul3A_431 = arith.muli %add3A_419, %mul3A_430 : i32
          %add3A_432 = arith.addi %mul3A_431, %add3A_429 : i32
          %get3A = arith.index_cast %add3A_432 : i32 to index
          %get3A_433 = arith.constant 0 : index
          %get3A_434 = tpu.vector_load %arg6[%get3A, %get3A_433] {strides = array<i32>} : memref<800x16xf32, #tpu.memory_space<vmem>>, vector<1x16xf32>,
          %get3A_435 = vector.shape_cast %get3A_434 : vector<1x16xf32> to vector<16xf32>
          %swap3A = arith.index_cast %add3A_419 : i32 to index
          %swap3A_436 = arith.index_cast %add3A_429 : i32 to index
          %swap3A_437 = arith.constant 0 : index
          %swap3A_438 = tpu.vector_load %arg14[%swap3A, %swap3A_436, %swap3A_437] {strides = array<i32>} : memref<16x50x32xf32, #tpu.memory_space<vmem>>, vector<1x1x16xf32>,
          %swap3A_439 = vector.shape_cast %swap3A_438 : vector<1x1x16xf32> to vector<16xf32>
          %swap3A_440 = vector.shape_cast %get3A_435 : vector<16xf32> to vector<1x1x16xf32>
          tpu.vector_store %arg14[%swap3A, %swap3A_436, %swap3A_437], %swap3A_440 {strides = array<i32>} : memref<16x50x32xf32, #tpu.memory_space<vmem>>, vector<1x1x16xf32>,
          %get3A_441 = arith.index_cast %add3A_432 : i32 to index
          %get3A_442 = arith.constant 0 : index
          %get3A_443 = tpu.vector_load %arg7[%get3A_441, %get3A_442] {strides = array<i32>} : memref<800x16xf32, #tpu.memory_space<vmem>>, vector<1x16xf32>,
          %get3A_444 = vector.shape_cast %get3A_443 : vector<1x16xf32> to vector<16xf32>
          %swap3A_445 = arith.index_cast %add3A_419 : i32 to index
          %swap3A_446 = arith.index_cast %add3A_429 : i32 to index
          %swap3A_447 = arith.constant 16 : index
          %swap3A_448 = tpu.vector_load %arg14[%swap3A_445, %swap3A_446, %swap3A_447] {strides = array<i32>} : memref<16x50x32xf32, #tpu.memory_space<vmem>>, vector<1x1x16xf32>,
          %swap3A_449 = vector.shape_cast %swap3A_448 : vector<1x1x16xf32> to vector<16xf32>
          %swap3A_450 = vector.shape_cast %get3A_444 : vector<16xf32> to vector<1x1x16xf32>
          tpu.vector_store %arg14[%swap3A_445, %swap3A_446, %swap3A_447], %swap3A_450 {strides = array<i32>} : memref<16x50x32xf32, #tpu.memory_space<vmem>>, vector<1x1x16xf32>,
          %scan3A_451 = arith.constant 1 : i32
          %scan3A_452 = arith.addi %scan3A_425, %scan3A_451 : i32
          %mul3A_453 = arith.constant 1 : i32
          %mul3A_454 = arith.muli %scan3A_452, %mul3A_453 : i32
          %add3A_455 = arith.constant 0 : i32
          %add3A_456 = arith.addi %add3A_455, %mul3A_454 : i32
          %mul3A_457 = arith.constant 50 : i32
          %mul3A_458 = arith.muli %add3A_419, %mul3A_457 : i32
          %add3A_459 = arith.addi %mul3A_458, %add3A_456 : i32
          %get3A_460 = arith.index_cast %add3A_459 : i32 to index
          %get3A_461 = arith.constant 0 : index
          %get3A_462 = tpu.vector_load %arg6[%get3A_460, %get3A_461] {strides = array<i32>} : memref<800x16xf32, #tpu.memory_space<vmem>>, vector<1x16xf32>,
          %get3A_463 = vector.shape_cast %get3A_462 : vector<1x16xf32> to vector<16xf32>
          %swap3A_464 = arith.index_cast %add3A_419 : i32 to index
          %swap3A_465 = arith.index_cast %add3A_456 : i32 to index
          %swap3A_466 = arith.constant 0 : index
          %swap3A_467 = tpu.vector_load %arg14[%swap3A_464, %swap3A_465, %swap3A_466] {strides = array<i32>} : memref<16x50x32xf32, #tpu.memory_space<vmem>>, vector<1x1x16xf32>,
          %swap3A_468 = vector.shape_cast %swap3A_467 : vector<1x1x16xf32> to vector<16xf32>
          %swap3A_469 = vector.shape_cast %get3A_463 : vector<16xf32> to vector<1x1x16xf32>
          tpu.vector_store %arg14[%swap3A_464, %swap3A_465, %swap3A_466], %swap3A_469 {strides = array<i32>} : memref<16x50x32xf32, #tpu.memory_space<vmem>>, vector<1x1x16xf32>,
          %get3A_470 = arith.index_cast %add3A_459 : i32 to index
          %get3A_471 = arith.constant 0 : index
          %get3A_472 = tpu.vector_load %arg7[%get3A_470, %get3A_471] {strides = array<i32>} : memref<800x16xf32, #tpu.memory_space<vmem>>, vector<1x16xf32>,
          %get3A_473 = vector.shape_cast %get3A_472 : vector<1x16xf32> to vector<16xf32>
          %swap3A_474 = arith.index_cast %add3A_419 : i32 to index
          %swap3A_475 = arith.index_cast %add3A_456 : i32 to index
          %swap3A_476 = arith.constant 16 : index
          %swap3A_477 = tpu.vector_load %arg14[%swap3A_474, %swap3A_475, %swap3A_476] {strides = array<i32>} : memref<16x50x32xf32, #tpu.memory_space<vmem>>, vector<1x1x16xf32>,
          %swap3A_478 = vector.shape_cast %swap3A_477 : vector<1x1x16xf32> to vector<16xf32>
          %swap3A_479 = vector.shape_cast %get3A_473 : vector<16xf32> to vector<1x1x16xf32>
          tpu.vector_store %arg14[%swap3A_474, %swap3A_475, %swap3A_476], %swap3A_479 {strides = array<i32>} : memref<16x50x32xf32, #tpu.memory_space<vmem>>, vector<1x1x16xf32>,
          %scan3A_480 = arith.constant 2 : i32
          %scan3A_481 = arith.addi %scan3A_425, %scan3A_480 : i32
          %mul3A_482 = arith.constant 1 : i32
          %mul3A_483 = arith.muli %scan3A_481, %mul3A_482 : i32
          %add3A_484 = arith.constant 0 : i32
          %add3A_485 = arith.addi %add3A_484, %mul3A_483 : i32
          %mul3A_486 = arith.constant 50 : i32
          %mul3A_487 = arith.muli %add3A_419, %mul3A_486 : i32
          %add3A_488 = arith.addi %mul3A_487, %add3A_485 : i32
          %get3A_489 = arith.index_cast %add3A_488 : i32 to index
          %get3A_490 = arith.constant 0 : index
          %get3A_491 = tpu.vector_load %arg6[%get3A_489, %get3A_490] {strides = array<i32>} : memref<800x16xf32, #tpu.memory_space<vmem>>, vector<1x16xf32>,
          %get3A_492 = vector.shape_cast %get3A_491 : vector<1x16xf32> to vector<16xf32>
          %swap3A_493 = arith.index_cast %add3A_419 : i32 to index
          %swap3A_494 = arith.index_cast %add3A_485 : i32 to index
          %swap3A_495 = arith.constant 0 : index
          %swap3A_496 = tpu.vector_load %arg14[%swap3A_493, %swap3A_494, %swap3A_495] {strides = array<i32>} : memref<16x50x32xf32, #tpu.memory_space<vmem>>, vector<1x1x16xf32>,
          %swap3A_497 = vector.shape_cast %swap3A_496 : vector<1x1x16xf32> to vector<16xf32>
          %swap3A_498 = vector.shape_cast %get3A_492 : vector<16xf32> to vector<1x1x16xf32>
          tpu.vector_store %arg14[%swap3A_493, %swap3A_494, %swap3A_495], %swap3A_498 {strides = array<i32>} : memref<16x50x32xf32, #tpu.memory_space<vmem>>, vector<1x1x16xf32>,
          %get3A_499 = arith.index_cast %add3A_488 : i32 to index
          %get3A_500 = arith.constant 0 : index
          %get3A_501 = tpu.vector_load %arg7[%get3A_499, %get3A_500] {strides = array<i32>} : memref<800x16xf32, #tpu.memory_space<vmem>>, vector<1x16xf32>,
          %get3A_502 = vector.shape_cast %get3A_501 : vector<1x16xf32> to vector<16xf32>
          %swap3A_503 = arith.index_cast %add3A_419 : i32 to index
          %swap3A_504 = arith.index_cast %add3A_485 : i32 to index
          %swap3A_505 = arith.constant 16 : index
          %swap3A_506 = tpu.vector_load %arg14[%swap3A_503, %swap3A_504, %swap3A_505] {strides = array<i32>} : memref<16x50x32xf32, #tpu.memory_space<vmem>>, vector<1x1x16xf32>,
          %swap3A_507 = vector.shape_cast %swap3A_506 : vector<1x1x16xf32> to vector<16xf32>
          %swap3A_508 = vector.shape_cast %get3A_502 : vector<16xf32> to vector<1x1x16xf32>
          tpu.vector_store %arg14[%swap3A_503, %swap3A_504, %swap3A_505], %swap3A_508 {strides = array<i32>} : memref<16x50x32xf32, #tpu.memory_space<vmem>>, vector<1x1x16xf32>,
          %scan3A_509 = arith.constant 3 : i32
          %scan3A_510 = arith.addi %scan3A_425, %scan3A_509 : i32
          %mul3A_511 = arith.constant 1 : i32
          %mul3A_512 = arith.muli %scan3A_510, %mul3A_511 : i32
          %add3A_513 = arith.constant 0 : i32
          %add3A_514 = arith.addi %add3A_513, %mul3A_512 : i32
          %mul3A_515 = arith.constant 50 : i32
          %mul3A_516 = arith.muli %add3A_419, %mul3A_515 : i32
          %add3A_517 = arith.addi %mul3A_516, %add3A_514 : i32
          %get3A_518 = arith.index_cast %add3A_517 : i32 to index
          %get3A_519 = arith.constant 0 : index
          %get3A_520 = tpu.vector_load %arg6[%get3A_518, %get3A_519] {strides = array<i32>} : memref<800x16xf32, #tpu.memory_space<vmem>>, vector<1x16xf32>,
          %get3A_521 = vector.shape_cast %get3A_520 : vector<1x16xf32> to vector<16xf32>
          %swap3A_522 = arith.index_cast %add3A_419 : i32 to index
          %swap3A_523 = arith.index_cast %add3A_514 : i32 to index
          %swap3A_524 = arith.constant 0 : index
          %swap3A_525 = tpu.vector_load %arg14[%swap3A_522, %swap3A_523, %swap3A_524] {strides = array<i32>} : memref<16x50x32xf32, #tpu.memory_space<vmem>>, vector<1x1x16xf32>,
          %swap3A_526 = vector.shape_cast %swap3A_525 : vector<1x1x16xf32> to vector<16xf32>
          %swap3A_527 = vector.shape_cast %get3A_521 : vector<16xf32> to vector<1x1x16xf32>
          tpu.vector_store %arg14[%swap3A_522, %swap3A_523, %swap3A_524], %swap3A_527 {strides = array<i32>} : memref<16x50x32xf32, #tpu.memory_space<vmem>>, vector<1x1x16xf32>,
          %get3A_528 = arith.index_cast %add3A_517 : i32 to index
          %get3A_529 = arith.constant 0 : index
          %get3A_530 = tpu.vector_load %arg7[%get3A_528, %get3A_529] {strides = array<i32>} : memref<800x16xf32, #tpu.memory_space<vmem>>, vector<1x16xf32>,
          %get3A_531 = vector.shape_cast %get3A_530 : vector<1x16xf32> to vector<16xf32>
          %swap3A_532 = arith.index_cast %add3A_419 : i32 to index
          %swap3A_533 = arith.index_cast %add3A_514 : i32 to index
          %swap3A_534 = arith.constant 16 : index
          %swap3A_535 = tpu.vector_load %arg14[%swap3A_532, %swap3A_533, %swap3A_534] {strides = array<i32>} : memref<16x50x32xf32, #tpu.memory_space<vmem>>, vector<1x1x16xf32>,
          %swap3A_536 = vector.shape_cast %swap3A_535 : vector<1x1x16xf32> to vector<16xf32>
          %swap3A_537 = vector.shape_cast %get3A_531 : vector<16xf32> to vector<1x1x16xf32>
          tpu.vector_store %arg14[%swap3A_532, %swap3A_533, %swap3A_534], %swap3A_537 {strides = array<i32>} : memref<16x50x32xf32, #tpu.memory_space<vmem>>, vector<1x1x16xf32>,
          %scan3A_538 = arith.constant 4 : i32
          %scan3A_539 = arith.addi %scan3A_425, %scan3A_538 : i32
          %mul3A_540 = arith.constant 1 : i32
          %mul3A_541 = arith.muli %scan3A_539, %mul3A_540 : i32
          %add3A_542 = arith.constant 0 : i32
          %add3A_543 = arith.addi %add3A_542, %mul3A_541 : i32
          %mul3A_544 = arith.constant 50 : i32
          %mul3A_545 = arith.muli %add3A_419, %mul3A_544 : i32
          %add3A_546 = arith.addi %mul3A_545, %add3A_543 : i32
          %get3A_547 = arith.index_cast %add3A_546 : i32 to index
          %get3A_548 = arith.constant 0 : index
          %get3A_549 = tpu.vector_load %arg6[%get3A_547, %get3A_548] {strides = array<i32>} : memref<800x16xf32, #tpu.memory_space<vmem>>, vector<1x16xf32>,
          %get3A_550 = vector.shape_cast %get3A_549 : vector<1x16xf32> to vector<16xf32>
          %swap3A_551 = arith.index_cast %add3A_419 : i32 to index
          %swap3A_552 = arith.index_cast %add3A_543 : i32 to index
          %swap3A_553 = arith.constant 0 : index
          %swap3A_554 = tpu.vector_load %arg14[%swap3A_551, %swap3A_552, %swap3A_553] {strides = array<i32>} : memref<16x50x32xf32, #tpu.memory_space<vmem>>, vector<1x1x16xf32>,
          %swap3A_555 = vector.shape_cast %swap3A_554 : vector<1x1x16xf32> to vector<16xf32>
          %swap3A_556 = vector.shape_cast %get3A_550 : vector<16xf32> to vector<1x1x16xf32>
          tpu.vector_store %arg14[%swap3A_551, %swap3A_552, %swap3A_553], %swap3A_556 {strides = array<i32>} : memref<16x50x32xf32, #tpu.memory_space<vmem>>, vector<1x1x16xf32>,
          %get3A_557 = arith.index_cast %add3A_546 : i32 to index
          %get3A_558 = arith.constant 0 : index
          %get3A_559 = tpu.vector_load %arg7[%get3A_557, %get3A_558] {strides = array<i32>} : memref<800x16xf32, #tpu.memory_space<vmem>>, vector<1x16xf32>,
          %get3A_560 = vector.shape_cast %get3A_559 : vector<1x16xf32> to vector<16xf32>
          %swap3A_561 = arith.index_cast %add3A_419 : i32 to index
          %swap3A_562 = arith.index_cast %add3A_543 : i32 to index
          %swap3A_563 = arith.constant 16 : index
          %swap3A_564 = tpu.vector_load %arg14[%swap3A_561, %swap3A_562, %swap3A_563] {strides = array<i32>} : memref<16x50x32xf32, #tpu.memory_space<vmem>>, vector<1x1x16xf32>,
          %swap3A_565 = vector.shape_cast %swap3A_564 : vector<1x1x16xf32> to vector<16xf32>
          %swap3A_566 = vector.shape_cast %get3A_560 : vector<16xf32> to vector<1x1x16xf32>
          tpu.vector_store %arg14[%swap3A_561, %swap3A_562, %swap3A_563], %swap3A_566 {strides = array<i32>} : memref<16x50x32xf32, #tpu.memory_space<vmem>>, vector<1x1x16xf32>,
          %scan3A_567 = arith.constant 5 : i32
          %scan3A_568 = arith.addi %scan3A_425, %scan3A_567 : i32
          %mul3A_569 = arith.constant 1 : i32
          %mul3A_570 = arith.muli %scan3A_568, %mul3A_569 : i32
          %add3A_571 = arith.constant 0 : i32
          %add3A_572 = arith.addi %add3A_571, %mul3A_570 : i32
          %mul3A_573 = arith.constant 50 : i32
          %mul3A_574 = arith.muli %add3A_419, %mul3A_573 : i32
          %add3A_575 = arith.addi %mul3A_574, %add3A_572 : i32
          %get3A_576 = arith.index_cast %add3A_575 : i32 to index
          %get3A_577 = arith.constant 0 : index
          %get3A_578 = tpu.vector_load %arg6[%get3A_576, %get3A_577] {strides = array<i32>} : memref<800x16xf32, #tpu.memory_space<vmem>>, vector<1x16xf32>,
          %get3A_579 = vector.shape_cast %get3A_578 : vector<1x16xf32> to vector<16xf32>
          %swap3A_580 = arith.index_cast %add3A_419 : i32 to index
          %swap3A_581 = arith.index_cast %add3A_572 : i32 to index
          %swap3A_582 = arith.constant 0 : index
          %swap3A_583 = tpu.vector_load %arg14[%swap3A_580, %swap3A_581, %swap3A_582] {strides = array<i32>} : memref<16x50x32xf32, #tpu.memory_space<vmem>>, vector<1x1x16xf32>,
          %swap3A_584 = vector.shape_cast %swap3A_583 : vector<1x1x16xf32> to vector<16xf32>
          %swap3A_585 = vector.shape_cast %get3A_579 : vector<16xf32> to vector<1x1x16xf32>
          tpu.vector_store %arg14[%swap3A_580, %swap3A_581, %swap3A_582], %swap3A_585 {strides = array<i32>} : memref<16x50x32xf32, #tpu.memory_space<vmem>>, vector<1x1x16xf32>,
          %get3A_586 = arith.index_cast %add3A_575 : i32 to index
          %get3A_587 = arith.constant 0 : index
          %get3A_588 = tpu.vector_load %arg7[%get3A_586, %get3A_587] {strides = array<i32>} : memref<800x16xf32, #tpu.memory_space<vmem>>, vector<1x16xf32>,
          %get3A_589 = vector.shape_cast %get3A_588 : vector<1x16xf32> to vector<16xf32>
          %swap3A_590 = arith.index_cast %add3A_419 : i32 to index
          %swap3A_591 = arith.index_cast %add3A_572 : i32 to index
          %swap3A_592 = arith.constant 16 : index
          %swap3A_593 = tpu.vector_load %arg14[%swap3A_590, %swap3A_591, %swap3A_592] {strides = array<i32>} : memref<16x50x32xf32, #tpu.memory_space<vmem>>, vector<1x1x16xf32>,
          %swap3A_594 = vector.shape_cast %swap3A_593 : vector<1x1x16xf32> to vector<16xf32>
          %swap3A_595 = vector.shape_cast %get3A_589 : vector<16xf32> to vector<1x1x16xf32>
          tpu.vector_store %arg14[%swap3A_590, %swap3A_591, %swap3A_592], %swap3A_595 {strides = array<i32>} : memref<16x50x32xf32, #tpu.memory_space<vmem>>, vector<1x1x16xf32>,
          %scan3A_596 = arith.constant 6 : i32
          %scan3A_597 = arith.addi %scan3A_425, %scan3A_596 : i32
          %mul3A_598 = arith.constant 1 : i32
          %mul3A_599 = arith.muli %scan3A_597, %mul3A_598 : i32
          %add3A_600 = arith.constant 0 : i32
          %add3A_601 = arith.addi %add3A_600, %mul3A_599 : i32
          %mul3A_602 = arith.constant 50 : i32
          %mul3A_603 = arith.muli %add3A_419, %mul3A_602 : i32
          %add3A_604 = arith.addi %mul3A_603, %add3A_601 : i32
          %get3A_605 = arith.index_cast %add3A_604 : i32 to index
          %get3A_606 = arith.constant 0 : index
          %get3A_607 = tpu.vector_load %arg6[%get3A_605, %get3A_606] {strides = array<i32>} : memref<800x16xf32, #tpu.memory_space<vmem>>, vector<1x16xf32>,
          %get3A_608 = vector.shape_cast %get3A_607 : vector<1x16xf32> to vector<16xf32>
          %swap3A_609 = arith.index_cast %add3A_419 : i32 to index
          %swap3A_610 = arith.index_cast %add3A_601 : i32 to index
          %swap3A_611 = arith.constant 0 : index
          %swap3A_612 = tpu.vector_load %arg14[%swap3A_609, %swap3A_610, %swap3A_611] {strides = array<i32>} : memref<16x50x32xf32, #tpu.memory_space<vmem>>, vector<1x1x16xf32>,
          %swap3A_613 = vector.shape_cast %swap3A_612 : vector<1x1x16xf32> to vector<16xf32>
          %swap3A_614 = vector.shape_cast %get3A_608 : vector<16xf32> to vector<1x1x16xf32>
          tpu.vector_store %arg14[%swap3A_609, %swap3A_610, %swap3A_611], %swap3A_614 {strides = array<i32>} : memref<16x50x32xf32, #tpu.memory_space<vmem>>, vector<1x1x16xf32>,
          %get3A_615 = arith.index_cast %add3A_604 : i32 to index
          %get3A_616 = arith.constant 0 : index
          %get3A_617 = tpu.vector_load %arg7[%get3A_615, %get3A_616] {strides = array<i32>} : memref<800x16xf32, #tpu.memory_space<vmem>>, vector<1x16xf32>,
          %get3A_618 = vector.shape_cast %get3A_617 : vector<1x16xf32> to vector<16xf32>
          %swap3A_619 = arith.index_cast %add3A_419 : i32 to index
          %swap3A_620 = arith.index_cast %add3A_601 : i32 to index
          %swap3A_621 = arith.constant 16 : index
          %swap3A_622 = tpu.vector_load %arg14[%swap3A_619, %swap3A_620, %swap3A_621] {strides = array<i32>} : memref<16x50x32xf32, #tpu.memory_space<vmem>>, vector<1x1x16xf32>,
          %swap3A_623 = vector.shape_cast %swap3A_622 : vector<1x1x16xf32> to vector<16xf32>
          %swap3A_624 = vector.shape_cast %get3A_618 : vector<16xf32> to vector<1x1x16xf32>
          tpu.vector_store %arg14[%swap3A_619, %swap3A_620, %swap3A_621], %swap3A_624 {strides = array<i32>} : memref<16x50x32xf32, #tpu.memory_space<vmem>>, vector<1x1x16xf32>,
          %scan3A_625 = arith.constant 7 : i32
          %scan3A_626 = arith.addi %scan3A_425, %scan3A_625 : i32
          %mul3A_627 = arith.constant 1 : i32
          %mul3A_628 = arith.muli %scan3A_626, %mul3A_627 : i32
          %add3A_629 = arith.constant 0 : i32
          %add3A_630 = arith.addi %add3A_629, %mul3A_628 : i32
          %mul3A_631 = arith.constant 50 : i32
          %mul3A_632 = arith.muli %add3A_419, %mul3A_631 : i32
          %add3A_633 = arith.addi %mul3A_632, %add3A_630 : i32
          %get3A_634 = arith.index_cast %add3A_633 : i32 to index
          %get3A_635 = arith.constant 0 : index
          %get3A_636 = tpu.vector_load %arg6[%get3A_634, %get3A_635] {strides = array<i32>} : memref<800x16xf32, #tpu.memory_space<vmem>>, vector<1x16xf32>,
          %get3A_637 = vector.shape_cast %get3A_636 : vector<1x16xf32> to vector<16xf32>
          %swap3A_638 = arith.index_cast %add3A_419 : i32 to index
          %swap3A_639 = arith.index_cast %add3A_630 : i32 to index
          %swap3A_640 = arith.constant 0 : index
          %swap3A_641 = tpu.vector_load %arg14[%swap3A_638, %swap3A_639, %swap3A_640] {strides = array<i32>} : memref<16x50x32xf32, #tpu.memory_space<vmem>>, vector<1x1x16xf32>,
          %swap3A_642 = vector.shape_cast %swap3A_641 : vector<1x1x16xf32> to vector<16xf32>
          %swap3A_643 = vector.shape_cast %get3A_637 : vector<16xf32> to vector<1x1x16xf32>
          tpu.vector_store %arg14[%swap3A_638, %swap3A_639, %swap3A_640], %swap3A_643 {strides = array<i32>} : memref<16x50x32xf32, #tpu.memory_space<vmem>>, vector<1x1x16xf32>,
          %get3A_644 = arith.index_cast %add3A_633 : i32 to index
          %get3A_645 = arith.constant 0 : index
          %get3A_646 = tpu.vector_load %arg7[%get3A_644, %get3A_645] {strides = array<i32>} : memref<800x16xf32, #tpu.memory_space<vmem>>, vector<1x16xf32>,
          %get3A_647 = vector.shape_cast %get3A_646 : vector<1x16xf32> to vector<16xf32>
          %swap3A_648 = arith.index_cast %add3A_419 : i32 to index
          %swap3A_649 = arith.index_cast %add3A_630 : i32 to index
          %swap3A_650 = arith.constant 16 : index
          %swap3A_651 = tpu.vector_load %arg14[%swap3A_648, %swap3A_649, %swap3A_650] {strides = array<i32>} : memref<16x50x32xf32, #tpu.memory_space<vmem>>, vector<1x1x16xf32>,
          %swap3A_652 = vector.shape_cast %swap3A_651 : vector<1x1x16xf32> to vector<16xf32>
          %swap3A_653 = vector.shape_cast %get3A_647 : vector<16xf32> to vector<1x1x16xf32>
          tpu.vector_store %arg14[%swap3A_648, %swap3A_649, %swap3A_650], %swap3A_653 {strides = array<i32>} : memref<16x50x32xf32, #tpu.memory_space<vmem>>, vector<1x1x16xf32>,
          %scan3A_654 = arith.constant 8 : i32
          %scan3A_655 = arith.addi %scan3A_425, %scan3A_654 : i32
          %mul3A_656 = arith.constant 1 : i32
          %mul3A_657 = arith.muli %scan3A_655, %mul3A_656 : i32
          %add3A_658 = arith.constant 0 : i32
          %add3A_659 = arith.addi %add3A_658, %mul3A_657 : i32
          %mul3A_660 = arith.constant 50 : i32
          %mul3A_661 = arith.muli %add3A_419, %mul3A_660 : i32
          %add3A_662 = arith.addi %mul3A_661, %add3A_659 : i32
          %get3A_663 = arith.index_cast %add3A_662 : i32 to index
          %get3A_664 = arith.constant 0 : index
          %get3A_665 = tpu.vector_load %arg6[%get3A_663, %get3A_664] {strides = array<i32>} : memref<800x16xf32, #tpu.memory_space<vmem>>, vector<1x16xf32>,
          %get3A_666 = vector.shape_cast %get3A_665 : vector<1x16xf32> to vector<16xf32>
          %swap3A_667 = arith.index_cast %add3A_419 : i32 to index
          %swap3A_668 = arith.index_cast %add3A_659 : i32 to index
          %swap3A_669 = arith.constant 0 : index
          %swap3A_670 = tpu.vector_load %arg14[%swap3A_667, %swap3A_668, %swap3A_669] {strides = array<i32>} : memref<16x50x32xf32, #tpu.memory_space<vmem>>, vector<1x1x16xf32>,
          %swap3A_671 = vector.shape_cast %swap3A_670 : vector<1x1x16xf32> to vector<16xf32>
          %swap3A_672 = vector.shape_cast %get3A_666 : vector<16xf32> to vector<1x1x16xf32>
          tpu.vector_store %arg14[%swap3A_667, %swap3A_668, %swap3A_669], %swap3A_672 {strides = array<i32>} : memref<16x50x32xf32, #tpu.memory_space<vmem>>, vector<1x1x16xf32>,
          %get3A_673 = arith.index_cast %add3A_662 : i32 to index
          %get3A_674 = arith.constant 0 : index
          %get3A_675 = tpu.vector_load %arg7[%get3A_673, %get3A_674] {strides = array<i32>} : memref<800x16xf32, #tpu.memory_space<vmem>>, vector<1x16xf32>,
          %get3A_676 = vector.shape_cast %get3A_675 : vector<1x16xf32> to vector<16xf32>
          %swap3A_677 = arith.index_cast %add3A_419 : i32 to index
          %swap3A_678 = arith.index_cast %add3A_659 : i32 to index
          %swap3A_679 = arith.constant 16 : index
          %swap3A_680 = tpu.vector_load %arg14[%swap3A_677, %swap3A_678, %swap3A_679] {strides = array<i32>} : memref<16x50x32xf32, #tpu.memory_space<vmem>>, vector<1x1x16xf32>,
          %swap3A_681 = vector.shape_cast %swap3A_680 : vector<1x1x16xf32> to vector<16xf32>
          %swap3A_682 = vector.shape_cast %get3A_676 : vector<16xf32> to vector<1x1x16xf32>
          tpu.vector_store %arg14[%swap3A_677, %swap3A_678, %swap3A_679], %swap3A_682 {strides = array<i32>} : memref<16x50x32xf32, #tpu.memory_space<vmem>>, vector<1x1x16xf32>,
          %scan3A_683 = arith.constant 9 : i32
          %scan3A_684 = arith.addi %scan3A_425, %scan3A_683 : i32
          %mul3A_685 = arith.constant 1 : i32
          %mul3A_686 = arith.muli %scan3A_684, %mul3A_685 : i32
          %add3A_687 = arith.constant 0 : i32
          %add3A_688 = arith.addi %add3A_687, %mul3A_686 : i32
          %mul3A_689 = arith.constant 50 : i32
          %mul3A_690 = arith.muli %add3A_419, %mul3A_689 : i32
          %add3A_691 = arith.addi %mul3A_690, %add3A_688 : i32
          %get3A_692 = arith.index_cast %add3A_691 : i32 to index
          %get3A_693 = arith.constant 0 : index
          %get3A_694 = tpu.vector_load %arg6[%get3A_692, %get3A_693] {strides = array<i32>} : memref<800x16xf32, #tpu.memory_space<vmem>>, vector<1x16xf32>,
          %get3A_695 = vector.shape_cast %get3A_694 : vector<1x16xf32> to vector<16xf32>
          %swap3A_696 = arith.index_cast %add3A_419 : i32 to index
          %swap3A_697 = arith.index_cast %add3A_688 : i32 to index
          %swap3A_698 = arith.constant 0 : index
          %swap3A_699 = tpu.vector_load %arg14[%swap3A_696, %swap3A_697, %swap3A_698] {strides = array<i32>} : memref<16x50x32xf32, #tpu.memory_space<vmem>>, vector<1x1x16xf32>,
          %swap3A_700 = vector.shape_cast %swap3A_699 : vector<1x1x16xf32> to vector<16xf32>
          %swap3A_701 = vector.shape_cast %get3A_695 : vector<16xf32> to vector<1x1x16xf32>
          tpu.vector_store %arg14[%swap3A_696, %swap3A_697, %swap3A_698], %swap3A_701 {strides = array<i32>} : memref<16x50x32xf32, #tpu.memory_space<vmem>>, vector<1x1x16xf32>,
          %get3A_702 = arith.index_cast %add3A_691 : i32 to index
          %get3A_703 = arith.constant 0 : index
          %get3A_704 = tpu.vector_load %arg7[%get3A_702, %get3A_703] {strides = array<i32>} : memref<800x16xf32, #tpu.memory_space<vmem>>, vector<1x16xf32>,
          %get3A_705 = vector.shape_cast %get3A_704 : vector<1x16xf32> to vector<16xf32>
          %swap3A_706 = arith.index_cast %add3A_419 : i32 to index
          %swap3A_707 = arith.index_cast %add3A_688 : i32 to index
          %swap3A_708 = arith.constant 16 : index
          %swap3A_709 = tpu.vector_load %arg14[%swap3A_706, %swap3A_707, %swap3A_708] {strides = array<i32>} : memref<16x50x32xf32, #tpu.memory_space<vmem>>, vector<1x1x16xf32>,
          %swap3A_710 = vector.shape_cast %swap3A_709 : vector<1x1x16xf32> to vector<16xf32>
          %swap3A_711 = vector.shape_cast %get3A_705 : vector<16xf32> to vector<1x1x16xf32>
          tpu.vector_store %arg14[%swap3A_706, %swap3A_707, %swap3A_708], %swap3A_711 {strides = array<i32>} : memref<16x50x32xf32, #tpu.memory_space<vmem>>, vector<1x1x16xf32>,
        }
        %scan3A_424 = arith.constant 50 : i32
      }
      %scan3A_263 = arith.constant 16 : i32
      %mul3A_264 = arith.constant 16 : i32
      %mul3A_265 = arith.muli %add3A_138, %mul3A_264 : i32
      %add3A_266 = arith.addi %mul3A_2, %mul3A_265 : i32
      %dma_start3A_267 = arith.constant 0 : i32
      %dma_start3A_268 = arith.constant 0 : i32
      %dma_start3A_269 = tpu.memref_slice %arg4[%add3A_266, %dma_start3A_267, %dma_start3A_268] : memref<16384x50x32xf32, #tpu.memory_space<hbm>> -> memref<16x50x32xf32, #tpu.memory_space<hbm>>
      %dma_start3A_270 = arith.constant 0 : i32
      %dma_start3A_271 = arith.constant 0 : i32
      %dma_start3A_272 = tpu.memref_slice %arg4[%add3A_266, %dma_start3A_270, %dma_start3A_271] : memref<16384x50x32xf32, #tpu.memory_space<hbm>> -> memref<16x50x32xf32, #tpu.memory_space<hbm>>
      tpu.enqueue_dma source(%arg14 : memref<16x50x32xf32, #tpu.memory_space<vmem>>) target(%dma_start3A_272 : memref<16x50x32xf32, #tpu.memory_space<hbm>>) target_semaphore(%arg17 : memref<!tpu.dma_semaphore, #tpu.memory_space<semaphore_mem>>)
      %mul3A_273 = arith.constant 2 : i32
      %mul3A_274 = arith.muli %mul3A_273, %add3A_134 : i32
      %add3A_275 = arith.constant 1 : i32
      %add3A_276 = arith.addi %mul3A_274, %add3A_275 : i32
      %dma_wait3A_277 = arith.constant 0 : i32
      %dma_wait3A_278 = arith.constant 0 : i32
      %dma_wait3A_279 = tpu.memref_slice %arg8[%dma_wait3A_277, %dma_wait3A_278] : memref<800x16xf32, #tpu.memory_space<vmem>> -> memref<128x16xf32, #tpu.memory_space<vmem>>
      %dma_wait3A_280 = arith.constant 0 : i32
      %dma_wait3A_281 = tpu.memref_slice %arg12[%dma_wait3A_280] : memref<800xi32, #tpu.memory_space<vmem>> -> memref<128xi32, #tpu.memory_space<vmem>>
      %dma_wait3A_282 = arith.constant 0 : i32
      %dma_wait3A_283 = arith.constant 0 : i32
      %dma_wait3A_284 = tpu.memref_slice %arg3[%dma_wait3A_282, %dma_wait3A_283] : memref<8000000x16xf32, #tpu.memory_space<hbm>> -> memref<8000000x16xf32, #tpu.memory_space<hbm>>
      tpu.wait_indirect_dma semaphore(%arg16 : memref<!tpu.dma_semaphore, #tpu.memory_space<semaphore_mem>>) src(%dma_wait3A_284 : memref<8000000x16xf32, #tpu.memory_space<hbm>>) dst(%dma_wait3A_279 : memref<128x16xf32, #tpu.memory_space<vmem>>)
      %dma_wait3A_285 = arith.constant 0 : i32
      %dma_wait3A_286 = arith.constant 0 : i32
      %dma_wait3A_287 = tpu.memref_slice %arg9[%dma_wait3A_285, %dma_wait3A_286] : memref<800x16xf32, #tpu.memory_space<vmem>> -> memref<128x16xf32, #tpu.memory_space<vmem>>
      %dma_wait3A_288 = arith.constant 0 : i32
      %dma_wait3A_289 = tpu.memref_slice %arg13[%dma_wait3A_288] : memref<800xi32, #tpu.memory_space<vmem>> -> memref<128xi32, #tpu.memory_space<vmem>>
      %dma_wait3A_290 = arith.constant 0 : i32
      %dma_wait3A_291 = arith.constant 0 : i32
      %dma_wait3A_292 = tpu.memref_slice %arg3[%dma_wait3A_290, %dma_wait3A_291] : memref<8000000x16xf32, #tpu.memory_space<hbm>> -> memref<8000000x16xf32, #tpu.memory_space<hbm>>
      tpu.wait_indirect_dma semaphore(%arg16 : memref<!tpu.dma_semaphore, #tpu.memory_space<semaphore_mem>>) src(%dma_wait3A_292 : memref<8000000x16xf32, #tpu.memory_space<hbm>>) dst(%dma_wait3A_287 : memref<128x16xf32, #tpu.memory_space<vmem>>)
      %dma_wait3A_293 = arith.constant 128 : i32
      %dma_wait3A_294 = arith.constant 0 : i32
      %dma_wait3A_295 = tpu.memref_slice %arg8[%dma_wait3A_293, %dma_wait3A_294] : memref<800x16xf32, #tpu.memory_space<vmem>> -> memref<128x16xf32, #tpu.memory_space<vmem>>
      %dma_wait3A_296 = arith.constant 128 : i32
      %dma_wait3A_297 = tpu.memref_slice %arg12[%dma_wait3A_296] : memref<800xi32, #tpu.memory_space<vmem>> -> memref<128xi32, #tpu.memory_space<vmem>>
      %dma_wait3A_298 = arith.constant 0 : i32
      %dma_wait3A_299 = arith.constant 0 : i32
      %dma_wait3A_300 = tpu.memref_slice %arg3[%dma_wait3A_298, %dma_wait3A_299] : memref<8000000x16xf32, #tpu.memory_space<hbm>> -> memref<8000000x16xf32, #tpu.memory_space<hbm>>
      tpu.wait_indirect_dma semaphore(%arg16 : memref<!tpu.dma_semaphore, #tpu.memory_space<semaphore_mem>>) src(%dma_wait3A_300 : memref<8000000x16xf32, #tpu.memory_space<hbm>>) dst(%dma_wait3A_295 : memref<128x16xf32, #tpu.memory_space<vmem>>)
      %dma_wait3A_301 = arith.constant 128 : i32
      %dma_wait3A_302 = arith.constant 0 : i32
      %dma_wait3A_303 = tpu.memref_slice %arg9[%dma_wait3A_301, %dma_wait3A_302] : memref<800x16xf32, #tpu.memory_space<vmem>> -> memref<128x16xf32, #tpu.memory_space<vmem>>
      %dma_wait3A_304 = arith.constant 128 : i32
      %dma_wait3A_305 = tpu.memref_slice %arg13[%dma_wait3A_304] : memref<800xi32, #tpu.memory_space<vmem>> -> memref<128xi32, #tpu.memory_space<vmem>>
      %dma_wait3A_306 = arith.constant 0 : i32
      %dma_wait3A_307 = arith.constant 0 : i32
      %dma_wait3A_308 = tpu.memref_slice %arg3[%dma_wait3A_306, %dma_wait3A_307] : memref<8000000x16xf32, #tpu.memory_space<hbm>> -> memref<8000000x16xf32, #tpu.memory_space<hbm>>
      tpu.wait_indirect_dma semaphore(%arg16 : memref<!tpu.dma_semaphore, #tpu.memory_space<semaphore_mem>>) src(%dma_wait3A_308 : memref<8000000x16xf32, #tpu.memory_space<hbm>>) dst(%dma_wait3A_303 : memref<128x16xf32, #tpu.memory_space<vmem>>)
      %dma_wait3A_309 = arith.constant 256 : i32
      %dma_wait3A_310 = arith.constant 0 : i32
      %dma_wait3A_311 = tpu.memref_slice %arg8[%dma_wait3A_309, %dma_wait3A_310] : memref<800x16xf32, #tpu.memory_space<vmem>> -> memref<128x16xf32, #tpu.memory_space<vmem>>
      %dma_wait3A_312 = arith.constant 256 : i32
      %dma_wait3A_313 = tpu.memref_slice %arg12[%dma_wait3A_312] : memref<800xi32, #tpu.memory_space<vmem>> -> memref<128xi32, #tpu.memory_space<vmem>>
      %dma_wait3A_314 = arith.constant 0 : i32
      %dma_wait3A_315 = arith.constant 0 : i32
      %dma_wait3A_316 = tpu.memref_slice %arg3[%dma_wait3A_314, %dma_wait3A_315] : memref<8000000x16xf32, #tpu.memory_space<hbm>> -> memref<8000000x16xf32, #tpu.memory_space<hbm>>
      tpu.wait_indirect_dma semaphore(%arg16 : memref<!tpu.dma_semaphore, #tpu.memory_space<semaphore_mem>>) src(%dma_wait3A_316 : memref<8000000x16xf32, #tpu.memory_space<hbm>>) dst(%dma_wait3A_311 : memref<128x16xf32, #tpu.memory_space<vmem>>)
      %dma_wait3A_317 = arith.constant 256 : i32
      %dma_wait3A_318 = arith.constant 0 : i32
      %dma_wait3A_319 = tpu.memref_slice %arg9[%dma_wait3A_317, %dma_wait3A_318] : memref<800x16xf32, #tpu.memory_space<vmem>> -> memref<128x16xf32, #tpu.memory_space<vmem>>
      %dma_wait3A_320 = arith.constant 256 : i32
      %dma_wait3A_321 = tpu.memref_slice %arg13[%dma_wait3A_320] : memref<800xi32, #tpu.memory_space<vmem>> -> memref<128xi32, #tpu.memory_space<vmem>>
      %dma_wait3A_322 = arith.constant 0 : i32
      %dma_wait3A_323 = arith.constant 0 : i32
      %dma_wait3A_324 = tpu.memref_slice %arg3[%dma_wait3A_322, %dma_wait3A_323] : memref<8000000x16xf32, #tpu.memory_space<hbm>> -> memref<8000000x16xf32, #tpu.memory_space<hbm>>
      tpu.wait_indirect_dma semaphore(%arg16 : memref<!tpu.dma_semaphore, #tpu.memory_space<semaphore_mem>>) src(%dma_wait3A_324 : memref<8000000x16xf32, #tpu.memory_space<hbm>>) dst(%dma_wait3A_319 : memref<128x16xf32, #tpu.memory_space<vmem>>)
      %dma_wait3A_325 = arith.constant 384 : i32
      %dma_wait3A_326 = arith.constant 0 : i32
      %dma_wait3A_327 = tpu.memref_slice %arg8[%dma_wait3A_325, %dma_wait3A_326] : memref<800x16xf32, #tpu.memory_space<vmem>> -> memref<128x16xf32, #tpu.memory_space<vmem>>
      %dma_wait3A_328 = arith.constant 384 : i32
      %dma_wait3A_329 = tpu.memref_slice %arg12[%dma_wait3A_328] : memref<800xi32, #tpu.memory_space<vmem>> -> memref<128xi32, #tpu.memory_space<vmem>>
      %dma_wait3A_330 = arith.constant 0 : i32
      %dma_wait3A_331 = arith.constant 0 : i32
      %dma_wait3A_332 = tpu.memref_slice %arg3[%dma_wait3A_330, %dma_wait3A_331] : memref<8000000x16xf32, #tpu.memory_space<hbm>> -> memref<8000000x16xf32, #tpu.memory_space<hbm>>
      tpu.wait_indirect_dma semaphore(%arg16 : memref<!tpu.dma_semaphore, #tpu.memory_space<semaphore_mem>>) src(%dma_wait3A_332 : memref<8000000x16xf32, #tpu.memory_space<hbm>>) dst(%dma_wait3A_327 : memref<128x16xf32, #tpu.memory_space<vmem>>)
      %dma_wait3A_333 = arith.constant 384 : i32
      %dma_wait3A_334 = arith.constant 0 : i32
      %dma_wait3A_335 = tpu.memref_slice %arg9[%dma_wait3A_333, %dma_wait3A_334] : memref<800x16xf32, #tpu.memory_space<vmem>> -> memref<128x16xf32, #tpu.memory_space<vmem>>
      %dma_wait3A_336 = arith.constant 384 : i32
      %dma_wait3A_337 = tpu.memref_slice %arg13[%dma_wait3A_336] : memref<800xi32, #tpu.memory_space<vmem>> -> memref<128xi32, #tpu.memory_space<vmem>>
      %dma_wait3A_338 = arith.constant 0 : i32
      %dma_wait3A_339 = arith.constant 0 : i32
      %dma_wait3A_340 = tpu.memref_slice %arg3[%dma_wait3A_338, %dma_wait3A_339] : memref<8000000x16xf32, #tpu.memory_space<hbm>> -> memref<8000000x16xf32, #tpu.memory_space<hbm>>
      tpu.wait_indirect_dma semaphore(%arg16 : memref<!tpu.dma_semaphore, #tpu.memory_space<semaphore_mem>>) src(%dma_wait3A_340 : memref<8000000x16xf32, #tpu.memory_space<hbm>>) dst(%dma_wait3A_335 : memref<128x16xf32, #tpu.memory_space<vmem>>)
      %dma_wait3A_341 = arith.constant 512 : i32
      %dma_wait3A_342 = arith.constant 0 : i32
      %dma_wait3A_343 = tpu.memref_slice %arg8[%dma_wait3A_341, %dma_wait3A_342] : memref<800x16xf32, #tpu.memory_space<vmem>> -> memref<128x16xf32, #tpu.memory_space<vmem>>
      %dma_wait3A_344 = arith.constant 512 : i32
      %dma_wait3A_345 = tpu.memref_slice %arg12[%dma_wait3A_344] : memref<800xi32, #tpu.memory_space<vmem>> -> memref<128xi32, #tpu.memory_space<vmem>>
      %dma_wait3A_346 = arith.constant 0 : i32
      %dma_wait3A_347 = arith.constant 0 : i32
      %dma_wait3A_348 = tpu.memref_slice %arg3[%dma_wait3A_346, %dma_wait3A_347] : memref<8000000x16xf32, #tpu.memory_space<hbm>> -> memref<8000000x16xf32, #tpu.memory_space<hbm>>
      tpu.wait_indirect_dma semaphore(%arg16 : memref<!tpu.dma_semaphore, #tpu.memory_space<semaphore_mem>>) src(%dma_wait3A_348 : memref<8000000x16xf32, #tpu.memory_space<hbm>>) dst(%dma_wait3A_343 : memref<128x16xf32, #tpu.memory_space<vmem>>)
      %dma_wait3A_349 = arith.constant 512 : i32
      %dma_wait3A_350 = arith.constant 0 : i32
      %dma_wait3A_351 = tpu.memref_slice %arg9[%dma_wait3A_349, %dma_wait3A_350] : memref<800x16xf32, #tpu.memory_space<vmem>> -> memref<128x16xf32, #tpu.memory_space<vmem>>
      %dma_wait3A_352 = arith.constant 512 : i32
      %dma_wait3A_353 = tpu.memref_slice %arg13[%dma_wait3A_352] : memref<800xi32, #tpu.memory_space<vmem>> -> memref<128xi32, #tpu.memory_space<vmem>>
      %dma_wait3A_354 = arith.constant 0 : i32
      %dma_wait3A_355 = arith.constant 0 : i32
      %dma_wait3A_356 = tpu.memref_slice %arg3[%dma_wait3A_354, %dma_wait3A_355] : memref<8000000x16xf32, #tpu.memory_space<hbm>> -> memref<8000000x16xf32, #tpu.memory_space<hbm>>
      tpu.wait_indirect_dma semaphore(%arg16 : memref<!tpu.dma_semaphore, #tpu.memory_space<semaphore_mem>>) src(%dma_wait3A_356 : memref<8000000x16xf32, #tpu.memory_space<hbm>>) dst(%dma_wait3A_351 : memref<128x16xf32, #tpu.memory_space<vmem>>)
      %dma_wait3A_357 = arith.constant 640 : i32
      %dma_wait3A_358 = arith.constant 0 : i32
      %dma_wait3A_359 = tpu.memref_slice %arg8[%dma_wait3A_357, %dma_wait3A_358] : memref<800x16xf32, #tpu.memory_space<vmem>> -> memref<128x16xf32, #tpu.memory_space<vmem>>
      %dma_wait3A_360 = arith.constant 640 : i32
      %dma_wait3A_361 = tpu.memref_slice %arg12[%dma_wait3A_360] : memref<800xi32, #tpu.memory_space<vmem>> -> memref<128xi32, #tpu.memory_space<vmem>>
      %dma_wait3A_362 = arith.constant 0 : i32
      %dma_wait3A_363 = arith.constant 0 : i32
      %dma_wait3A_364 = tpu.memref_slice %arg3[%dma_wait3A_362, %dma_wait3A_363] : memref<8000000x16xf32, #tpu.memory_space<hbm>> -> memref<8000000x16xf32, #tpu.memory_space<hbm>>
      tpu.wait_indirect_dma semaphore(%arg16 : memref<!tpu.dma_semaphore, #tpu.memory_space<semaphore_mem>>) src(%dma_wait3A_364 : memref<8000000x16xf32, #tpu.memory_space<hbm>>) dst(%dma_wait3A_359 : memref<128x16xf32, #tpu.memory_space<vmem>>)
      %dma_wait3A_365 = arith.constant 640 : i32
      %dma_wait3A_366 = arith.constant 0 : i32
      %dma_wait3A_367 = tpu.memref_slice %arg9[%dma_wait3A_365, %dma_wait3A_366] : memref<800x16xf32, #tpu.memory_space<vmem>> -> memref<128x16xf32, #tpu.memory_space<vmem>>
      %dma_wait3A_368 = arith.constant 640 : i32
      %dma_wait3A_369 = tpu.memref_slice %arg13[%dma_wait3A_368] : memref<800xi32, #tpu.memory_space<vmem>> -> memref<128xi32, #tpu.memory_space<vmem>>
      %dma_wait3A_370 = arith.constant 0 : i32
      %dma_wait3A_371 = arith.constant 0 : i32
      %dma_wait3A_372 = tpu.memref_slice %arg3[%dma_wait3A_370, %dma_wait3A_371] : memref<8000000x16xf32, #tpu.memory_space<hbm>> -> memref<8000000x16xf32, #tpu.memory_space<hbm>>
      tpu.wait_indirect_dma semaphore(%arg16 : memref<!tpu.dma_semaphore, #tpu.memory_space<semaphore_mem>>) src(%dma_wait3A_372 : memref<8000000x16xf32, #tpu.memory_space<hbm>>) dst(%dma_wait3A_367 : memref<128x16xf32, #tpu.memory_space<vmem>>)
      %dma_wait3A_373 = arith.constant 768 : i32
      %dma_wait3A_374 = arith.constant 0 : i32
      %dma_wait3A_375 = tpu.memref_slice %arg8[%dma_wait3A_373, %dma_wait3A_374] : memref<800x16xf32, #tpu.memory_space<vmem>> -> memref<32x16xf32, #tpu.memory_space<vmem>>
      %dma_wait3A_376 = arith.constant 768 : i32
      %dma_wait3A_377 = tpu.memref_slice %arg12[%dma_wait3A_376] : memref<800xi32, #tpu.memory_space<vmem>> -> memref<32xi32, #tpu.memory_space<vmem>>
      %dma_wait3A_378 = arith.constant 0 : i32
      %dma_wait3A_379 = arith.constant 0 : i32
      %dma_wait3A_380 = tpu.memref_slice %arg3[%dma_wait3A_378, %dma_wait3A_379] : memref<8000000x16xf32, #tpu.memory_space<hbm>> -> memref<8000000x16xf32, #tpu.memory_space<hbm>>
      tpu.wait_indirect_dma semaphore(%arg16 : memref<!tpu.dma_semaphore, #tpu.memory_space<semaphore_mem>>) src(%dma_wait3A_380 : memref<8000000x16xf32, #tpu.memory_space<hbm>>) dst(%dma_wait3A_375 : memref<32x16xf32, #tpu.memory_space<vmem>>)
      %dma_wait3A_381 = arith.constant 768 : i32
      %dma_wait3A_382 = arith.constant 0 : i32
      %dma_wait3A_383 = tpu.memref_slice %arg9[%dma_wait3A_381, %dma_wait3A_382] : memref<800x16xf32, #tpu.memory_space<vmem>> -> memref<32x16xf32, #tpu.memory_space<vmem>>
      %dma_wait3A_384 = arith.constant 768 : i32
      %dma_wait3A_385 = tpu.memref_slice %arg13[%dma_wait3A_384] : memref<800xi32, #tpu.memory_space<vmem>> -> memref<32xi32, #tpu.memory_space<vmem>>
      %dma_wait3A_386 = arith.constant 0 : i32
      %dma_wait3A_387 = arith.constant 0 : i32
      %dma_wait3A_388 = tpu.memref_slice %arg3[%dma_wait3A_386, %dma_wait3A_387] : memref<8000000x16xf32, #tpu.memory_space<hbm>> -> memref<8000000x16xf32, #tpu.memory_space<hbm>>
      tpu.wait_indirect_dma semaphore(%arg16 : memref<!tpu.dma_semaphore, #tpu.memory_space<semaphore_mem>>) src(%dma_wait3A_388 : memref<8000000x16xf32, #tpu.memory_space<hbm>>) dst(%dma_wait3A_383 : memref<32x16xf32, #tpu.memory_space<vmem>>)
      %add3A_389 = arith.constant 1 : i32
      %add3A_390 = arith.addi %add3A_276, %add3A_389 : i32
      %lt3A_391 = arith.constant 32 : i32
      %lt3A_392 = arith.cmpi slt, %add3A_390, %lt3A_391 : i32
      %convert_element_type3A_393 = arith.extui %lt3A_392 : i1 to i32
      %cond3A_394 = arith.constant 0 : i32
      %cond3A_395 = arith.cmpi ne, %convert_element_type3A_393, %cond3A_394 : i32
      scf.if %cond3A_395 {
        %add3A_415 = arith.constant 1 : i32
        %add3A_416 = arith.addi %add3A_276, %add3A_415 : i32
        %scan3A_417 = arith.constant 0 : i32
        %scan3A_418 = arith.constant 50 : i32
        %scan3A_419 = arith.addi %scan3A_417, %scan3A_418 : i32
        %scan3A_420 = arith.constant 5 : i32
        scf.for %scan3A_536 = %scan3A_417 to %scan3A_419 step %scan3A_420  : i32 {
          %mul3A_537 = arith.constant 1 : i32
          %mul3A_538 = arith.muli %scan3A_536, %mul3A_537 : i32
          %add3A_539 = arith.constant 0 : i32
          %add3A_540 = arith.addi %add3A_539, %mul3A_538 : i32
          %mul3A_541 = arith.constant 800 : i32
          %mul3A_542 = arith.muli %add3A_416, %mul3A_541 : i32
          %mul3A_543 = arith.constant 16 : i32
          %mul3A_544 = arith.muli %add3A_540, %mul3A_543 : i32
          %add3A_545 = arith.addi %mul3A_542, %mul3A_544 : i32
          %get3A = arith.index_cast %add3A_545 : i32 to index
          %get3A_546 = tpu.vector_load %arg5[%get3A] {strides = array<i32>} : memref<25600xi32, #tpu.memory_space<vmem>>, vector<16xi32>,
          %get3A_547 = vector.shape_cast %get3A_546 : vector<16xi32> to vector<16xi32>
          %mul3A_548 = arith.constant 8 : i32
          %mul3A_549 = vector.broadcast %mul3A_548 : i32 to vector<16xi32>
          %mul3A_550 = arith.muli %get3A_547, %mul3A_549 : vector<16xi32>
          %mul3A_551 = arith.constant 16 : i32
          %mul3A_552 = arith.muli %add3A_540, %mul3A_551 : i32
          %swap3A = arith.index_cast %mul3A_552 : i32 to index
          %swap3A_553 = tpu.vector_load %arg10[%swap3A] {strides = array<i32>} : memref<800xi32, #tpu.memory_space<vmem>>, vector<16xi32>,
          %swap3A_554 = vector.shape_cast %swap3A_553 : vector<16xi32> to vector<16xi32>
          %swap3A_555 = vector.shape_cast %mul3A_550 : vector<16xi32> to vector<16xi32>
          tpu.vector_store %arg10[%swap3A], %swap3A_555 {strides = array<i32>} : memref<800xi32, #tpu.memory_space<vmem>>, vector<16xi32>,
          %add3A_556 = arith.constant 1 : i32
          %add3A_557 = vector.broadcast %add3A_556 : i32 to vector<16xi32>
          %add3A_558 = arith.addi %mul3A_550, %add3A_557 : vector<16xi32>
          %mul3A_559 = arith.constant 16 : i32
          %mul3A_560 = arith.muli %add3A_540, %mul3A_559 : i32
          %swap3A_561 = arith.index_cast %mul3A_560 : i32 to index
          %swap3A_562 = tpu.vector_load %arg11[%swap3A_561] {strides = array<i32>} : memref<800xi32, #tpu.memory_space<vmem>>, vector<16xi32>,
          %swap3A_563 = vector.shape_cast %swap3A_562 : vector<16xi32> to vector<16xi32>
          %swap3A_564 = vector.shape_cast %add3A_558 : vector<16xi32> to vector<16xi32>
          tpu.vector_store %arg11[%swap3A_561], %swap3A_564 {strides = array<i32>} : memref<800xi32, #tpu.memory_space<vmem>>, vector<16xi32>,
          %scan3A_565 = arith.constant 1 : i32
          %scan3A_566 = arith.addi %scan3A_536, %scan3A_565 : i32
          %mul3A_567 = arith.constant 1 : i32
          %mul3A_568 = arith.muli %scan3A_566, %mul3A_567 : i32
          %add3A_569 = arith.constant 0 : i32
          %add3A_570 = arith.addi %add3A_569, %mul3A_568 : i32
          %mul3A_571 = arith.constant 800 : i32
          %mul3A_572 = arith.muli %add3A_416, %mul3A_571 : i32
          %mul3A_573 = arith.constant 16 : i32
          %mul3A_574 = arith.muli %add3A_570, %mul3A_573 : i32
          %add3A_575 = arith.addi %mul3A_572, %mul3A_574 : i32
          %get3A_576 = arith.index_cast %add3A_575 : i32 to index
          %get3A_577 = tpu.vector_load %arg5[%get3A_576] {strides = array<i32>} : memref<25600xi32, #tpu.memory_space<vmem>>, vector<16xi32>,
          %get3A_578 = vector.shape_cast %get3A_577 : vector<16xi32> to vector<16xi32>
          %mul3A_579 = arith.constant 8 : i32
          %mul3A_580 = vector.broadcast %mul3A_579 : i32 to vector<16xi32>
          %mul3A_581 = arith.muli %get3A_578, %mul3A_580 : vector<16xi32>
          %mul3A_582 = arith.constant 16 : i32
          %mul3A_583 = arith.muli %add3A_570, %mul3A_582 : i32
          %swap3A_584 = arith.index_cast %mul3A_583 : i32 to index
          %swap3A_585 = tpu.vector_load %arg10[%swap3A_584] {strides = array<i32>} : memref<800xi32, #tpu.memory_space<vmem>>, vector<16xi32>,
          %swap3A_586 = vector.shape_cast %swap3A_585 : vector<16xi32> to vector<16xi32>
          %swap3A_587 = vector.shape_cast %mul3A_581 : vector<16xi32> to vector<16xi32>
          tpu.vector_store %arg10[%swap3A_584], %swap3A_587 {strides = array<i32>} : memref<800xi32, #tpu.memory_space<vmem>>, vector<16xi32>,
          %add3A_588 = arith.constant 1 : i32
          %add3A_589 = vector.broadcast %add3A_588 : i32 to vector<16xi32>
          %add3A_590 = arith.addi %mul3A_581, %add3A_589 : vector<16xi32>
          %mul3A_591 = arith.constant 16 : i32
          %mul3A_592 = arith.muli %add3A_570, %mul3A_591 : i32
          %swap3A_593 = arith.index_cast %mul3A_592 : i32 to index
          %swap3A_594 = tpu.vector_load %arg11[%swap3A_593] {strides = array<i32>} : memref<800xi32, #tpu.memory_space<vmem>>, vector<16xi32>,
          %swap3A_595 = vector.shape_cast %swap3A_594 : vector<16xi32> to vector<16xi32>
          %swap3A_596 = vector.shape_cast %add3A_590 : vector<16xi32> to vector<16xi32>
          tpu.vector_store %arg11[%swap3A_593], %swap3A_596 {strides = array<i32>} : memref<800xi32, #tpu.memory_space<vmem>>, vector<16xi32>,
          %scan3A_597 = arith.constant 2 : i32
          %scan3A_598 = arith.addi %scan3A_536, %scan3A_597 : i32
          %mul3A_599 = arith.constant 1 : i32
          %mul3A_600 = arith.muli %scan3A_598, %mul3A_599 : i32
          %add3A_601 = arith.constant 0 : i32
          %add3A_602 = arith.addi %add3A_601, %mul3A_600 : i32
          %mul3A_603 = arith.constant 800 : i32
          %mul3A_604 = arith.muli %add3A_416, %mul3A_603 : i32
          %mul3A_605 = arith.constant 16 : i32
          %mul3A_606 = arith.muli %add3A_602, %mul3A_605 : i32
          %add3A_607 = arith.addi %mul3A_604, %mul3A_606 : i32
          %get3A_608 = arith.index_cast %add3A_607 : i32 to index
          %get3A_609 = tpu.vector_load %arg5[%get3A_608] {strides = array<i32>} : memref<25600xi32, #tpu.memory_space<vmem>>, vector<16xi32>,
          %get3A_610 = vector.shape_cast %get3A_609 : vector<16xi32> to vector<16xi32>
          %mul3A_611 = arith.constant 8 : i32
          %mul3A_612 = vector.broadcast %mul3A_611 : i32 to vector<16xi32>
          %mul3A_613 = arith.muli %get3A_610, %mul3A_612 : vector<16xi32>
          %mul3A_614 = arith.constant 16 : i32
          %mul3A_615 = arith.muli %add3A_602, %mul3A_614 : i32
          %swap3A_616 = arith.index_cast %mul3A_615 : i32 to index
          %swap3A_617 = tpu.vector_load %arg10[%swap3A_616] {strides = array<i32>} : memref<800xi32, #tpu.memory_space<vmem>>, vector<16xi32>,
          %swap3A_618 = vector.shape_cast %swap3A_617 : vector<16xi32> to vector<16xi32>
          %swap3A_619 = vector.shape_cast %mul3A_613 : vector<16xi32> to vector<16xi32>
          tpu.vector_store %arg10[%swap3A_616], %swap3A_619 {strides = array<i32>} : memref<800xi32, #tpu.memory_space<vmem>>, vector<16xi32>,
          %add3A_620 = arith.constant 1 : i32
          %add3A_621 = vector.broadcast %add3A_620 : i32 to vector<16xi32>
          %add3A_622 = arith.addi %mul3A_613, %add3A_621 : vector<16xi32>
          %mul3A_623 = arith.constant 16 : i32
          %mul3A_624 = arith.muli %add3A_602, %mul3A_623 : i32
          %swap3A_625 = arith.index_cast %mul3A_624 : i32 to index
          %swap3A_626 = tpu.vector_load %arg11[%swap3A_625] {strides = array<i32>} : memref<800xi32, #tpu.memory_space<vmem>>, vector<16xi32>,
          %swap3A_627 = vector.shape_cast %swap3A_626 : vector<16xi32> to vector<16xi32>
          %swap3A_628 = vector.shape_cast %add3A_622 : vector<16xi32> to vector<16xi32>
          tpu.vector_store %arg11[%swap3A_625], %swap3A_628 {strides = array<i32>} : memref<800xi32, #tpu.memory_space<vmem>>, vector<16xi32>,
          %scan3A_629 = arith.constant 3 : i32
          %scan3A_630 = arith.addi %scan3A_536, %scan3A_629 : i32
          %mul3A_631 = arith.constant 1 : i32
          %mul3A_632 = arith.muli %scan3A_630, %mul3A_631 : i32
          %add3A_633 = arith.constant 0 : i32
          %add3A_634 = arith.addi %add3A_633, %mul3A_632 : i32
          %mul3A_635 = arith.constant 800 : i32
          %mul3A_636 = arith.muli %add3A_416, %mul3A_635 : i32
          %mul3A_637 = arith.constant 16 : i32
          %mul3A_638 = arith.muli %add3A_634, %mul3A_637 : i32
          %add3A_639 = arith.addi %mul3A_636, %mul3A_638 : i32
          %get3A_640 = arith.index_cast %add3A_639 : i32 to index
          %get3A_641 = tpu.vector_load %arg5[%get3A_640] {strides = array<i32>} : memref<25600xi32, #tpu.memory_space<vmem>>, vector<16xi32>,
          %get3A_642 = vector.shape_cast %get3A_641 : vector<16xi32> to vector<16xi32>
          %mul3A_643 = arith.constant 8 : i32
          %mul3A_644 = vector.broadcast %mul3A_643 : i32 to vector<16xi32>
          %mul3A_645 = arith.muli %get3A_642, %mul3A_644 : vector<16xi32>
          %mul3A_646 = arith.constant 16 : i32
          %mul3A_647 = arith.muli %add3A_634, %mul3A_646 : i32
          %swap3A_648 = arith.index_cast %mul3A_647 : i32 to index
          %swap3A_649 = tpu.vector_load %arg10[%swap3A_648] {strides = array<i32>} : memref<800xi32, #tpu.memory_space<vmem>>, vector<16xi32>,
          %swap3A_650 = vector.shape_cast %swap3A_649 : vector<16xi32> to vector<16xi32>
          %swap3A_651 = vector.shape_cast %mul3A_645 : vector<16xi32> to vector<16xi32>
          tpu.vector_store %arg10[%swap3A_648], %swap3A_651 {strides = array<i32>} : memref<800xi32, #tpu.memory_space<vmem>>, vector<16xi32>,
          %add3A_652 = arith.constant 1 : i32
          %add3A_653 = vector.broadcast %add3A_652 : i32 to vector<16xi32>
          %add3A_654 = arith.addi %mul3A_645, %add3A_653 : vector<16xi32>
          %mul3A_655 = arith.constant 16 : i32
          %mul3A_656 = arith.muli %add3A_634, %mul3A_655 : i32
          %swap3A_657 = arith.index_cast %mul3A_656 : i32 to index
          %swap3A_658 = tpu.vector_load %arg11[%swap3A_657] {strides = array<i32>} : memref<800xi32, #tpu.memory_space<vmem>>, vector<16xi32>,
          %swap3A_659 = vector.shape_cast %swap3A_658 : vector<16xi32> to vector<16xi32>
          %swap3A_660 = vector.shape_cast %add3A_654 : vector<16xi32> to vector<16xi32>
          tpu.vector_store %arg11[%swap3A_657], %swap3A_660 {strides = array<i32>} : memref<800xi32, #tpu.memory_space<vmem>>, vector<16xi32>,
          %scan3A_661 = arith.constant 4 : i32
          %scan3A_662 = arith.addi %scan3A_536, %scan3A_661 : i32
          %mul3A_663 = arith.constant 1 : i32
          %mul3A_664 = arith.muli %scan3A_662, %mul3A_663 : i32
          %add3A_665 = arith.constant 0 : i32
          %add3A_666 = arith.addi %add3A_665, %mul3A_664 : i32
          %mul3A_667 = arith.constant 800 : i32
          %mul3A_668 = arith.muli %add3A_416, %mul3A_667 : i32
          %mul3A_669 = arith.constant 16 : i32
          %mul3A_670 = arith.muli %add3A_666, %mul3A_669 : i32
          %add3A_671 = arith.addi %mul3A_668, %mul3A_670 : i32
          %get3A_672 = arith.index_cast %add3A_671 : i32 to index
          %get3A_673 = tpu.vector_load %arg5[%get3A_672] {strides = array<i32>} : memref<25600xi32, #tpu.memory_space<vmem>>, vector<16xi32>,
          %get3A_674 = vector.shape_cast %get3A_673 : vector<16xi32> to vector<16xi32>
          %mul3A_675 = arith.constant 8 : i32
          %mul3A_676 = vector.broadcast %mul3A_675 : i32 to vector<16xi32>
          %mul3A_677 = arith.muli %get3A_674, %mul3A_676 : vector<16xi32>
          %mul3A_678 = arith.constant 16 : i32
          %mul3A_679 = arith.muli %add3A_666, %mul3A_678 : i32
          %swap3A_680 = arith.index_cast %mul3A_679 : i32 to index
          %swap3A_681 = tpu.vector_load %arg10[%swap3A_680] {strides = array<i32>} : memref<800xi32, #tpu.memory_space<vmem>>, vector<16xi32>,
          %swap3A_682 = vector.shape_cast %swap3A_681 : vector<16xi32> to vector<16xi32>
          %swap3A_683 = vector.shape_cast %mul3A_677 : vector<16xi32> to vector<16xi32>
          tpu.vector_store %arg10[%swap3A_680], %swap3A_683 {strides = array<i32>} : memref<800xi32, #tpu.memory_space<vmem>>, vector<16xi32>,
          %add3A_684 = arith.constant 1 : i32
          %add3A_685 = vector.broadcast %add3A_684 : i32 to vector<16xi32>
          %add3A_686 = arith.addi %mul3A_677, %add3A_685 : vector<16xi32>
          %mul3A_687 = arith.constant 16 : i32
          %mul3A_688 = arith.muli %add3A_666, %mul3A_687 : i32
          %swap3A_689 = arith.index_cast %mul3A_688 : i32 to index
          %swap3A_690 = tpu.vector_load %arg11[%swap3A_689] {strides = array<i32>} : memref<800xi32, #tpu.memory_space<vmem>>, vector<16xi32>,
          %swap3A_691 = vector.shape_cast %swap3A_690 : vector<16xi32> to vector<16xi32>
          %swap3A_692 = vector.shape_cast %add3A_686 : vector<16xi32> to vector<16xi32>
          tpu.vector_store %arg11[%swap3A_689], %swap3A_692 {strides = array<i32>} : memref<800xi32, #tpu.memory_space<vmem>>, vector<16xi32>,
        }
        %scan3A_421 = arith.constant 50 : i32
        %add3A_422 = arith.constant 1 : i32
        %add3A_423 = arith.addi %add3A_276, %add3A_422 : i32
        %dma_start3A_424 = arith.constant 0 : i32
        %dma_start3A_425 = arith.constant 0 : i32
        %dma_start3A_426 = tpu.memref_slice %arg6[%dma_start3A_424, %dma_start3A_425] : memref<800x16xf32, #tpu.memory_space<vmem>> -> memref<128x16xf32, #tpu.memory_space<vmem>>
        %dma_start3A_427 = arith.constant 0 : i32
        %dma_start3A_428 = tpu.memref_slice %arg10[%dma_start3A_427] : memref<800xi32, #tpu.memory_space<vmem>> -> memref<128xi32, #tpu.memory_space<vmem>>
        %dma_start3A_429 = arith.constant 0 : i32
        %dma_start3A_430 = arith.constant 0 : i32
        %dma_start3A_431 = tpu.memref_slice %arg3[%dma_start3A_429, %dma_start3A_430] : memref<8000000x16xf32, #tpu.memory_space<hbm>> -> memref<8000000x16xf32, #tpu.memory_space<hbm>>
        tpu.enqueue_indirect_dma source(%dma_start3A_431 : memref<8000000x16xf32, #tpu.memory_space<hbm>>) target(%dma_start3A_426 : memref<128x16xf32, #tpu.memory_space<vmem>>) offsets(%dma_start3A_428 : memref<128xi32, #tpu.memory_space<vmem>>) semaphore(%arg15 : memref<!tpu.dma_semaphore, #tpu.memory_space<semaphore_mem>>)
        %dma_start3A_432 = arith.constant 0 : i32
        %dma_start3A_433 = arith.constant 0 : i32
        %dma_start3A_434 = tpu.memref_slice %arg7[%dma_start3A_432, %dma_start3A_433] : memref<800x16xf32, #tpu.memory_space<vmem>> -> memref<128x16xf32, #tpu.memory_space<vmem>>
        %dma_start3A_435 = arith.constant 0 : i32
        %dma_start3A_436 = tpu.memref_slice %arg11[%dma_start3A_435] : memref<800xi32, #tpu.memory_space<vmem>> -> memref<128xi32, #tpu.memory_space<vmem>>
        %dma_start3A_437 = arith.constant 0 : i32
        %dma_start3A_438 = arith.constant 0 : i32
        %dma_start3A_439 = tpu.memref_slice %arg3[%dma_start3A_437, %dma_start3A_438] : memref<8000000x16xf32, #tpu.memory_space<hbm>> -> memref<8000000x16xf32, #tpu.memory_space<hbm>>
        tpu.enqueue_indirect_dma source(%dma_start3A_439 : memref<8000000x16xf32, #tpu.memory_space<hbm>>) target(%dma_start3A_434 : memref<128x16xf32, #tpu.memory_space<vmem>>) offsets(%dma_start3A_436 : memref<128xi32, #tpu.memory_space<vmem>>) semaphore(%arg15 : memref<!tpu.dma_semaphore, #tpu.memory_space<semaphore_mem>>)
        %dma_start3A_440 = arith.constant 128 : i32
        %dma_start3A_441 = arith.constant 0 : i32
        %dma_start3A_442 = tpu.memref_slice %arg6[%dma_start3A_440, %dma_start3A_441] : memref<800x16xf32, #tpu.memory_space<vmem>> -> memref<128x16xf32, #tpu.memory_space<vmem>>
        %dma_start3A_443 = arith.constant 128 : i32
        %dma_start3A_444 = tpu.memref_slice %arg10[%dma_start3A_443] : memref<800xi32, #tpu.memory_space<vmem>> -> memref<128xi32, #tpu.memory_space<vmem>>
        %dma_start3A_445 = arith.constant 0 : i32
        %dma_start3A_446 = arith.constant 0 : i32
        %dma_start3A_447 = tpu.memref_slice %arg3[%dma_start3A_445, %dma_start3A_446] : memref<8000000x16xf32, #tpu.memory_space<hbm>> -> memref<8000000x16xf32, #tpu.memory_space<hbm>>
        tpu.enqueue_indirect_dma source(%dma_start3A_447 : memref<8000000x16xf32, #tpu.memory_space<hbm>>) target(%dma_start3A_442 : memref<128x16xf32, #tpu.memory_space<vmem>>) offsets(%dma_start3A_444 : memref<128xi32, #tpu.memory_space<vmem>>) semaphore(%arg15 : memref<!tpu.dma_semaphore, #tpu.memory_space<semaphore_mem>>)
        %dma_start3A_448 = arith.constant 128 : i32
        %dma_start3A_449 = arith.constant 0 : i32
        %dma_start3A_450 = tpu.memref_slice %arg7[%dma_start3A_448, %dma_start3A_449] : memref<800x16xf32, #tpu.memory_space<vmem>> -> memref<128x16xf32, #tpu.memory_space<vmem>>
        %dma_start3A_451 = arith.constant 128 : i32
        %dma_start3A_452 = tpu.memref_slice %arg11[%dma_start3A_451] : memref<800xi32, #tpu.memory_space<vmem>> -> memref<128xi32, #tpu.memory_space<vmem>>
        %dma_start3A_453 = arith.constant 0 : i32
        %dma_start3A_454 = arith.constant 0 : i32
        %dma_start3A_455 = tpu.memref_slice %arg3[%dma_start3A_453, %dma_start3A_454] : memref<8000000x16xf32, #tpu.memory_space<hbm>> -> memref<8000000x16xf32, #tpu.memory_space<hbm>>
        tpu.enqueue_indirect_dma source(%dma_start3A_455 : memref<8000000x16xf32, #tpu.memory_space<hbm>>) target(%dma_start3A_450 : memref<128x16xf32, #tpu.memory_space<vmem>>) offsets(%dma_start3A_452 : memref<128xi32, #tpu.memory_space<vmem>>) semaphore(%arg15 : memref<!tpu.dma_semaphore, #tpu.memory_space<semaphore_mem>>)
        %dma_start3A_456 = arith.constant 256 : i32
        %dma_start3A_457 = arith.constant 0 : i32
        %dma_start3A_458 = tpu.memref_slice %arg6[%dma_start3A_456, %dma_start3A_457] : memref<800x16xf32, #tpu.memory_space<vmem>> -> memref<128x16xf32, #tpu.memory_space<vmem>>
        %dma_start3A_459 = arith.constant 256 : i32
        %dma_start3A_460 = tpu.memref_slice %arg10[%dma_start3A_459] : memref<800xi32, #tpu.memory_space<vmem>> -> memref<128xi32, #tpu.memory_space<vmem>>
        %dma_start3A_461 = arith.constant 0 : i32
        %dma_start3A_462 = arith.constant 0 : i32
        %dma_start3A_463 = tpu.memref_slice %arg3[%dma_start3A_461, %dma_start3A_462] : memref<8000000x16xf32, #tpu.memory_space<hbm>> -> memref<8000000x16xf32, #tpu.memory_space<hbm>>
        tpu.enqueue_indirect_dma source(%dma_start3A_463 : memref<8000000x16xf32, #tpu.memory_space<hbm>>) target(%dma_start3A_458 : memref<128x16xf32, #tpu.memory_space<vmem>>) offsets(%dma_start3A_460 : memref<128xi32, #tpu.memory_space<vmem>>) semaphore(%arg15 : memref<!tpu.dma_semaphore, #tpu.memory_space<semaphore_mem>>)
        %dma_start3A_464 = arith.constant 256 : i32
        %dma_start3A_465 = arith.constant 0 : i32
        %dma_start3A_466 = tpu.memref_slice %arg7[%dma_start3A_464, %dma_start3A_465] : memref<800x16xf32, #tpu.memory_space<vmem>> -> memref<128x16xf32, #tpu.memory_space<vmem>>
        %dma_start3A_467 = arith.constant 256 : i32
        %dma_start3A_468 = tpu.memref_slice %arg11[%dma_start3A_467] : memref<800xi32, #tpu.memory_space<vmem>> -> memref<128xi32, #tpu.memory_space<vmem>>
        %dma_start3A_469 = arith.constant 0 : i32
        %dma_start3A_470 = arith.constant 0 : i32
        %dma_start3A_471 = tpu.memref_slice %arg3[%dma_start3A_469, %dma_start3A_470] : memref<8000000x16xf32, #tpu.memory_space<hbm>> -> memref<8000000x16xf32, #tpu.memory_space<hbm>>
        tpu.enqueue_indirect_dma source(%dma_start3A_471 : memref<8000000x16xf32, #tpu.memory_space<hbm>>) target(%dma_start3A_466 : memref<128x16xf32, #tpu.memory_space<vmem>>) offsets(%dma_start3A_468 : memref<128xi32, #tpu.memory_space<vmem>>) semaphore(%arg15 : memref<!tpu.dma_semaphore, #tpu.memory_space<semaphore_mem>>)
        %dma_start3A_472 = arith.constant 384 : i32
        %dma_start3A_473 = arith.constant 0 : i32
        %dma_start3A_474 = tpu.memref_slice %arg6[%dma_start3A_472, %dma_start3A_473] : memref<800x16xf32, #tpu.memory_space<vmem>> -> memref<128x16xf32, #tpu.memory_space<vmem>>
        %dma_start3A_475 = arith.constant 384 : i32
        %dma_start3A_476 = tpu.memref_slice %arg10[%dma_start3A_475] : memref<800xi32, #tpu.memory_space<vmem>> -> memref<128xi32, #tpu.memory_space<vmem>>
        %dma_start3A_477 = arith.constant 0 : i32
        %dma_start3A_478 = arith.constant 0 : i32
        %dma_start3A_479 = tpu.memref_slice %arg3[%dma_start3A_477, %dma_start3A_478] : memref<8000000x16xf32, #tpu.memory_space<hbm>> -> memref<8000000x16xf32, #tpu.memory_space<hbm>>
        tpu.enqueue_indirect_dma source(%dma_start3A_479 : memref<8000000x16xf32, #tpu.memory_space<hbm>>) target(%dma_start3A_474 : memref<128x16xf32, #tpu.memory_space<vmem>>) offsets(%dma_start3A_476 : memref<128xi32, #tpu.memory_space<vmem>>) semaphore(%arg15 : memref<!tpu.dma_semaphore, #tpu.memory_space<semaphore_mem>>)
        %dma_start3A_480 = arith.constant 384 : i32
        %dma_start3A_481 = arith.constant 0 : i32
        %dma_start3A_482 = tpu.memref_slice %arg7[%dma_start3A_480, %dma_start3A_481] : memref<800x16xf32, #tpu.memory_space<vmem>> -> memref<128x16xf32, #tpu.memory_space<vmem>>
        %dma_start3A_483 = arith.constant 384 : i32
        %dma_start3A_484 = tpu.memref_slice %arg11[%dma_start3A_483] : memref<800xi32, #tpu.memory_space<vmem>> -> memref<128xi32, #tpu.memory_space<vmem>>
        %dma_start3A_485 = arith.constant 0 : i32
        %dma_start3A_486 = arith.constant 0 : i32
        %dma_start3A_487 = tpu.memref_slice %arg3[%dma_start3A_485, %dma_start3A_486] : memref<8000000x16xf32, #tpu.memory_space<hbm>> -> memref<8000000x16xf32, #tpu.memory_space<hbm>>
        tpu.enqueue_indirect_dma source(%dma_start3A_487 : memref<8000000x16xf32, #tpu.memory_space<hbm>>) target(%dma_start3A_482 : memref<128x16xf32, #tpu.memory_space<vmem>>) offsets(%dma_start3A_484 : memref<128xi32, #tpu.memory_space<vmem>>) semaphore(%arg15 : memref<!tpu.dma_semaphore, #tpu.memory_space<semaphore_mem>>)
        %dma_start3A_488 = arith.constant 512 : i32
        %dma_start3A_489 = arith.constant 0 : i32
        %dma_start3A_490 = tpu.memref_slice %arg6[%dma_start3A_488, %dma_start3A_489] : memref<800x16xf32, #tpu.memory_space<vmem>> -> memref<128x16xf32, #tpu.memory_space<vmem>>
        %dma_start3A_491 = arith.constant 512 : i32
        %dma_start3A_492 = tpu.memref_slice %arg10[%dma_start3A_491] : memref<800xi32, #tpu.memory_space<vmem>> -> memref<128xi32, #tpu.memory_space<vmem>>
        %dma_start3A_493 = arith.constant 0 : i32
        %dma_start3A_494 = arith.constant 0 : i32
        %dma_start3A_495 = tpu.memref_slice %arg3[%dma_start3A_493, %dma_start3A_494] : memref<8000000x16xf32, #tpu.memory_space<hbm>> -> memref<8000000x16xf32, #tpu.memory_space<hbm>>
        tpu.enqueue_indirect_dma source(%dma_start3A_495 : memref<8000000x16xf32, #tpu.memory_space<hbm>>) target(%dma_start3A_490 : memref<128x16xf32, #tpu.memory_space<vmem>>) offsets(%dma_start3A_492 : memref<128xi32, #tpu.memory_space<vmem>>) semaphore(%arg15 : memref<!tpu.dma_semaphore, #tpu.memory_space<semaphore_mem>>)
        %dma_start3A_496 = arith.constant 512 : i32
        %dma_start3A_497 = arith.constant 0 : i32
        %dma_start3A_498 = tpu.memref_slice %arg7[%dma_start3A_496, %dma_start3A_497] : memref<800x16xf32, #tpu.memory_space<vmem>> -> memref<128x16xf32, #tpu.memory_space<vmem>>
        %dma_start3A_499 = arith.constant 512 : i32
        %dma_start3A_500 = tpu.memref_slice %arg11[%dma_start3A_499] : memref<800xi32, #tpu.memory_space<vmem>> -> memref<128xi32, #tpu.memory_space<vmem>>
        %dma_start3A_501 = arith.constant 0 : i32
        %dma_start3A_502 = arith.constant 0 : i32
        %dma_start3A_503 = tpu.memref_slice %arg3[%dma_start3A_501, %dma_start3A_502] : memref<8000000x16xf32, #tpu.memory_space<hbm>> -> memref<8000000x16xf32, #tpu.memory_space<hbm>>
        tpu.enqueue_indirect_dma source(%dma_start3A_503 : memref<8000000x16xf32, #tpu.memory_space<hbm>>) target(%dma_start3A_498 : memref<128x16xf32, #tpu.memory_space<vmem>>) offsets(%dma_start3A_500 : memref<128xi32, #tpu.memory_space<vmem>>) semaphore(%arg15 : memref<!tpu.dma_semaphore, #tpu.memory_space<semaphore_mem>>)
        %dma_start3A_504 = arith.constant 640 : i32
        %dma_start3A_505 = arith.constant 0 : i32
        %dma_start3A_506 = tpu.memref_slice %arg6[%dma_start3A_504, %dma_start3A_505] : memref<800x16xf32, #tpu.memory_space<vmem>> -> memref<128x16xf32, #tpu.memory_space<vmem>>
        %dma_start3A_507 = arith.constant 640 : i32
        %dma_start3A_508 = tpu.memref_slice %arg10[%dma_start3A_507] : memref<800xi32, #tpu.memory_space<vmem>> -> memref<128xi32, #tpu.memory_space<vmem>>
        %dma_start3A_509 = arith.constant 0 : i32
        %dma_start3A_510 = arith.constant 0 : i32
        %dma_start3A_511 = tpu.memref_slice %arg3[%dma_start3A_509, %dma_start3A_510] : memref<8000000x16xf32, #tpu.memory_space<hbm>> -> memref<8000000x16xf32, #tpu.memory_space<hbm>>
        tpu.enqueue_indirect_dma source(%dma_start3A_511 : memref<8000000x16xf32, #tpu.memory_space<hbm>>) target(%dma_start3A_506 : memref<128x16xf32, #tpu.memory_space<vmem>>) offsets(%dma_start3A_508 : memref<128xi32, #tpu.memory_space<vmem>>) semaphore(%arg15 : memref<!tpu.dma_semaphore, #tpu.memory_space<semaphore_mem>>)
        %dma_start3A_512 = arith.constant 640 : i32
        %dma_start3A_513 = arith.constant 0 : i32
        %dma_start3A_514 = tpu.memref_slice %arg7[%dma_start3A_512, %dma_start3A_513] : memref<800x16xf32, #tpu.memory_space<vmem>> -> memref<128x16xf32, #tpu.memory_space<vmem>>
        %dma_start3A_515 = arith.constant 640 : i32
        %dma_start3A_516 = tpu.memref_slice %arg11[%dma_start3A_515] : memref<800xi32, #tpu.memory_space<vmem>> -> memref<128xi32, #tpu.memory_space<vmem>>
        %dma_start3A_517 = arith.constant 0 : i32
        %dma_start3A_518 = arith.constant 0 : i32
        %dma_start3A_519 = tpu.memref_slice %arg3[%dma_start3A_517, %dma_start3A_518] : memref<8000000x16xf32, #tpu.memory_space<hbm>> -> memref<8000000x16xf32, #tpu.memory_space<hbm>>
        tpu.enqueue_indirect_dma source(%dma_start3A_519 : memref<8000000x16xf32, #tpu.memory_space<hbm>>) target(%dma_start3A_514 : memref<128x16xf32, #tpu.memory_space<vmem>>) offsets(%dma_start3A_516 : memref<128xi32, #tpu.memory_space<vmem>>) semaphore(%arg15 : memref<!tpu.dma_semaphore, #tpu.memory_space<semaphore_mem>>)
        %dma_start3A_520 = arith.constant 768 : i32
        %dma_start3A_521 = arith.constant 0 : i32
        %dma_start3A_522 = tpu.memref_slice %arg6[%dma_start3A_520, %dma_start3A_521] : memref<800x16xf32, #tpu.memory_space<vmem>> -> memref<32x16xf32, #tpu.memory_space<vmem>>
        %dma_start3A_523 = arith.constant 768 : i32
        %dma_start3A_524 = tpu.memref_slice %arg10[%dma_start3A_523] : memref<800xi32, #tpu.memory_space<vmem>> -> memref<32xi32, #tpu.memory_space<vmem>>
        %dma_start3A_525 = arith.constant 0 : i32
        %dma_start3A_526 = arith.constant 0 : i32
        %dma_start3A_527 = tpu.memref_slice %arg3[%dma_start3A_525, %dma_start3A_526] : memref<8000000x16xf32, #tpu.memory_space<hbm>> -> memref<8000000x16xf32, #tpu.memory_space<hbm>>
        tpu.enqueue_indirect_dma source(%dma_start3A_527 : memref<8000000x16xf32, #tpu.memory_space<hbm>>) target(%dma_start3A_522 : memref<32x16xf32, #tpu.memory_space<vmem>>) offsets(%dma_start3A_524 : memref<32xi32, #tpu.memory_space<vmem>>) semaphore(%arg15 : memref<!tpu.dma_semaphore, #tpu.memory_space<semaphore_mem>>)
        %dma_start3A_528 = arith.constant 768 : i32
        %dma_start3A_529 = arith.constant 0 : i32
        %dma_start3A_530 = tpu.memref_slice %arg7[%dma_start3A_528, %dma_start3A_529] : memref<800x16xf32, #tpu.memory_space<vmem>> -> memref<32x16xf32, #tpu.memory_space<vmem>>
        %dma_start3A_531 = arith.constant 768 : i32
        %dma_start3A_532 = tpu.memref_slice %arg11[%dma_start3A_531] : memref<800xi32, #tpu.memory_space<vmem>> -> memref<32xi32, #tpu.memory_space<vmem>>
        %dma_start3A_533 = arith.constant 0 : i32
        %dma_start3A_534 = arith.constant 0 : i32
        %dma_start3A_535 = tpu.memref_slice %arg3[%dma_start3A_533, %dma_start3A_534] : memref<8000000x16xf32, #tpu.memory_space<hbm>> -> memref<8000000x16xf32, #tpu.memory_space<hbm>>
        tpu.enqueue_indirect_dma source(%dma_start3A_535 : memref<8000000x16xf32, #tpu.memory_space<hbm>>) target(%dma_start3A_530 : memref<32x16xf32, #tpu.memory_space<vmem>>) offsets(%dma_start3A_532 : memref<32xi32, #tpu.memory_space<vmem>>) semaphore(%arg15 : memref<!tpu.dma_semaphore, #tpu.memory_space<semaphore_mem>>)
      } else {
      }
      %ge3A_396 = arith.constant 1 : i32
      %ge3A_397 = arith.cmpi sge, %add3A_276, %ge3A_396 : i32
      %convert_element_type3A_398 = arith.extui %ge3A_397 : i1 to i32
      %cond3A_399 = arith.constant 0 : i32
      %cond3A_400 = arith.cmpi ne, %convert_element_type3A_398, %cond3A_399 : i32
      scf.if %cond3A_400 {
        %sub3A = arith.constant 1 : i32
        %sub3A_415 = arith.subi %add3A_276, %sub3A : i32
        %mul3A_416 = arith.constant 16 : i32
        %mul3A_417 = arith.muli %sub3A_415, %mul3A_416 : i32
        %add3A_418 = arith.addi %mul3A_2, %mul3A_417 : i32
        %dma_wait3A_419 = arith.constant 0 : i32
        %dma_wait3A_420 = arith.constant 0 : i32
        %dma_wait3A_421 = tpu.memref_slice %arg4[%add3A_418, %dma_wait3A_419, %dma_wait3A_420] : memref<16384x50x32xf32, #tpu.memory_space<hbm>> -> memref<16x50x32xf32, #tpu.memory_space<hbm>>
        %dma_wait3A_422 = arith.constant 0 : i32
        %dma_wait3A_423 = arith.constant 0 : i32
        %dma_wait3A_424 = tpu.memref_slice %arg4[%add3A_418, %dma_wait3A_422, %dma_wait3A_423] : memref<16384x50x32xf32, #tpu.memory_space<hbm>> -> memref<16x50x32xf32, #tpu.memory_space<hbm>>
        tpu.wait_dma2 semaphore(%arg17 : memref<!tpu.dma_semaphore, #tpu.memory_space<semaphore_mem>>) src(%arg14 : memref<16x50x32xf32, #tpu.memory_space<vmem>>) dst(%dma_wait3A_424 : memref<16x50x32xf32, #tpu.memory_space<hbm>>)
      } else {
      }
      %scan3A_401 = arith.constant 0 : i32
      %scan3A_402 = arith.constant 16 : i32
      %scan3A_403 = arith.addi %scan3A_401, %scan3A_402 : i32
      %scan3A_404 = arith.constant 1 : i32
      scf.for %scan3A_415 = %scan3A_401 to %scan3A_403 step %scan3A_404  : i32 {
        %mul3A_416 = arith.constant 1 : i32
        %mul3A_417 = arith.muli %scan3A_415, %mul3A_416 : i32
        %add3A_418 = arith.constant 0 : i32
        %add3A_419 = arith.addi %add3A_418, %mul3A_417 : i32
        %scan3A_420 = arith.constant 0 : i32
        %scan3A_421 = arith.constant 50 : i32
        %scan3A_422 = arith.addi %scan3A_420, %scan3A_421 : i32
        %scan3A_423 = arith.constant 10 : i32
        scf.for %scan3A_425 = %scan3A_420 to %scan3A_422 step %scan3A_423  : i32 {
          %mul3A_426 = arith.constant 1 : i32
          %mul3A_427 = arith.muli %scan3A_425, %mul3A_426 : i32
          %add3A_428 = arith.constant 0 : i32
          %add3A_429 = arith.addi %add3A_428, %mul3A_427 : i32
          %mul3A_430 = arith.constant 50 : i32
          %mul3A_431 = arith.muli %add3A_419, %mul3A_430 : i32
          %add3A_432 = arith.addi %mul3A_431, %add3A_429 : i32
          %get3A = arith.index_cast %add3A_432 : i32 to index
          %get3A_433 = arith.constant 0 : index
          %get3A_434 = tpu.vector_load %arg8[%get3A, %get3A_433] {strides = array<i32>} : memref<800x16xf32, #tpu.memory_space<vmem>>, vector<1x16xf32>,
          %get3A_435 = vector.shape_cast %get3A_434 : vector<1x16xf32> to vector<16xf32>
          %swap3A = arith.index_cast %add3A_419 : i32 to index
          %swap3A_436 = arith.index_cast %add3A_429 : i32 to index
          %swap3A_437 = arith.constant 0 : index
          %swap3A_438 = tpu.vector_load %arg14[%swap3A, %swap3A_436, %swap3A_437] {strides = array<i32>} : memref<16x50x32xf32, #tpu.memory_space<vmem>>, vector<1x1x16xf32>,
          %swap3A_439 = vector.shape_cast %swap3A_438 : vector<1x1x16xf32> to vector<16xf32>
          %swap3A_440 = vector.shape_cast %get3A_435 : vector<16xf32> to vector<1x1x16xf32>
          tpu.vector_store %arg14[%swap3A, %swap3A_436, %swap3A_437], %swap3A_440 {strides = array<i32>} : memref<16x50x32xf32, #tpu.memory_space<vmem>>, vector<1x1x16xf32>,
          %get3A_441 = arith.index_cast %add3A_432 : i32 to index
          %get3A_442 = arith.constant 0 : index
          %get3A_443 = tpu.vector_load %arg9[%get3A_441, %get3A_442] {strides = array<i32>} : memref<800x16xf32, #tpu.memory_space<vmem>>, vector<1x16xf32>,
          %get3A_444 = vector.shape_cast %get3A_443 : vector<1x16xf32> to vector<16xf32>
          %swap3A_445 = arith.index_cast %add3A_419 : i32 to index
          %swap3A_446 = arith.index_cast %add3A_429 : i32 to index
          %swap3A_447 = arith.constant 16 : index
          %swap3A_448 = tpu.vector_load %arg14[%swap3A_445, %swap3A_446, %swap3A_447] {strides = array<i32>} : memref<16x50x32xf32, #tpu.memory_space<vmem>>, vector<1x1x16xf32>,
          %swap3A_449 = vector.shape_cast %swap3A_448 : vector<1x1x16xf32> to vector<16xf32>
          %swap3A_450 = vector.shape_cast %get3A_444 : vector<16xf32> to vector<1x1x16xf32>
          tpu.vector_store %arg14[%swap3A_445, %swap3A_446, %swap3A_447], %swap3A_450 {strides = array<i32>} : memref<16x50x32xf32, #tpu.memory_space<vmem>>, vector<1x1x16xf32>,
          %scan3A_451 = arith.constant 1 : i32
          %scan3A_452 = arith.addi %scan3A_425, %scan3A_451 : i32
          %mul3A_453 = arith.constant 1 : i32
          %mul3A_454 = arith.muli %scan3A_452, %mul3A_453 : i32
          %add3A_455 = arith.constant 0 : i32
          %add3A_456 = arith.addi %add3A_455, %mul3A_454 : i32
          %mul3A_457 = arith.constant 50 : i32
          %mul3A_458 = arith.muli %add3A_419, %mul3A_457 : i32
          %add3A_459 = arith.addi %mul3A_458, %add3A_456 : i32
          %get3A_460 = arith.index_cast %add3A_459 : i32 to index
          %get3A_461 = arith.constant 0 : index
          %get3A_462 = tpu.vector_load %arg8[%get3A_460, %get3A_461] {strides = array<i32>} : memref<800x16xf32, #tpu.memory_space<vmem>>, vector<1x16xf32>,
          %get3A_463 = vector.shape_cast %get3A_462 : vector<1x16xf32> to vector<16xf32>
          %swap3A_464 = arith.index_cast %add3A_419 : i32 to index
          %swap3A_465 = arith.index_cast %add3A_456 : i32 to index
          %swap3A_466 = arith.constant 0 : index
          %swap3A_467 = tpu.vector_load %arg14[%swap3A_464, %swap3A_465, %swap3A_466] {strides = array<i32>} : memref<16x50x32xf32, #tpu.memory_space<vmem>>, vector<1x1x16xf32>,
          %swap3A_468 = vector.shape_cast %swap3A_467 : vector<1x1x16xf32> to vector<16xf32>
          %swap3A_469 = vector.shape_cast %get3A_463 : vector<16xf32> to vector<1x1x16xf32>
          tpu.vector_store %arg14[%swap3A_464, %swap3A_465, %swap3A_466], %swap3A_469 {strides = array<i32>} : memref<16x50x32xf32, #tpu.memory_space<vmem>>, vector<1x1x16xf32>,
          %get3A_470 = arith.index_cast %add3A_459 : i32 to index
          %get3A_471 = arith.constant 0 : index
          %get3A_472 = tpu.vector_load %arg9[%get3A_470, %get3A_471] {strides = array<i32>} : memref<800x16xf32, #tpu.memory_space<vmem>>, vector<1x16xf32>,
          %get3A_473 = vector.shape_cast %get3A_472 : vector<1x16xf32> to vector<16xf32>
          %swap3A_474 = arith.index_cast %add3A_419 : i32 to index
          %swap3A_475 = arith.index_cast %add3A_456 : i32 to index
          %swap3A_476 = arith.constant 16 : index
          %swap3A_477 = tpu.vector_load %arg14[%swap3A_474, %swap3A_475, %swap3A_476] {strides = array<i32>} : memref<16x50x32xf32, #tpu.memory_space<vmem>>, vector<1x1x16xf32>,
          %swap3A_478 = vector.shape_cast %swap3A_477 : vector<1x1x16xf32> to vector<16xf32>
          %swap3A_479 = vector.shape_cast %get3A_473 : vector<16xf32> to vector<1x1x16xf32>
          tpu.vector_store %arg14[%swap3A_474, %swap3A_475, %swap3A_476], %swap3A_479 {strides = array<i32>} : memref<16x50x32xf32, #tpu.memory_space<vmem>>, vector<1x1x16xf32>,
          %scan3A_480 = arith.constant 2 : i32
          %scan3A_481 = arith.addi %scan3A_425, %scan3A_480 : i32
          %mul3A_482 = arith.constant 1 : i32
          %mul3A_483 = arith.muli %scan3A_481, %mul3A_482 : i32
          %add3A_484 = arith.constant 0 : i32
          %add3A_485 = arith.addi %add3A_484, %mul3A_483 : i32
          %mul3A_486 = arith.constant 50 : i32
          %mul3A_487 = arith.muli %add3A_419, %mul3A_486 : i32
          %add3A_488 = arith.addi %mul3A_487, %add3A_485 : i32
          %get3A_489 = arith.index_cast %add3A_488 : i32 to index
          %get3A_490 = arith.constant 0 : index
          %get3A_491 = tpu.vector_load %arg8[%get3A_489, %get3A_490] {strides = array<i32>} : memref<800x16xf32, #tpu.memory_space<vmem>>, vector<1x16xf32>,
          %get3A_492 = vector.shape_cast %get3A_491 : vector<1x16xf32> to vector<16xf32>
          %swap3A_493 = arith.index_cast %add3A_419 : i32 to index
          %swap3A_494 = arith.index_cast %add3A_485 : i32 to index
          %swap3A_495 = arith.constant 0 : index
          %swap3A_496 = tpu.vector_load %arg14[%swap3A_493, %swap3A_494, %swap3A_495] {strides = array<i32>} : memref<16x50x32xf32, #tpu.memory_space<vmem>>, vector<1x1x16xf32>,
          %swap3A_497 = vector.shape_cast %swap3A_496 : vector<1x1x16xf32> to vector<16xf32>
          %swap3A_498 = vector.shape_cast %get3A_492 : vector<16xf32> to vector<1x1x16xf32>
          tpu.vector_store %arg14[%swap3A_493, %swap3A_494, %swap3A_495], %swap3A_498 {strides = array<i32>} : memref<16x50x32xf32, #tpu.memory_space<vmem>>, vector<1x1x16xf32>,
          %get3A_499 = arith.index_cast %add3A_488 : i32 to index
          %get3A_500 = arith.constant 0 : index
          %get3A_501 = tpu.vector_load %arg9[%get3A_499, %get3A_500] {strides = array<i32>} : memref<800x16xf32, #tpu.memory_space<vmem>>, vector<1x16xf32>,
          %get3A_502 = vector.shape_cast %get3A_501 : vector<1x16xf32> to vector<16xf32>
          %swap3A_503 = arith.index_cast %add3A_419 : i32 to index
          %swap3A_504 = arith.index_cast %add3A_485 : i32 to index
          %swap3A_505 = arith.constant 16 : index
          %swap3A_506 = tpu.vector_load %arg14[%swap3A_503, %swap3A_504, %swap3A_505] {strides = array<i32>} : memref<16x50x32xf32, #tpu.memory_space<vmem>>, vector<1x1x16xf32>,
          %swap3A_507 = vector.shape_cast %swap3A_506 : vector<1x1x16xf32> to vector<16xf32>
          %swap3A_508 = vector.shape_cast %get3A_502 : vector<16xf32> to vector<1x1x16xf32>
          tpu.vector_store %arg14[%swap3A_503, %swap3A_504, %swap3A_505], %swap3A_508 {strides = array<i32>} : memref<16x50x32xf32, #tpu.memory_space<vmem>>, vector<1x1x16xf32>,
          %scan3A_509 = arith.constant 3 : i32
          %scan3A_510 = arith.addi %scan3A_425, %scan3A_509 : i32
          %mul3A_511 = arith.constant 1 : i32
          %mul3A_512 = arith.muli %scan3A_510, %mul3A_511 : i32
          %add3A_513 = arith.constant 0 : i32
          %add3A_514 = arith.addi %add3A_513, %mul3A_512 : i32
          %mul3A_515 = arith.constant 50 : i32
          %mul3A_516 = arith.muli %add3A_419, %mul3A_515 : i32
          %add3A_517 = arith.addi %mul3A_516, %add3A_514 : i32
          %get3A_518 = arith.index_cast %add3A_517 : i32 to index
          %get3A_519 = arith.constant 0 : index
          %get3A_520 = tpu.vector_load %arg8[%get3A_518, %get3A_519] {strides = array<i32>} : memref<800x16xf32, #tpu.memory_space<vmem>>, vector<1x16xf32>,
          %get3A_521 = vector.shape_cast %get3A_520 : vector<1x16xf32> to vector<16xf32>
          %swap3A_522 = arith.index_cast %add3A_419 : i32 to index
          %swap3A_523 = arith.index_cast %add3A_514 : i32 to index
          %swap3A_524 = arith.constant 0 : index
          %swap3A_525 = tpu.vector_load %arg14[%swap3A_522, %swap3A_523, %swap3A_524] {strides = array<i32>} : memref<16x50x32xf32, #tpu.memory_space<vmem>>, vector<1x1x16xf32>,
          %swap3A_526 = vector.shape_cast %swap3A_525 : vector<1x1x16xf32> to vector<16xf32>
          %swap3A_527 = vector.shape_cast %get3A_521 : vector<16xf32> to vector<1x1x16xf32>
          tpu.vector_store %arg14[%swap3A_522, %swap3A_523, %swap3A_524], %swap3A_527 {strides = array<i32>} : memref<16x50x32xf32, #tpu.memory_space<vmem>>, vector<1x1x16xf32>,
          %get3A_528 = arith.index_cast %add3A_517 : i32 to index
          %get3A_529 = arith.constant 0 : index
          %get3A_530 = tpu.vector_load %arg9[%get3A_528, %get3A_529] {strides = array<i32>} : memref<800x16xf32, #tpu.memory_space<vmem>>, vector<1x16xf32>,
          %get3A_531 = vector.shape_cast %get3A_530 : vector<1x16xf32> to vector<16xf32>
          %swap3A_532 = arith.index_cast %add3A_419 : i32 to index
          %swap3A_533 = arith.index_cast %add3A_514 : i32 to index
          %swap3A_534 = arith.constant 16 : index
          %swap3A_535 = tpu.vector_load %arg14[%swap3A_532, %swap3A_533, %swap3A_534] {strides = array<i32>} : memref<16x50x32xf32, #tpu.memory_space<vmem>>, vector<1x1x16xf32>,
          %swap3A_536 = vector.shape_cast %swap3A_535 : vector<1x1x16xf32> to vector<16xf32>
          %swap3A_537 = vector.shape_cast %get3A_531 : vector<16xf32> to vector<1x1x16xf32>
          tpu.vector_store %arg14[%swap3A_532, %swap3A_533, %swap3A_534], %swap3A_537 {strides = array<i32>} : memref<16x50x32xf32, #tpu.memory_space<vmem>>, vector<1x1x16xf32>,
          %scan3A_538 = arith.constant 4 : i32
          %scan3A_539 = arith.addi %scan3A_425, %scan3A_538 : i32
          %mul3A_540 = arith.constant 1 : i32
          %mul3A_541 = arith.muli %scan3A_539, %mul3A_540 : i32
          %add3A_542 = arith.constant 0 : i32
          %add3A_543 = arith.addi %add3A_542, %mul3A_541 : i32
          %mul3A_544 = arith.constant 50 : i32
          %mul3A_545 = arith.muli %add3A_419, %mul3A_544 : i32
          %add3A_546 = arith.addi %mul3A_545, %add3A_543 : i32
          %get3A_547 = arith.index_cast %add3A_546 : i32 to index
          %get3A_548 = arith.constant 0 : index
          %get3A_549 = tpu.vector_load %arg8[%get3A_547, %get3A_548] {strides = array<i32>} : memref<800x16xf32, #tpu.memory_space<vmem>>, vector<1x16xf32>,
          %get3A_550 = vector.shape_cast %get3A_549 : vector<1x16xf32> to vector<16xf32>
          %swap3A_551 = arith.index_cast %add3A_419 : i32 to index
          %swap3A_552 = arith.index_cast %add3A_543 : i32 to index
          %swap3A_553 = arith.constant 0 : index
          %swap3A_554 = tpu.vector_load %arg14[%swap3A_551, %swap3A_552, %swap3A_553] {strides = array<i32>} : memref<16x50x32xf32, #tpu.memory_space<vmem>>, vector<1x1x16xf32>,
          %swap3A_555 = vector.shape_cast %swap3A_554 : vector<1x1x16xf32> to vector<16xf32>
          %swap3A_556 = vector.shape_cast %get3A_550 : vector<16xf32> to vector<1x1x16xf32>
          tpu.vector_store %arg14[%swap3A_551, %swap3A_552, %swap3A_553], %swap3A_556 {strides = array<i32>} : memref<16x50x32xf32, #tpu.memory_space<vmem>>, vector<1x1x16xf32>,
          %get3A_557 = arith.index_cast %add3A_546 : i32 to index
          %get3A_558 = arith.constant 0 : index
          %get3A_559 = tpu.vector_load %arg9[%get3A_557, %get3A_558] {strides = array<i32>} : memref<800x16xf32, #tpu.memory_space<vmem>>, vector<1x16xf32>,
          %get3A_560 = vector.shape_cast %get3A_559 : vector<1x16xf32> to vector<16xf32>
          %swap3A_561 = arith.index_cast %add3A_419 : i32 to index
          %swap3A_562 = arith.index_cast %add3A_543 : i32 to index
          %swap3A_563 = arith.constant 16 : index
          %swap3A_564 = tpu.vector_load %arg14[%swap3A_561, %swap3A_562, %swap3A_563] {strides = array<i32>} : memref<16x50x32xf32, #tpu.memory_space<vmem>>, vector<1x1x16xf32>,
          %swap3A_565 = vector.shape_cast %swap3A_564 : vector<1x1x16xf32> to vector<16xf32>
          %swap3A_566 = vector.shape_cast %get3A_560 : vector<16xf32> to vector<1x1x16xf32>
          tpu.vector_store %arg14[%swap3A_561, %swap3A_562, %swap3A_563], %swap3A_566 {strides = array<i32>} : memref<16x50x32xf32, #tpu.memory_space<vmem>>, vector<1x1x16xf32>,
          %scan3A_567 = arith.constant 5 : i32
          %scan3A_568 = arith.addi %scan3A_425, %scan3A_567 : i32
          %mul3A_569 = arith.constant 1 : i32
          %mul3A_570 = arith.muli %scan3A_568, %mul3A_569 : i32
          %add3A_571 = arith.constant 0 : i32
          %add3A_572 = arith.addi %add3A_571, %mul3A_570 : i32
          %mul3A_573 = arith.constant 50 : i32
          %mul3A_574 = arith.muli %add3A_419, %mul3A_573 : i32
          %add3A_575 = arith.addi %mul3A_574, %add3A_572 : i32
          %get3A_576 = arith.index_cast %add3A_575 : i32 to index
          %get3A_577 = arith.constant 0 : index
          %get3A_578 = tpu.vector_load %arg8[%get3A_576, %get3A_577] {strides = array<i32>} : memref<800x16xf32, #tpu.memory_space<vmem>>, vector<1x16xf32>,
          %get3A_579 = vector.shape_cast %get3A_578 : vector<1x16xf32> to vector<16xf32>
          %swap3A_580 = arith.index_cast %add3A_419 : i32 to index
          %swap3A_581 = arith.index_cast %add3A_572 : i32 to index
          %swap3A_582 = arith.constant 0 : index
          %swap3A_583 = tpu.vector_load %arg14[%swap3A_580, %swap3A_581, %swap3A_582] {strides = array<i32>} : memref<16x50x32xf32, #tpu.memory_space<vmem>>, vector<1x1x16xf32>,
          %swap3A_584 = vector.shape_cast %swap3A_583 : vector<1x1x16xf32> to vector<16xf32>
          %swap3A_585 = vector.shape_cast %get3A_579 : vector<16xf32> to vector<1x1x16xf32>
          tpu.vector_store %arg14[%swap3A_580, %swap3A_581, %swap3A_582], %swap3A_585 {strides = array<i32>} : memref<16x50x32xf32, #tpu.memory_space<vmem>>, vector<1x1x16xf32>,
          %get3A_586 = arith.index_cast %add3A_575 : i32 to index
          %get3A_587 = arith.constant 0 : index
          %get3A_588 = tpu.vector_load %arg9[%get3A_586, %get3A_587] {strides = array<i32>} : memref<800x16xf32, #tpu.memory_space<vmem>>, vector<1x16xf32>,
          %get3A_589 = vector.shape_cast %get3A_588 : vector<1x16xf32> to vector<16xf32>
          %swap3A_590 = arith.index_cast %add3A_419 : i32 to index
          %swap3A_591 = arith.index_cast %add3A_572 : i32 to index
          %swap3A_592 = arith.constant 16 : index
          %swap3A_593 = tpu.vector_load %arg14[%swap3A_590, %swap3A_591, %swap3A_592] {strides = array<i32>} : memref<16x50x32xf32, #tpu.memory_space<vmem>>, vector<1x1x16xf32>,
          %swap3A_594 = vector.shape_cast %swap3A_593 : vector<1x1x16xf32> to vector<16xf32>
          %swap3A_595 = vector.shape_cast %get3A_589 : vector<16xf32> to vector<1x1x16xf32>
          tpu.vector_store %arg14[%swap3A_590, %swap3A_591, %swap3A_592], %swap3A_595 {strides = array<i32>} : memref<16x50x32xf32, #tpu.memory_space<vmem>>, vector<1x1x16xf32>,
          %scan3A_596 = arith.constant 6 : i32
          %scan3A_597 = arith.addi %scan3A_425, %scan3A_596 : i32
          %mul3A_598 = arith.constant 1 : i32
          %mul3A_599 = arith.muli %scan3A_597, %mul3A_598 : i32
          %add3A_600 = arith.constant 0 : i32
          %add3A_601 = arith.addi %add3A_600, %mul3A_599 : i32
          %mul3A_602 = arith.constant 50 : i32
          %mul3A_603 = arith.muli %add3A_419, %mul3A_602 : i32
          %add3A_604 = arith.addi %mul3A_603, %add3A_601 : i32
          %get3A_605 = arith.index_cast %add3A_604 : i32 to index
          %get3A_606 = arith.constant 0 : index
          %get3A_607 = tpu.vector_load %arg8[%get3A_605, %get3A_606] {strides = array<i32>} : memref<800x16xf32, #tpu.memory_space<vmem>>, vector<1x16xf32>,
          %get3A_608 = vector.shape_cast %get3A_607 : vector<1x16xf32> to vector<16xf32>
          %swap3A_609 = arith.index_cast %add3A_419 : i32 to index
          %swap3A_610 = arith.index_cast %add3A_601 : i32 to index
          %swap3A_611 = arith.constant 0 : index
          %swap3A_612 = tpu.vector_load %arg14[%swap3A_609, %swap3A_610, %swap3A_611] {strides = array<i32>} : memref<16x50x32xf32, #tpu.memory_space<vmem>>, vector<1x1x16xf32>,
          %swap3A_613 = vector.shape_cast %swap3A_612 : vector<1x1x16xf32> to vector<16xf32>
          %swap3A_614 = vector.shape_cast %get3A_608 : vector<16xf32> to vector<1x1x16xf32>
          tpu.vector_store %arg14[%swap3A_609, %swap3A_610, %swap3A_611], %swap3A_614 {strides = array<i32>} : memref<16x50x32xf32, #tpu.memory_space<vmem>>, vector<1x1x16xf32>,
          %get3A_615 = arith.index_cast %add3A_604 : i32 to index
          %get3A_616 = arith.constant 0 : index
          %get3A_617 = tpu.vector_load %arg9[%get3A_615, %get3A_616] {strides = array<i32>} : memref<800x16xf32, #tpu.memory_space<vmem>>, vector<1x16xf32>,
          %get3A_618 = vector.shape_cast %get3A_617 : vector<1x16xf32> to vector<16xf32>
          %swap3A_619 = arith.index_cast %add3A_419 : i32 to index
          %swap3A_620 = arith.index_cast %add3A_601 : i32 to index
          %swap3A_621 = arith.constant 16 : index
          %swap3A_622 = tpu.vector_load %arg14[%swap3A_619, %swap3A_620, %swap3A_621] {strides = array<i32>} : memref<16x50x32xf32, #tpu.memory_space<vmem>>, vector<1x1x16xf32>,
          %swap3A_623 = vector.shape_cast %swap3A_622 : vector<1x1x16xf32> to vector<16xf32>
          %swap3A_624 = vector.shape_cast %get3A_618 : vector<16xf32> to vector<1x1x16xf32>
          tpu.vector_store %arg14[%swap3A_619, %swap3A_620, %swap3A_621], %swap3A_624 {strides = array<i32>} : memref<16x50x32xf32, #tpu.memory_space<vmem>>, vector<1x1x16xf32>,
          %scan3A_625 = arith.constant 7 : i32
          %scan3A_626 = arith.addi %scan3A_425, %scan3A_625 : i32
          %mul3A_627 = arith.constant 1 : i32
          %mul3A_628 = arith.muli %scan3A_626, %mul3A_627 : i32
          %add3A_629 = arith.constant 0 : i32
          %add3A_630 = arith.addi %add3A_629, %mul3A_628 : i32
          %mul3A_631 = arith.constant 50 : i32
          %mul3A_632 = arith.muli %add3A_419, %mul3A_631 : i32
          %add3A_633 = arith.addi %mul3A_632, %add3A_630 : i32
          %get3A_634 = arith.index_cast %add3A_633 : i32 to index
          %get3A_635 = arith.constant 0 : index
          %get3A_636 = tpu.vector_load %arg8[%get3A_634, %get3A_635] {strides = array<i32>} : memref<800x16xf32, #tpu.memory_space<vmem>>, vector<1x16xf32>,
          %get3A_637 = vector.shape_cast %get3A_636 : vector<1x16xf32> to vector<16xf32>
          %swap3A_638 = arith.index_cast %add3A_419 : i32 to index
          %swap3A_639 = arith.index_cast %add3A_630 : i32 to index
          %swap3A_640 = arith.constant 0 : index
          %swap3A_641 = tpu.vector_load %arg14[%swap3A_638, %swap3A_639, %swap3A_640] {strides = array<i32>} : memref<16x50x32xf32, #tpu.memory_space<vmem>>, vector<1x1x16xf32>,
          %swap3A_642 = vector.shape_cast %swap3A_641 : vector<1x1x16xf32> to vector<16xf32>
          %swap3A_643 = vector.shape_cast %get3A_637 : vector<16xf32> to vector<1x1x16xf32>
          tpu.vector_store %arg14[%swap3A_638, %swap3A_639, %swap3A_640], %swap3A_643 {strides = array<i32>} : memref<16x50x32xf32, #tpu.memory_space<vmem>>, vector<1x1x16xf32>,
          %get3A_644 = arith.index_cast %add3A_633 : i32 to index
          %get3A_645 = arith.constant 0 : index
          %get3A_646 = tpu.vector_load %arg9[%get3A_644, %get3A_645] {strides = array<i32>} : memref<800x16xf32, #tpu.memory_space<vmem>>, vector<1x16xf32>,
          %get3A_647 = vector.shape_cast %get3A_646 : vector<1x16xf32> to vector<16xf32>
          %swap3A_648 = arith.index_cast %add3A_419 : i32 to index
          %swap3A_649 = arith.index_cast %add3A_630 : i32 to index
          %swap3A_650 = arith.constant 16 : index
          %swap3A_651 = tpu.vector_load %arg14[%swap3A_648, %swap3A_649, %swap3A_650] {strides = array<i32>} : memref<16x50x32xf32, #tpu.memory_space<vmem>>, vector<1x1x16xf32>,
          %swap3A_652 = vector.shape_cast %swap3A_651 : vector<1x1x16xf32> to vector<16xf32>
          %swap3A_653 = vector.shape_cast %get3A_647 : vector<16xf32> to vector<1x1x16xf32>
          tpu.vector_store %arg14[%swap3A_648, %swap3A_649, %swap3A_650], %swap3A_653 {strides = array<i32>} : memref<16x50x32xf32, #tpu.memory_space<vmem>>, vector<1x1x16xf32>,
          %scan3A_654 = arith.constant 8 : i32
          %scan3A_655 = arith.addi %scan3A_425, %scan3A_654 : i32
          %mul3A_656 = arith.constant 1 : i32
          %mul3A_657 = arith.muli %scan3A_655, %mul3A_656 : i32
          %add3A_658 = arith.constant 0 : i32
          %add3A_659 = arith.addi %add3A_658, %mul3A_657 : i32
          %mul3A_660 = arith.constant 50 : i32
          %mul3A_661 = arith.muli %add3A_419, %mul3A_660 : i32
          %add3A_662 = arith.addi %mul3A_661, %add3A_659 : i32
          %get3A_663 = arith.index_cast %add3A_662 : i32 to index
          %get3A_664 = arith.constant 0 : index
          %get3A_665 = tpu.vector_load %arg8[%get3A_663, %get3A_664] {strides = array<i32>} : memref<800x16xf32, #tpu.memory_space<vmem>>, vector<1x16xf32>,
          %get3A_666 = vector.shape_cast %get3A_665 : vector<1x16xf32> to vector<16xf32>
          %swap3A_667 = arith.index_cast %add3A_419 : i32 to index
          %swap3A_668 = arith.index_cast %add3A_659 : i32 to index
          %swap3A_669 = arith.constant 0 : index
          %swap3A_670 = tpu.vector_load %arg14[%swap3A_667, %swap3A_668, %swap3A_669] {strides = array<i32>} : memref<16x50x32xf32, #tpu.memory_space<vmem>>, vector<1x1x16xf32>,
          %swap3A_671 = vector.shape_cast %swap3A_670 : vector<1x1x16xf32> to vector<16xf32>
          %swap3A_672 = vector.shape_cast %get3A_666 : vector<16xf32> to vector<1x1x16xf32>
          tpu.vector_store %arg14[%swap3A_667, %swap3A_668, %swap3A_669], %swap3A_672 {strides = array<i32>} : memref<16x50x32xf32, #tpu.memory_space<vmem>>, vector<1x1x16xf32>,
          %get3A_673 = arith.index_cast %add3A_662 : i32 to index
          %get3A_674 = arith.constant 0 : index
          %get3A_675 = tpu.vector_load %arg9[%get3A_673, %get3A_674] {strides = array<i32>} : memref<800x16xf32, #tpu.memory_space<vmem>>, vector<1x16xf32>,
          %get3A_676 = vector.shape_cast %get3A_675 : vector<1x16xf32> to vector<16xf32>
          %swap3A_677 = arith.index_cast %add3A_419 : i32 to index
          %swap3A_678 = arith.index_cast %add3A_659 : i32 to index
          %swap3A_679 = arith.constant 16 : index
          %swap3A_680 = tpu.vector_load %arg14[%swap3A_677, %swap3A_678, %swap3A_679] {strides = array<i32>} : memref<16x50x32xf32, #tpu.memory_space<vmem>>, vector<1x1x16xf32>,
          %swap3A_681 = vector.shape_cast %swap3A_680 : vector<1x1x16xf32> to vector<16xf32>
          %swap3A_682 = vector.shape_cast %get3A_676 : vector<16xf32> to vector<1x1x16xf32>
          tpu.vector_store %arg14[%swap3A_677, %swap3A_678, %swap3A_679], %swap3A_682 {strides = array<i32>} : memref<16x50x32xf32, #tpu.memory_space<vmem>>, vector<1x1x16xf32>,
          %scan3A_683 = arith.constant 9 : i32
          %scan3A_684 = arith.addi %scan3A_425, %scan3A_683 : i32
          %mul3A_685 = arith.constant 1 : i32
          %mul3A_686 = arith.muli %scan3A_684, %mul3A_685 : i32
          %add3A_687 = arith.constant 0 : i32
          %add3A_688 = arith.addi %add3A_687, %mul3A_686 : i32
          %mul3A_689 = arith.constant 50 : i32
          %mul3A_690 = arith.muli %add3A_419, %mul3A_689 : i32
          %add3A_691 = arith.addi %mul3A_690, %add3A_688 : i32
          %get3A_692 = arith.index_cast %add3A_691 : i32 to index
          %get3A_693 = arith.constant 0 : index
          %get3A_694 = tpu.vector_load %arg8[%get3A_692, %get3A_693] {strides = array<i32>} : memref<800x16xf32, #tpu.memory_space<vmem>>, vector<1x16xf32>,
          %get3A_695 = vector.shape_cast %get3A_694 : vector<1x16xf32> to vector<16xf32>
          %swap3A_696 = arith.index_cast %add3A_419 : i32 to index
          %swap3A_697 = arith.index_cast %add3A_688 : i32 to index
          %swap3A_698 = arith.constant 0 : index
          %swap3A_699 = tpu.vector_load %arg14[%swap3A_696, %swap3A_697, %swap3A_698] {strides = array<i32>} : memref<16x50x32xf32, #tpu.memory_space<vmem>>, vector<1x1x16xf32>,
          %swap3A_700 = vector.shape_cast %swap3A_699 : vector<1x1x16xf32> to vector<16xf32>
          %swap3A_701 = vector.shape_cast %get3A_695 : vector<16xf32> to vector<1x1x16xf32>
          tpu.vector_store %arg14[%swap3A_696, %swap3A_697, %swap3A_698], %swap3A_701 {strides = array<i32>} : memref<16x50x32xf32, #tpu.memory_space<vmem>>, vector<1x1x16xf32>,
          %get3A_702 = arith.index_cast %add3A_691 : i32 to index
          %get3A_703 = arith.constant 0 : index
          %get3A_704 = tpu.vector_load %arg9[%get3A_702, %get3A_703] {strides = array<i32>} : memref<800x16xf32, #tpu.memory_space<vmem>>, vector<1x16xf32>,
          %get3A_705 = vector.shape_cast %get3A_704 : vector<1x16xf32> to vector<16xf32>
          %swap3A_706 = arith.index_cast %add3A_419 : i32 to index
          %swap3A_707 = arith.index_cast %add3A_688 : i32 to index
          %swap3A_708 = arith.constant 16 : index
          %swap3A_709 = tpu.vector_load %arg14[%swap3A_706, %swap3A_707, %swap3A_708] {strides = array<i32>} : memref<16x50x32xf32, #tpu.memory_space<vmem>>, vector<1x1x16xf32>,
          %swap3A_710 = vector.shape_cast %swap3A_709 : vector<1x1x16xf32> to vector<16xf32>
          %swap3A_711 = vector.shape_cast %get3A_705 : vector<16xf32> to vector<1x1x16xf32>
          tpu.vector_store %arg14[%swap3A_706, %swap3A_707, %swap3A_708], %swap3A_711 {strides = array<i32>} : memref<16x50x32xf32, #tpu.memory_space<vmem>>, vector<1x1x16xf32>,
        }
        %scan3A_424 = arith.constant 50 : i32
      }
      %scan3A_405 = arith.constant 16 : i32
      %mul3A_406 = arith.constant 16 : i32
      %mul3A_407 = arith.muli %add3A_276, %mul3A_406 : i32
      %add3A_408 = arith.addi %mul3A_2, %mul3A_407 : i32
      %dma_start3A_409 = arith.constant 0 : i32
      %dma_start3A_410 = arith.constant 0 : i32
      %dma_start3A_411 = tpu.memref_slice %arg4[%add3A_408, %dma_start3A_409, %dma_start3A_410] : memref<16384x50x32xf32, #tpu.memory_space<hbm>> -> memref<16x50x32xf32, #tpu.memory_space<hbm>>
      %dma_start3A_412 = arith.constant 0 : i32
      %dma_start3A_413 = arith.constant 0 : i32
      %dma_start3A_414 = tpu.memref_slice %arg4[%add3A_408, %dma_start3A_412, %dma_start3A_413] : memref<16384x50x32xf32, #tpu.memory_space<hbm>> -> memref<16x50x32xf32, #tpu.memory_space<hbm>>
      tpu.enqueue_dma source(%arg14 : memref<16x50x32xf32, #tpu.memory_space<vmem>>) target(%dma_start3A_414 : memref<16x50x32xf32, #tpu.memory_space<hbm>>) target_semaphore(%arg17 : memref<!tpu.dma_semaphore, #tpu.memory_space<semaphore_mem>>)
    }
    %scan3A_122 = arith.constant 16 : i32
    %add3A_123 = arith.constant 496 : i32
    %add3A_124 = arith.addi %mul3A_2, %add3A_123 : i32
    %dma_wait3A = arith.constant 0 : i32
    %dma_wait3A_125 = arith.constant 0 : i32
    %dma_wait3A_126 = tpu.memref_slice %arg4[%add3A_124, %dma_wait3A, %dma_wait3A_125] : memref<16384x50x32xf32, #tpu.memory_space<hbm>> -> memref<16x50x32xf32, #tpu.memory_space<hbm>>
    %dma_wait3A_127 = arith.constant 0 : i32
    %dma_wait3A_128 = arith.constant 0 : i32
    %dma_wait3A_129 = tpu.memref_slice %arg4[%add3A_124, %dma_wait3A_127, %dma_wait3A_128] : memref<16384x50x32xf32, #tpu.memory_space<hbm>> -> memref<16x50x32xf32, #tpu.memory_space<hbm>>
    tpu.wait_dma2 semaphore(%arg17 : memref<!tpu.dma_semaphore, #tpu.memory_space<semaphore_mem>>) src(%arg14 : memref<16x50x32xf32, #tpu.memory_space<vmem>>) dst(%dma_wait3A_129 : memref<16x50x32xf32, #tpu.memory_space<hbm>>)
    return
  }
}

module attributes {stable_mosaic.version = 14 : i64} {
  func.func @_scale_body(%arg0: i32, %arg1: memref<32x16384xf32, #tpu.memory_space<vmem>>, %arg2: memref<32x16384xf32, #tpu.memory_space<vmem>>, %arg3: memref<16384x128xf32, #tpu.memory_space<vmem>>) attributes {dimension_semantics = [#tpu.dimension_semantics<arbitrary>], iteration_bounds = array<i64: 62>, scalar_prefetch = 0 : i64, scratch_operands = 0 : i64, tpu.core_type = #tpu.core_type<tc>, window_params = [{transform_indices = @transform_0, window_bounds = array<i64: 32, 16384>}, {transform_indices = @transform_1, window_bounds = array<i64: 32, 16384>}, {transform_indices = @transform_2, window_bounds = array<i64: 16384, 128>}]} {
    %get3A = arith.constant 0 : index
    %get3A_0 = arith.constant 0 : index
    %get3A_1 = vector.load %arg1[%get3A, %get3A_0] : memref<32x16384xf32, #tpu.memory_space<vmem>>, vector<32x16384xf32>
    %mul3A = arith.constant 5.65685415 : f32
    %mul3A_2 = vector.broadcast %mul3A : f32 to vector<32x16384xf32>
    %mul3A_3 = arith.mulf %get3A_1, %mul3A_2 : vector<32x16384xf32>
    %swap3A = arith.constant 0 : index
    %swap3A_4 = arith.constant 0 : index
    %swap3A_5 = vector.load %arg2[%swap3A, %swap3A_4] : memref<32x16384xf32, #tpu.memory_space<vmem>>, vector<32x16384xf32>
    tpu.vector_store %arg2[%swap3A, %swap3A_4], %mul3A_3 {strides = array<i32>} : memref<32x16384xf32, #tpu.memory_space<vmem>>, vector<32x16384xf32>,
    %transpose3A = tpu.transpose %mul3A_3, [1, 0] : vector<32x16384xf32> -> vector<16384x32xf32>
    %broadcast_in_dim3A = arith.constant 0.000000e+00 : f32
    %broadcast_in_dim3A_6 = vector.broadcast %broadcast_in_dim3A : f32 to vector<16384x96xf32>
    %concatenate3A = tpu.concatenate %transpose3A, %broadcast_in_dim3A_6 in 1 : vector<16384x32xf32>, vector<16384x96xf32> -> vector<16384x128xf32>
    %swap3A_7 = arith.constant 0 : index
    %swap3A_8 = arith.constant 0 : index
    %swap3A_9 = vector.load %arg3[%swap3A_7, %swap3A_8] : memref<16384x128xf32, #tpu.memory_space<vmem>>, vector<16384x128xf32>
    tpu.vector_store %arg3[%swap3A_7, %swap3A_8], %concatenate3A {strides = array<i32>} : memref<16384x128xf32, #tpu.memory_space<vmem>>, vector<16384x128xf32>,
    return
  }
  func.func @transform_0(%arg0: i32) -> (i32, i32) {
    %c0_i32 = arith.constant 0 : i32
    %c0_i32_0 = arith.constant 0 : i32
    return %c0_i32, %arg0 : i32, i32
  }
  func.func @transform_1(%arg0: i32) -> (i32, i32) {
    %c0_i32 = arith.constant 0 : i32
    %c0_i32_0 = arith.constant 0 : i32
    return %c0_i32, %arg0 : i32, i32
  }
  func.func @transform_2(%arg0: i32) -> (i32, i32) {
    %c0_i32 = arith.constant 0 : i32
    %c0_i32_0 = arith.constant 0 : i32
    return %arg0, %c0_i32 : i32, i32
  }
}

</mosaic_0001>

<sc_bundles>
// kernel: kernel.4.cloned.1.call-start
scs
__scs_entry_jumppad:
0x0: {  	(pc) =	sbr.rel $0x88, $3  }
0x1: {  	(tag) =	ssettag $0x0;
	lr =	simm.s32 $0x1  }
0x2: {  	[smem:$0x3F9F] =	sst lr;
	_ =	strace $0xD0000000  }
0x3: {  	_ = 	snop  }
0x4: {  	_ = 	snop  }
0x5: {  	_ = 	snop  }
0x6: {  	_ = 	snop  }
0x7: {  	_ = 	snop  }
__scs_overlays_trampoline_lowered:
0x8: {  	[smem:$0x3FAE] =	sst s0  }
0x9: {  	[smem:$0x3FAF] =	sst s1  }
0xa: {  	[smem:$0x3FB0] =	sst s2  }
0xb: {  	[smem:$0x3FB1] =	sst s3  }
0xc: {  	[smem:$0x3FB2] =	sst s4  }
0xd: {  	[smem:$0x3FB3] =	sst s5  }
0xe: {  	[smem:$0x3FB4] =	sst s6  }
0xf: {  	[smem:$0x3FB5] =	sst s7  }
0x10: {  	[smem:$0x3FB6] =	sst s8  }
0x11: {  	[smem:$0x3FB7] =	sst s9;
	s0 =	simm.s32 @!p0 $0x0  }
0x12: {  	s1 =	sld [smem:$0x3F9D];
	s0 =	simm.s32 @p0 $0x1  }
0x13: {  	[smem:$0x3FB8] =	sst s0;
	s0 =	simm.s32 @!p1 $0x0  }
0x14: {  	s2 =	sld [smem:$0x3F9C];
	s0 =	simm.s32 @p1 $0x1  }
0x15: {  	[smem:$0x3FB9] =	sst s0;
	s0 =	simm.s32 @!p2 $0x0  }
0x16: {  	s3 =	sld [smem:$0x3FDB];
	s0 =	simm.s32 @p2 $0x1  }
0x17: {  	s4 =	simm.s32 $0x1BF5;
	[smem:$0x3FBB] =	sst s0  }
0x18: {  	s0 =	sld [smem:$0x3F9E];
	_ =	swait.ge [sflag:s4], $0x0  }
0x19: {  	s7 =	sld [smem:$0x3F9F]  }
0x1a: {  	s8 =	sadd.s32 $0xFFFFE003, lr  }
0x1b: {  	s9 =	sadd.s32 $0xFFFFFEF7, lr;
	s5 =	simm.s32 $0xFFFFFFFF;
	p2 =	slt.u32 s8, $0xFFFFF086  }
0x1c: {  	p1 =	slt.u32 s9, $0xF7A;
	s5 =	simm.s32 @!p2 $0x0  }
0x1d: {  	s5 =	simm.s32 @p1 $0x1;
	p0 =	seq.s32 s7, s2  }
0x1e: {  	s7 =	smul.u32 @!p0 $0xF7A, s2;
	p2 =	seq.s32 @!p0 s5, $0x0  }
0x1f: {  	s9 =	smul.u32 $0xF7A, s1;
	s8 =	simm.s32 @!p0 $0x1BF5;
	p2 =	por !p2, p0  }
0x20: {  	[sflag:s8] =	ssyncset.s32 @!p0 $0xFFFFF086;
	s6 =	sadd.s32 @!p0 s3, s7;
	s7 =	simm.s32 @!p0 $0x108  }
0x21: {  	s3 =	sadd.s32 s3, s9;
	s6 =	sadd.s32 @!p0 $0x88, s6;
	s7 =	simm.s32 @p2 $0x1082  }
0x22: {  	[simem:s7], [sflag:s8] =	dma.local @!p0 [hbm:s6], $0xF7A  }
0x23: {  	s9 =	sor.u32 $0xD0000000, s2;
	s6 =	simm.s32 $0x108;
	_ =	swait.ge @!p0 [sflag:s8], $0x0  }
0x24: {  	s3 =	sadd.s32 $0x88, s3;
	s6 =	simm.s32 @!p1 $0x1082;
	[sflag:s4] =	ssyncset.s32 $0xFFFFF086  }
0x25: {  	[simem:s6], [sflag:s4] =	dma.local [hbm:s3], $0xF7A  }
0x26: {  	[smem:$0x3F9F] =	sst s1;
	(tag) =	ssettag s2;
	_ =	strace s9  }
0x27: {  	s1 =	sld [smem:$0x3FAF]  }
0x28: {  	s2 =	sld [smem:$0x3FB0]  }
0x29: {  	s4 =	sld [smem:$0x3FB2]  }
0x2a: {  	p0 =	seq.s32 s5, $0x0;
	s5 =	sld [smem:$0x3FB3]  }
0x2b: {  	s6 =	sld [smem:$0x3FB4]  }
0x2c: {  	s7 =	sld [smem:$0x3FB5]  }
0x2d: {  	s3 =	simm.s32 $0x108;
	s8 =	sld [smem:$0x3FB6]  }
0x2e: {  	s3 =	simm.s32 @!p0 $0x1082;
	s9 =	sld [smem:$0x3FB7]  }
0x2f: {  	lr =	sadd.s32 s0, s3;
	s0 =	sld [smem:$0x3FAE]  }
0x30: {  	s3 =	sld [smem:$0x3FB1]  }
0x31: {  	[smem:$0x3FBA] =	sst s10  }
0x32: {  	s10 =	sld [smem:$0x3FB8];
	_ =	sdelay $0x3  }
0x33: {  	p0 =	seq.s32 s10, $0x1;
	s10 =	sld [smem:$0x3FBA];
	_ =	sdelay $0x3  }
0x34: {  	[smem:$0x3FBA] =	sst s10  }
0x35: {  	s10 =	sld [smem:$0x3FB9];
	_ =	sdelay $0x3  }
0x36: {  	p1 =	seq.s32 s10, $0x1;
	s10 =	sld [smem:$0x3FBA];
	_ =	sdelay $0x3  }
0x37: {  	[smem:$0x3FBA] =	sst s10  }
0x38: {  	s10 =	sld [smem:$0x3FBB]  }
0x39: {  	_ = 	snop;
	(pc) =	sbr.ind lr, $3  }
0x3a: {  	_ = 	snop  }
0x3b: {  	_ = 	snop  }
0x3c: {  	p2 =	seq.s32 s10, $0x1;
	s10 =	sld [smem:$0x3FBA]  }
0x3d: {  	_ =	shalt  }
0x3e: {  	_ =	shalt  }
0x3f: {  	_ =	shalt  }
0x40: {  	_ =	shalt  }
0x41: {  	_ =	shalt  }
0x42: {  	_ =	shalt  }
0x43: {  	_ =	shalt  }
0x44: {  	_ =	shalt  }
0x45: {  	_ =	shalt  }
0x46: {  	_ =	shalt  }
0x47: {  	_ =	shalt  }
0x48: {  	_ =	shalt  }
0x49: {  	_ =	shalt  }
0x4a: {  	_ =	shalt  }
0x4b: {  	_ =	shalt  }
0x4c: {  	_ =	shalt  }
0x4d: {  	_ =	shalt  }
0x4e: {  	_ =	shalt  }
0x4f: {  	_ =	shalt  }
0x50: {  	_ =	shalt  }
0x51: {  	_ =	shalt  }
0x52: {  	_ =	shalt  }
0x53: {  	_ =	shalt  }
0x54: {  	_ =	shalt  }
0x55: {  	_ =	shalt  }
0x56: {  	_ =	shalt  }
0x57: {  	_ =	shalt  }
0x58: {  	_ =	shalt  }
0x59: {  	_ =	shalt  }
0x5a: {  	_ =	shalt  }
0x5b: {  	_ =	shalt  }
0x5c: {  	_ =	shalt  }
0x5d: {  	_ =	shalt  }
0x5e: {  	_ =	shalt  }
0x5f: {  	_ =	shalt  }
0x60: {  	_ =	shalt  }
0x61: {  	_ =	shalt  }
0x62: {  	_ =	shalt  }
0x63: {  	_ =	shalt  }
0x64: {  	_ =	shalt  }
0x65: {  	_ =	shalt  }
0x66: {  	_ =	shalt  }
0x67: {  	_ =	shalt  }
0x68: {  	_ =	shalt  }
0x69: {  	_ =	shalt  }
0x6a: {  	_ =	shalt  }
0x6b: {  	_ =	shalt  }
0x6c: {  	_ =	shalt  }
0x6d: {  	_ =	shalt  }
0x6e: {  	_ =	shalt  }
0x6f: {  	_ =	shalt  }
0x70: {  	_ =	shalt  }
0x71: {  	_ =	shalt  }
0x72: {  	_ =	shalt  }
0x73: {  	_ =	shalt  }
0x74: {  	_ =	shalt  }
0x75: {  	_ =	shalt  }
0x76: {  	_ =	shalt  }
0x77: {  	_ =	shalt  }
0x78: {  	_ =	shalt  }
0x79: {  	_ =	shalt  }
0x7a: {  	_ =	shalt  }
0x7b: {  	_ =	shalt  }
0x7c: {  	_ =	shalt  }
0x7d: {  	_ =	shalt  }
0x7e: {  	_ =	shalt  }
0x7f: {  	_ =	shalt  }
0x80: {  	_ =	shalt  }
0x81: {  	_ =	shalt  }
0x82: {  	_ =	shalt  }
0x83: {  	_ =	shalt  }
0x84: {  	_ =	shalt  }
0x85: {  	_ =	shalt  }
0x86: {  	_ =	shalt  }
0x87: {  	_ =	shalt  }
.Lfunc_end0:
.L_simem_size_0:
called_computation.1_lowered:
.L_overlay_start_0:
0x88: {  	s2 =	sld [smem:$0x3FD9]  }
0x89: {  	s3 =	sld [smem:$0x3FFE];
	_ =	sdelay $0x1  }
0x8a: {  	s1 =	srdreg.scid  }
0x8b: {  	s0 =	sand.u32 $0x1, s1  }
0x8c: {  	s14 =	sshll.u32 s0, $0xA;
	s2 =	sadd.s32 s3, s2  }
0x8d: {  	s2 =	sadd.s32 s2, s14  }
0x8e: {  	[smem:$0x3FC6] =	sst s2  }
0x8f: {  	_ = 	snop  }
0x90: {  	s2 =	sld [smem:$0x3FD0];
	_ =	sdelay $0x2  }
0x91: {  	s15 =	simm.s32 $0xA;
	s4 =	simm.s32 $0x10  }
0x92: {  	[smem:s4], [sflag:s15] =	dma.local [hbm:s2], $0x1  }
0x93: {  	_ =	swait.eq [sflag:s15], $0x1  }
0x94: {  	[sflag:s15] =	ssyncset.done $0x0  }
0x95: {  	[sflag:s15] =	ssyncadd.s32 $0xFFFFFFFF  }
0x96: {  	s16 =	sld [smem:$0x10];
	(tm) =	ssettm $0x1  }
0x97: {  	s17 =	sld [smem:$0x3FFB];
	_ =	sdelay $0x3  }
0x98: {  	_ =	strace s17  }
0x99: {  	s3 =	sld [smem:$0x3FFC];
	_ =	sdelay $0x3  }
0x9a: {  	_ =	strace s3  }
0x9b: {  	s3 =	sld [smem:$0x3FFD];
	_ =	sdelay $0x3  }
0x9c: {  	_ =	strace s3  }
0x9d: {  	_ =	strace $0x8FFFFFFF  }
0x9e: {  	s18 =	sld [smem:$0x3FDB];
	_ =	sdelay $0x1  }
0x9f: {  	s19 =	simm.s32 $_scs_section_size  }
0xa0: {  	s5 =	simm.s32 $_size__tile_overlayer_lowered;
	s6 =	simm.s32 $_tile_overlayer_lowered  }
0xa1: {  	s22 =	simm.s32 $0x1BFF;
	s21 =	sshll.u32 s6, $0x1;
	s3 =	sadd.s32 s19, s18  }
0xa2: {  	s7 =	simm.s32 $0x0;
	s20 =	sshll.u32 s5, $0x1;
	s5 =	sadd.s32 s21, s3  }
0xa3: {  	[timem:s7], [sflag:s22] =	dma.local [hbm:s5], s20  }
0xa4: {  	_ =	swait.ge [sflag:s22], s20  }
0xa5: {  	s4 =	ssub.s32 $0x0, s20;
	[sflag:s22] =	ssyncset.done $0x0  }
0xa6: {  	[sflag:s22] =	ssyncadd.s32 s4;
	_ =	sdelay $0x1  }
0xa7: {  	s23 =	simm.s32 $0x1B8B  }
0xa8: {  	_ =	swait.ge [sflag:s23], $0x1  }
0xa9: {  	[sflag:s23] =	ssyncset.done $0x0  }
0xaa: {  	s25 =	simm.s32 $0x1B8E;
	s24 =	sld [smem:$0x3FFE];
	[sflag:s23] =	ssyncadd.s32 $0xFFFFFFFF  }
0xab: {  	s26 =	simm.s32 $execute0_lowered;
	[smem:$0x3FD2] =	sst s25  }
0xac: {  	s5 =	sshll.u32 s26, $0x1;
	_ =	strace $0x80000046;
	[dreg:$0x1] =	wrdreg $0xFFFFFFFF  }
0xad: {  	s28 =	simm.s32 $_size_execute0_lowered;
	s3 =	sadd.s32 s3, s5;
	[dreg:$0x0] =	wrdreg $0x0  }
0xae: {  	s5 =	sshll.u32 s28, $0x1;
	[dreg:$0x2] =	wrdreg s3  }
0xaf: {  	[dreg:$0x3] =	wrdreg s5  }
0xb0: {  	[dreg:$0x4] =	wrdreg $0xC0  }
0xb1: {  	_ =	task [dreg:s7], $0x5FFFF  }
0xb2: {  	[dreg:$0x1] =	wrdreg $0xFFFFFFFF  }
0xb3: {  	[dreg:$0x0] =	wrdreg $0x60  }
0xb4: {  	[dreg:$0x2] =	wrdreg s24  }
0xb5: {  	[dreg:$0x3] =	wrdreg s16  }
0xb6: {  	[dreg:$0x4] =	wrdreg $0x9  }
0xb7: {  	_ =	task.clear_ibuf [dreg:s7], $0x5FFFF;
	_ =	strace $0x90000046  }
0xb8: {  	s29 =	simm.s32 $0x9;
	_ =	strace $0x80000048  }
0xb9: {  	_ =	swait.ge [sflag:s29], $0x1  }
0xba: {  	[sflag:s29] =	ssyncadd.s32 $0xFFFFFFFF  }
0xbb: {  	_ =	strace $0x90000048  }
0xbc: {  	_ =	sfence  }
0xbd: {  	s30 =	sld [smem:$0x0];
	_ =	sdelay $0x2  }
0xbe: {  	s31 =	sshll.u32 s1, $0xD;
	s1 =	sshrl.u32 s1, $0x2  }
0xbf: {  	s3 =	sand.u32 $0x4000, s31;
	s1 =	sadd.s32 s1, s30  }
0xc0: {  	s0 =	sor.u32 s3, s0;
	s1 =	sshll.u32 s1, $0x11  }
0xc1: {  	s0 =	sor.u32 s1, s0  }
0xc2: {  	s0 =	sadd.s32 $0x8F2B, s0  }
0xc3: {  	[sflag:s0] =	ssyncadd.remote.s32 $0x1  }
0xc4: {  	_ =	sfence.sel $0xFFFF  }
0xc5: {  	[dreg:$0x0] =	wrdreg $0xFFFFFFFF;
	(pc) =	sbr.abs _section_cstart, $3  }
0xc6: {  	[dreg:$0x1] =	wrdreg $0xFFFFFFFF  }
0xc7: {  	_ =	task.clear_ibuf [dreg:s7], $0x2FFFF;
	_ =	strace $0x9FFFFFFF  }
0xc8: {  	(tm) =	ssettm $0x7FFFFFFF  }
0xc9: {  	_ =	shalt  }
tec
execute0_lowered:
.L_overlay_start_1:
0x0: {  	(tag) =	ssettag $0x1  }
0x1: {  	s0 =	srdreg.scid  }
0x2: {  	s2 =	stileid.u32;
	s1 =	rddreg [dreg:$0x0]  }
0x3: {  	s9 =	simm.s32 $0x80;
	s13 =	simm.s32 $0x1;
	s8 =	simm.s32 $0x134C0  }
0x4: {  	s10 =	simm.s32 $0xF000;
	s11 =	simm.s32 $0x137E0;
	s12 =	simm.s32 $0x12200  }
0x5: {  	s14 =	simm.s32 $0x13540;
	s15 =	simm.s32 $0xF800;
	s16 =	simm.s32 $0x13860  }
0x6: {  	s17 =	simm.s32 $0x12A00;
	s18 =	simm.s32 $0x13880;
	s19 =	simm.s32 $0x2  }
0x7: {  	s20 =	simm.s32 $0x3;
	s0 =	sand.u32 $0x1, s0;
	s3 =	sshll.u32 s2, $0x1  }
0x8: {  	s22 =	simm.s32 $0x0;
	s5 =	sor.u32 s0, s3;
	s3 =	simm.s32 $0x0  }
0x9: {  	s0 =	ssub.s32 $0x2, s0;
	s4 =	smul.u32 $0xC80, s5;
	[smem:$0x7FF] =	sst s3  }
0xa: {  	s2 =	rddreg [dreg:$0x1];
	s7 =	sshrl.u32 s0, $0x1;
	_ =	strace $0x80000047  }
0xb: {  	s0 =	ssub.s32 s0, s7;
	s7 =	simm.s32 $0x20;
	s6 =	sadd.s32 s4, s1  }
0xc: {  	s4 =	sadd.s32 $0x19A00, s1;
	s0 =	smax.u32 s0, $0x1;
	s1 =	simm.s32 $0xE800  }
0xd: {  	s31 =	sadd.s32 $0xA00, s6;
	s6 =	sshll.u32 s5, $0x9;
	[dreg:$0x4] =	wrdreg s0  }
0xe: {  	s0 =	simm.s32 $0x13760;
	s5 =	simm.s32 $0x11A00;
	[dreg:$0x3] =	wrdreg s31  }
.LBB2_1:
0xf: {  	[dreg:$0x5] =	wrdreg s22  }
0x10: {  	s21 =	rddreg [dreg:$0x3];
	s26 =	simm.s32 $0x4  }
0x11: {  	[tilespmem:s3], [sflag:$0x4] =	stream.linear.gather [hbm4b:s21+s3], $0x6400, $0x38;
	[tilespmem:$0x19C80] =	vst v63  }
0x12: {  	_ =	swait.ge [sflag:s26], $0x6400  }
0x13: {  	[sflag:s26] =	ssyncset.done $0x0  }
0x14: {  	[sflag:s26] =	ssyncadd.s32 $0xFFFF9C00  }
0x15: {  	v0 =	vld [tilespmem:$0x0]  }
0x16: {  	v1 =	vld [tilespmem:$0x10]  }
0x17: {  	v2 =	vld [tilespmem:$0x20]  }
0x18: {  	v3 =	vld [tilespmem:$0x30]  }
0x19: {  	v29 =	vld [tilespmem:$0x40]  }
0x1a: {  	v31 =	vld [tilespmem:$0x50];
	v0 =	vshll.u32 v0, $0x3  }
0x1b: {  	v33 =	vld [tilespmem:$0x60];
	v28 =	vshll.u32 v1, $0x3;
	[tilespmem:$0x12C00] =	vst v0  }
0x1c: {  	v35 =	vld [tilespmem:$0x70];
	v30 =	vshll.u32 v2, $0x3;
	[tilespmem:$0x12C10] =	vst v28  }
0x1d: {  	v37 =	vld [tilespmem:$0x80];
	v32 =	vshll.u32 v3, $0x3;
	[tilespmem:$0x12C20] =	vst v30  }
0x1e: {  	v39 =	vld [tilespmem:$0x90];
	v34 =	vshll.u32 v29, $0x3;
	[tilespmem:$0x12C30] =	vst v32  }
0x1f: {  	v41 =	vld [tilespmem:$0xA0];
	v36 =	vshll.u32 v31, $0x3;
	[tilespmem:$0x12C40] =	vst v34  }
0x20: {  	v43 =	vld [tilespmem:$0xB0];
	v38 =	vshll.u32 v33, $0x3;
	[tilespmem:$0x12C50] =	vst v36  }
0x21: {  	v45 =	vld [tilespmem:$0xC0];
	v40 =	vshll.u32 v35, $0x3;
	[tilespmem:$0x12C60] =	vst v38  }
0x22: {  	v47 =	vld [tilespmem:$0xD0];
	v42 =	vshll.u32 v37, $0x3;
	[tilespmem:$0x12C70] =	vst v40  }
0x23: {  	v49 =	vld [tilespmem:$0xE0];
	v44 =	vshll.u32 v39, $0x3;
	[tilespmem:$0x12C80] =	vst v42  }
0x24: {  	v51 =	vld [tilespmem:$0xF0];
	v46 =	vshll.u32 v41, $0x3;
	[tilespmem:$0x12C90] =	vst v44  }
0x25: {  	v53 =	vld [tilespmem:$0x100];
	v48 =	vshll.u32 v43, $0x3;
	[tilespmem:$0x12CA0] =	vst v46  }
0x26: {  	v55 =	vld [tilespmem:$0x110];
	v50 =	vshll.u32 v45, $0x3;
	[tilespmem:$0x12CB0] =	vst v48  }
0x27: {  	v57 =	vld [tilespmem:$0x120];
	v52 =	vshll.u32 v47, $0x3;
	[tilespmem:$0x12CC0] =	vst v50  }
0x28: {  	v59 =	vld [tilespmem:$0x130];
	v54 =	vshll.u32 v49, $0x3;
	[tilespmem:$0x12CD0] =	vst v52  }
0x29: {  	v61 =	vld [tilespmem:$0x140];
	v56 =	vshll.u32 v51, $0x3;
	[tilespmem:$0x12CE0] =	vst v54  }
0x2a: {  	v63 =	vld [tilespmem:$0x150];
	v58 =	vshll.u32 v53, $0x3;
	[tilespmem:$0x12CF0] =	vst v56  }
0x2b: {  	v6 =	vld [tilespmem:$0x160];
	v60 =	vshll.u32 v55, $0x3;
	[tilespmem:$0x12D00] =	vst v58  }
0x2c: {  	v8 =	vld [tilespmem:$0x170];
	v62 =	vshll.u32 v57, $0x3;
	[tilespmem:$0x12D10] =	vst v60  }
0x2d: {  	v10 =	vld [tilespmem:$0x180];
	v5 =	vshll.u32 v59, $0x3;
	[tilespmem:$0x12D20] =	vst v62  }
0x2e: {  	v12 =	vld [tilespmem:$0x190];
	v7 =	vshll.u32 v61, $0x3;
	[tilespmem:$0x12D30] =	vst v5  }
0x2f: {  	v14 =	vld [tilespmem:$0x1A0];
	v9 =	vshll.u32 v63, $0x3;
	[tilespmem:$0x12D40] =	vst v7  }
0x30: {  	v16 =	vld [tilespmem:$0x1B0];
	v11 =	vshll.u32 v6, $0x3;
	[tilespmem:$0x12D50] =	vst v9  }
0x31: {  	v18 =	vld [tilespmem:$0x1C0];
	v13 =	vshll.u32 v8, $0x3;
	[tilespmem:$0x12D60] =	vst v11  }
0x32: {  	v20 =	vld [tilespmem:$0x1D0];
	v15 =	vshll.u32 v10, $0x3;
	[tilespmem:$0x12D70] =	vst v13  }
0x33: {  	v22 =	vld [tilespmem:$0x1E0];
	v17 =	vshll.u32 v12, $0x3;
	[tilespmem:$0x12D80] =	vst v15  }
0x34: {  	v24 =	vld [tilespmem:$0x1F0];
	v19 =	vshll.u32 v14, $0x3;
	[tilespmem:$0x12D90] =	vst v17  }
0x35: {  	v26 =	vld [tilespmem:$0x200];
	v21 =	vshll.u32 v16, $0x3;
	[tilespmem:$0x12DA0] =	vst v19  }
0x36: {  	v23 =	vshll.u32 v18, $0x3;
	[tilespmem:$0x12DB0] =	vst v21  }
0x37: {  	v25 =	vshll.u32 v20, $0x3;
	[tilespmem:$0x12DC0] =	vst v23  }
0x38: {  	v27 =	vshll.u32 v22, $0x3;
	[tilespmem:$0x12DD0] =	vst v25  }
0x39: {  	v29 =	vshll.u32 v24, $0x3;
	[tilespmem:$0x12DE0] =	vst v27  }
0x3a: {  	v31 =	vshll.u32 v26, $0x3;
	[tilespmem:$0x12DF0] =	vst v29  }
0x3b: {  	v0 =	vor.u32 $0x1, v0;
	[tilespmem:$0x12E00] =	vst v31  }
0x3c: {  	[tilespmem:$0x12F20] =	vst v0;
	v0 =	vor.u32 $0x1, v28  }
0x3d: {  	v28 =	vld [tilespmem:$0x210];
	[tilespmem:$0x12F30] =	vst v0;
	v0 =	vor.u32 $0x1, v30  }
0x3e: {  	[tilespmem:$0x12F40] =	vst v0;
	v0 =	vor.u32 $0x1, v32  }
0x3f: {  	v30 =	vld [tilespmem:$0x220];
	[tilespmem:$0x12F50] =	vst v0;
	v0 =	vor.u32 $0x1, v34  }
0x40: {  	[tilespmem:$0x12F60] =	vst v0;
	v0 =	vor.u32 $0x1, v36  }
0x41: {  	v32 =	vld [tilespmem:$0x230];
	[tilespmem:$0x12F70] =	vst v0;
	v0 =	vor.u32 $0x1, v38  }
0x42: {  	v33 =	vshll.u32 v28, $0x3;
	[tilespmem:$0x12F80] =	vst v0  }
0x43: {  	v34 =	vld [tilespmem:$0x240];
	v0 =	vor.u32 $0x1, v40;
	[tilespmem:$0x12E10] =	vst v33  }
0x44: {  	v35 =	vshll.u32 v30, $0x3;
	[tilespmem:$0x12F90] =	vst v0  }
0x45: {  	v36 =	vld [tilespmem:$0x250];
	v0 =	vor.u32 $0x1, v42;
	[tilespmem:$0x12E20] =	vst v35  }
0x46: {  	v37 =	vshll.u32 v32, $0x3;
	[tilespmem:$0x12FA0] =	vst v0  }
0x47: {  	v38 =	vld [tilespmem:$0x260];
	v0 =	vor.u32 $0x1, v44;
	[tilespmem:$0x12E30] =	vst v37  }
0x48: {  	v39 =	vshll.u32 v34, $0x3;
	[tilespmem:$0x12FB0] =	vst v0  }
0x49: {  	v40 =	vld [tilespmem:$0x270];
	v0 =	vor.u32 $0x1, v46;
	[tilespmem:$0x12E40] =	vst v39  }
0x4a: {  	v41 =	vshll.u32 v36, $0x3;
	[tilespmem:$0x12FC0] =	vst v0  }
0x4b: {  	v42 =	vld [tilespmem:$0x280];
	v0 =	vor.u32 $0x1, v48;
	[tilespmem:$0x12E50] =	vst v41  }
0x4c: {  	v43 =	vshll.u32 v38, $0x3;
	[tilespmem:$0x12FD0] =	vst v0  }
0x4d: {  	v44 =	vld [tilespmem:$0x290];
	v0 =	vor.u32 $0x1, v50;
	[tilespmem:$0x12E60] =	vst v43  }
0x4e: {  	v45 =	vshll.u32 v40, $0x3;
	[tilespmem:$0x12FE0] =	vst v0  }
0x4f: {  	v46 =	vld [tilespmem:$0x2A0];
	v0 =	vor.u32 $0x1, v52;
	[tilespmem:$0x12E70] =	vst v45  }
0x50: {  	v47 =	vshll.u32 v42, $0x3;
	[tilespmem:$0x12FF0] =	vst v0  }
0x51: {  	v48 =	vld [tilespmem:$0x2B0];
	v0 =	vor.u32 $0x1, v54;
	[tilespmem:$0x12E80] =	vst v47  }
0x52: {  	v49 =	vshll.u32 v44, $0x3;
	[tilespmem:$0x13000] =	vst v0  }
0x53: {  	v50 =	vld [tilespmem:$0x2C0];
	v0 =	vor.u32 $0x1, v56;
	[tilespmem:$0x12E90] =	vst v49  }
0x54: {  	v51 =	vshll.u32 v46, $0x3;
	[tilespmem:$0x13010] =	vst v0  }
0x55: {  	v52 =	vld [tilespmem:$0x2D0];
	v0 =	vor.u32 $0x1, v58;
	[tilespmem:$0x12EA0] =	vst v51  }
0x56: {  	v53 =	vshll.u32 v48, $0x3;
	[tilespmem:$0x13020] =	vst v0  }
0x57: {  	v54 =	vld [tilespmem:$0x2E0];
	v0 =	vor.u32 $0x1, v60;
	[tilespmem:$0x12EB0] =	vst v53  }
0x58: {  	v55 =	vshll.u32 v50, $0x3;
	[tilespmem:$0x13030] =	vst v0  }
0x59: {  	v56 =	vld [tilespmem:$0x2F0];
	v0 =	vor.u32 $0x1, v62;
	[tilespmem:$0x12EC0] =	vst v55  }
0x5a: {  	v57 =	vshll.u32 v52, $0x3;
	[tilespmem:$0x13040] =	vst v0  }
0x5b: {  	v58 =	vld [tilespmem:$0x300];
	v0 =	vor.u32 $0x1, v5;
	[tilespmem:$0x12ED0] =	vst v57  }
0x5c: {  	v59 =	vshll.u32 v54, $0x3;
	[tilespmem:$0x13050] =	vst v0  }
0x5d: {  	v60 =	vld [tilespmem:$0x310];
	v0 =	vor.u32 $0x1, v7;
	[tilespmem:$0x12EE0] =	vst v59  }
0x5e: {  	v61 =	vshll.u32 v56, $0x3;
	[tilespmem:$0x13060] =	vst v0  }
0x5f: {  	v0 =	vor.u32 $0x1, v9;
	[tilespmem:$0x12EF0] =	vst v61  }
0x60: {  	v62 =	vshll.u32 v58, $0x3;
	[tilespmem:$0x13070] =	vst v0  }
0x61: {  	v0 =	vor.u32 $0x1, v11;
	[tilespmem:$0x12F00] =	vst v62  }
0x62: {  	v63 =	vshll.u32 v60, $0x3;
	[tilespmem:$0x13080] =	vst v0  }
0x63: {  	v0 =	vor.u32 $0x1, v13;
	[tilespmem:$0x12F10] =	vst v63  }
0x64: {  	[tilespmem:$0x13090] =	vst v0;
	v0 =	vor.u32 $0x1, v15  }
0x65: {  	[tilespmem:$0x130A0] =	vst v0;
	v0 =	vor.u32 $0x1, v17  }
0x66: {  	[tilespmem:$0x130B0] =	vst v0;
	v0 =	vor.u32 $0x1, v19  }
0x67: {  	[tilespmem:$0x130C0] =	vst v0;
	v0 =	vor.u32 $0x1, v21  }
0x68: {  	[tilespmem:$0x130D0] =	vst v0;
	v0 =	vor.u32 $0x1, v23  }
0x69: {  	[tilespmem:$0x130E0] =	vst v0;
	v0 =	vor.u32 $0x1, v25  }
0x6a: {  	[tilespmem:$0x130F0] =	vst v0;
	v0 =	vor.u32 $0x1, v27  }
0x6b: {  	[tilespmem:$0x13100] =	vst v0;
	v0 =	vor.u32 $0x1, v29  }
0x6c: {  	[tilespmem:$0x13110] =	vst v0;
	v0 =	vor.u32 $0x1, v31  }
0x6d: {  	[tilespmem:$0x13120] =	vst v0;
	v0 =	vor.u32 $0x1, v33  }
0x6e: {  	[tilespmem:$0x13130] =	vst v0;
	v0 =	vor.u32 $0x1, v35  }
0x6f: {  	[tilespmem:$0x13140] =	vst v0;
	v0 =	vor.u32 $0x1, v37  }
0x70: {  	[tilespmem:$0x13150] =	vst v0;
	v0 =	vor.u32 $0x1, v39  }
0x71: {  	[tilespmem:$0x13160] =	vst v0;
	v0 =	vor.u32 $0x1, v41  }
0x72: {  	[tilespmem:$0x13170] =	vst v0;
	v0 =	vor.u32 $0x1, v43  }
0x73: {  	[tilespmem:$0x13180] =	vst v0;
	v0 =	vor.u32 $0x1, v45  }
0x74: {  	[tilespmem:$0x13190] =	vst v0;
	v0 =	vor.u32 $0x1, v47  }
0x75: {  	[tilespmem:$0x131A0] =	vst v0;
	v0 =	vor.u32 $0x1, v49  }
0x76: {  	[tilespmem:$0x131B0] =	vst v0;
	v0 =	vor.u32 $0x1, v51  }
0x77: {  	[tilespmem:$0x131C0] =	vst v0;
	v0 =	vor.u32 $0x1, v53  }
0x78: {  	[tilespmem:$0x131D0] =	vst v0;
	v0 =	vor.u32 $0x1, v55  }
0x79: {  	[tilespmem:$0x131E0] =	vst v0;
	v0 =	vor.u32 $0x1, v57  }
0x7a: {  	[tilespmem:$0x131F0] =	vst v0;
	v0 =	vor.u32 $0x1, v59  }
0x7b: {  	[tilespmem:$0x13200] =	vst v0;
	v0 =	vor.u32 $0x1, v61  }
0x7c: {  	[tilespmem:$0x13210] =	vst v0;
	v0 =	vor.u32 $0x1, v62  }
0x7d: {  	[tilespmem:$0x13220] =	vst v0;
	v0 =	vor.u32 $0x1, v63  }
0x7e: {  	s28 =	simm.s32 $0x12C00;
	s29 =	simm.s32 $0x6400;
	[tilespmem:$0x13230] =	vst v0  }
0x7f: {  	[tilespmem:s29], [sflag:$0x1] =	stream.indirect.gather [hbm4b:s4+s9], $0x10, s28, s9, $0xb8;
	[tilespmem:$0x19C80] =	vst v63  }
0x80: {  	s30 =	simm.s32 $0x12F20;
	s31 =	simm.s32 $0x9600  }
0x81: {  	[tilespmem:s31], [sflag:$0x1] =	stream.indirect.gather [hbm4b:s4+s9], $0x10, s30, s9, $0xb8;
	[tilespmem:$0x19C80] =	vst v63  }
0x82: {  	s23 =	simm.s32 $0x12C80;
	s24 =	simm.s32 $0x6C00  }
0x83: {  	[tilespmem:s24], [sflag:$0x1] =	stream.indirect.gather [hbm4b:s4+s9], $0x10, s23, s9, $0xb8;
	[tilespmem:$0x19C80] =	vst v63  }
0x84: {  	s25 =	simm.s32 $0x12FA0;
	s26 =	simm.s32 $0x9E00  }
0x85: {  	[tilespmem:s26], [sflag:$0x1] =	stream.indirect.gather [hbm4b:s4+s9], $0x10, s25, s9, $0xb8;
	[tilespmem:$0x19C80] =	vst v63  }
0x86: {  	s28 =	simm.s32 $0x12D00;
	s29 =	simm.s32 $0x7400  }
0x87: {  	[tilespmem:s29], [sflag:$0x1] =	stream.indirect.gather [hbm4b:s4+s9], $0x10, s28, s9, $0xb8;
	[tilespmem:$0x19C80] =	vst v63  }
0x88: {  	s30 =	simm.s32 $0x13020;
	s31 =	simm.s32 $0xA600  }
0x89: {  	[tilespmem:s31], [sflag:$0x1] =	stream.indirect.gather [hbm4b:s4+s9], $0x10, s30, s9, $0xb8;
	[tilespmem:$0x19C80] =	vst v63  }
0x8a: {  	s23 =	simm.s32 $0x12D80;
	s24 =	simm.s32 $0x7C00  }
0x8b: {  	[tilespmem:s24], [sflag:$0x1] =	stream.indirect.gather [hbm4b:s4+s9], $0x10, s23, s9, $0xb8;
	[tilespmem:$0x19C80] =	vst v63  }
0x8c: {  	s25 =	simm.s32 $0x130A0;
	s26 =	simm.s32 $0xAE00  }
0x8d: {  	[tilespmem:s26], [sflag:$0x1] =	stream.indirect.gather [hbm4b:s4+s9], $0x10, s25, s9, $0xb8;
	[tilespmem:$0x19C80] =	vst v63  }
0x8e: {  	s28 =	simm.s32 $0x12E00;
	s29 =	simm.s32 $0x8400  }
0x8f: {  	[tilespmem:s29], [sflag:$0x1] =	stream.indirect.gather [hbm4b:s4+s9], $0x10, s28, s9, $0xb8;
	[tilespmem:$0x19C80] =	vst v63  }
0x90: {  	s30 =	simm.s32 $0x13120;
	s31 =	simm.s32 $0xB600  }
0x91: {  	[tilespmem:s31], [sflag:$0x1] =	stream.indirect.gather [hbm4b:s4+s9], $0x10, s30, s9, $0xb8;
	[tilespmem:$0x19C80] =	vst v63  }
0x92: {  	s23 =	simm.s32 $0x12E80;
	s24 =	simm.s32 $0x8C00  }
0x93: {  	[tilespmem:s24], [sflag:$0x1] =	stream.indirect.gather [hbm4b:s4+s9], $0x10, s23, s9, $0xb8;
	[tilespmem:$0x19C80] =	vst v63  }
0x94: {  	s25 =	simm.s32 $0x131A0;
	s26 =	simm.s32 $0xBE00  }
0x95: {  	[tilespmem:s26], [sflag:$0x1] =	stream.indirect.gather [hbm4b:s4+s9], $0x10, s25, s9, $0xb8;
	[tilespmem:$0x19C80] =	vst v63  }
0x96: {  	s28 =	simm.s32 $0x12F00;
	s29 =	simm.s32 $0x9400  }
0x97: {  	[tilespmem:s29], [sflag:$0x1] =	stream.indirect.gather [hbm4b:s4+s7], $0x10, s28, s7, $0xb8;
	[tilespmem:$0x19C80] =	vst v63  }
0x98: {  	s21 =	simm.s32 $0x0;
	s30 =	simm.s32 $0x13220;
	s31 =	simm.s32 $0xC600  }
0x99: {  	[tilespmem:s31], [sflag:$0x1] =	stream.indirect.gather [hbm4b:s4+s7], $0x10, s30, s7, $0xb8;
	[tilespmem:$0x19C80] =	vst v63  }
.LBB2_2:
0x9a: {  	_ =	swait.ge [sflag:s13], $0x800  }
0x9b: {  	[sflag:s13] =	ssyncset.done $0x0  }
0x9c: {  	[sflag:s13] =	ssyncadd.s32 $0xFFFFF800  }
0x9d: {  	_ =	swait.ge [sflag:s13], $0x800  }
0x9e: {  	[sflag:s13] =	ssyncset.done $0x0  }
0x9f: {  	[sflag:s13] =	ssyncadd.s32 $0xFFFFF800  }
0xa0: {  	_ =	swait.ge [sflag:s13], $0x800  }
0xa1: {  	[sflag:s13] =	ssyncset.done $0x0  }
0xa2: {  	[sflag:s13] =	ssyncadd.s32 $0xFFFFF800  }
0xa3: {  	_ =	swait.ge [sflag:s13], $0x800  }
0xa4: {  	[sflag:s13] =	ssyncset.done $0x0  }
0xa5: {  	[sflag:s13] =	ssyncadd.s32 $0xFFFFF800  }
0xa6: {  	_ =	swait.ge [sflag:s13], $0x800  }
0xa7: {  	[sflag:s13] =	ssyncset.done $0x0  }
0xa8: {  	[sflag:s13] =	ssyncadd.s32 $0xFFFFF800  }
0xa9: {  	_ =	swait.ge [sflag:s13], $0x800  }
0xaa: {  	[sflag:s13] =	ssyncset.done $0x0  }
0xab: {  	[sflag:s13] =	ssyncadd.s32 $0xFFFFF800  }
0xac: {  	_ =	swait.ge [sflag:s13], $0x800  }
0xad: {  	[sflag:s13] =	ssyncset.done $0x0  }
0xae: {  	[sflag:s13] =	ssyncadd.s32 $0xFFFFF800  }
0xaf: {  	_ =	swait.ge [sflag:s13], $0x800  }
0xb0: {  	[sflag:s13] =	ssyncset.done $0x0  }
0xb1: {  	[sflag:s13] =	ssyncadd.s32 $0xFFFFF800  }
0xb2: {  	_ =	swait.ge [sflag:s13], $0x800  }
0xb3: {  	[sflag:s13] =	ssyncset.done $0x0  }
0xb4: {  	[sflag:s13] =	ssyncadd.s32 $0xFFFFF800  }
0xb5: {  	_ =	swait.ge [sflag:s13], $0x800  }
0xb6: {  	[sflag:s13] =	ssyncset.done $0x0  }
0xb7: {  	[sflag:s13] =	ssyncadd.s32 $0xFFFFF800  }
0xb8: {  	_ =	swait.ge [sflag:s13], $0x800  }
0xb9: {  	[sflag:s13] =	ssyncset.done $0x0  }
0xba: {  	[sflag:s13] =	ssyncadd.s32 $0xFFFFF800  }
0xbb: {  	_ =	swait.ge [sflag:s13], $0x800  }
0xbc: {  	[sflag:s13] =	ssyncset.done $0x0  }
0xbd: {  	[sflag:s13] =	ssyncadd.s32 $0xFFFFF800  }
0xbe: {  	_ =	swait.ge [sflag:s13], $0x200  }
0xbf: {  	[sflag:s13] =	ssyncset.done $0x0  }
0xc0: {  	s22 =	sshllo.u32 s21, $0x1;
	[sflag:s13] =	ssyncadd.s32 $0xFFFFFE00  }
0xc1: {  	s23 =	smul.u32 $0xC80, s22;
	_ =	swait.ge [sflag:s13], $0x200  }
0xc2: {  	[sflag:s13] =	ssyncset.done $0x0  }
0xc3: {  	s23 =	sshra.s32 s23, $0x2;
	[sflag:s13] =	ssyncadd.s32 $0xFFFFFE00  }
0xc4: {  	v0 =	vld [tilespmem:s23+$0x0];
	_ =	sdelay $0x4  }
0xc5: {  	v0 =	vshll.u32 v0, $0x3  }
0xc6: {  	[tilespmem:$0x13240] =	vst v0;
	v0 =	vor.u32 $0x1, v0  }
0xc7: {  	[tilespmem:$0x13560] =	vst v0  }
0xc8: {  	v0 =	vld [tilespmem:s23+$0x10];
	_ =	sdelay $0x4  }
0xc9: {  	v0 =	vshll.u32 v0, $0x3  }
0xca: {  	[tilespmem:$0x13250] =	vst v0;
	v0 =	vor.u32 $0x1, v0  }
0xcb: {  	[tilespmem:$0x13570] =	vst v0  }
0xcc: {  	v0 =	vld [tilespmem:s23+$0x20];
	_ =	sdelay $0x4  }
0xcd: {  	v0 =	vshll.u32 v0, $0x3  }
0xce: {  	[tilespmem:$0x13260] =	vst v0;
	v0 =	vor.u32 $0x1, v0  }
0xcf: {  	[tilespmem:$0x13580] =	vst v0  }
0xd0: {  	v0 =	vld [tilespmem:s23+$0x30];
	_ =	sdelay $0x4  }
0xd1: {  	v0 =	vshll.u32 v0, $0x3  }
0xd2: {  	[tilespmem:$0x13270] =	vst v0;
	v0 =	vor.u32 $0x1, v0  }
0xd3: {  	[tilespmem:$0x13590] =	vst v0  }
0xd4: {  	v0 =	vld [tilespmem:s23+$0x40];
	_ =	sdelay $0x4  }
0xd5: {  	v0 =	vshll.u32 v0, $0x3  }
0xd6: {  	[tilespmem:$0x13280] =	vst v0;
	v0 =	vor.u32 $0x1, v0  }
0xd7: {  	[tilespmem:$0x135A0] =	vst v0  }
0xd8: {  	v0 =	vld [tilespmem:s23+$0x50];
	_ =	sdelay $0x4  }
0xd9: {  	v0 =	vshll.u32 v0, $0x3  }
0xda: {  	[tilespmem:$0x13290] =	vst v0;
	v0 =	vor.u32 $0x1, v0  }
0xdb: {  	[tilespmem:$0x135B0] =	vst v0  }
0xdc: {  	v0 =	vld [tilespmem:s23+$0x60];
	_ =	sdelay $0x4  }
0xdd: {  	v0 =	vshll.u32 v0, $0x3  }
0xde: {  	[tilespmem:$0x132A0] =	vst v0;
	v0 =	vor.u32 $0x1, v0  }
0xdf: {  	[tilespmem:$0x135C0] =	vst v0  }
0xe0: {  	v0 =	vld [tilespmem:s23+$0x70];
	_ =	sdelay $0x4  }
0xe1: {  	v0 =	vshll.u32 v0, $0x3  }
0xe2: {  	[tilespmem:$0x132B0] =	vst v0;
	v0 =	vor.u32 $0x1, v0  }
0xe3: {  	[tilespmem:$0x135D0] =	vst v0  }
0xe4: {  	v0 =	vld [tilespmem:s23+$0x80];
	_ =	sdelay $0x4  }
0xe5: {  	v0 =	vshll.u32 v0, $0x3  }
0xe6: {  	[tilespmem:$0x132C0] =	vst v0;
	v0 =	vor.u32 $0x1, v0  }
0xe7: {  	[tilespmem:$0x135E0] =	vst v0  }
0xe8: {  	v0 =	vld [tilespmem:s23+$0x90];
	_ =	sdelay $0x4  }
0xe9: {  	v0 =	vshll.u32 v0, $0x3  }
0xea: {  	[tilespmem:$0x132D0] =	vst v0;
	v0 =	vor.u32 $0x1, v0  }
0xeb: {  	[tilespmem:$0x135F0] =	vst v0  }
0xec: {  	v0 =	vld [tilespmem:s23+$0xA0];
	_ =	sdelay $0x4  }
0xed: {  	v0 =	vshll.u32 v0, $0x3  }
0xee: {  	[tilespmem:$0x132E0] =	vst v0;
	v0 =	vor.u32 $0x1, v0  }
0xef: {  	[tilespmem:$0x13600] =	vst v0  }
0xf0: {  	v0 =	vld [tilespmem:s23+$0xB0];
	_ =	sdelay $0x4  }
0xf1: {  	v0 =	vshll.u32 v0, $0x3  }
0xf2: {  	[tilespmem:$0x132F0] =	vst v0;
	v0 =	vor.u32 $0x1, v0  }
0xf3: {  	[tilespmem:$0x13610] =	vst v0  }
0xf4: {  	v0 =	vld [tilespmem:s23+$0xC0];
	_ =	sdelay $0x4  }
0xf5: {  	v0 =	vshll.u32 v0, $0x3  }
0xf6: {  	[tilespmem:$0x13300] =	vst v0;
	v0 =	vor.u32 $0x1, v0  }
0xf7: {  	[tilespmem:$0x13620] =	vst v0  }
0xf8: {  	v0 =	vld [tilespmem:s23+$0xD0];
	_ =	sdelay $0x4  }
0xf9: {  	v0 =	vshll.u32 v0, $0x3  }
0xfa: {  	[tilespmem:$0x13310] =	vst v0;
	v0 =	vor.u32 $0x1, v0  }
0xfb: {  	[tilespmem:$0x13630] =	vst v0  }
0xfc: {  	v0 =	vld [tilespmem:s23+$0xE0];
	_ =	sdelay $0x4  }
0xfd: {  	v0 =	vshll.u32 v0, $0x3  }
0xfe: {  	[tilespmem:$0x13320] =	vst v0;
	v0 =	vor.u32 $0x1, v0  }
0xff: {  	[tilespmem:$0x13640] =	vst v0  }
0x100: {  	v0 =	vld [tilespmem:s23+$0xF0];
	_ =	sdelay $0x4  }
0x101: {  	v0 =	vshll.u32 v0, $0x3  }
0x102: {  	[tilespmem:$0x13330] =	vst v0;
	v0 =	vor.u32 $0x1, v0  }
0x103: {  	[tilespmem:$0x13650] =	vst v0  }
0x104: {  	v0 =	vld [tilespmem:s23+$0x100];
	_ =	sdelay $0x4  }
0x105: {  	v0 =	vshll.u32 v0, $0x3  }
0x106: {  	[tilespmem:$0x13340] =	vst v0;
	v0 =	vor.u32 $0x1, v0  }
0x107: {  	[tilespmem:$0x13660] =	vst v0  }
0x108: {  	v0 =	vld [tilespmem:s23+$0x110];
	_ =	sdelay $0x4  }
0x109: {  	v0 =	vshll.u32 v0, $0x3  }
0x10a: {  	[tilespmem:$0x13350] =	vst v0;
	v0 =	vor.u32 $0x1, v0  }
0x10b: {  	[tilespmem:$0x13670] =	vst v0  }
0x10c: {  	v0 =	vld [tilespmem:s23+$0x120];
	_ =	sdelay $0x4  }
0x10d: {  	v0 =	vshll.u32 v0, $0x3  }
0x10e: {  	[tilespmem:$0x13360] =	vst v0;
	v0 =	vor.u32 $0x1, v0  }
0x10f: {  	[tilespmem:$0x13680] =	vst v0  }
0x110: {  	v0 =	vld [tilespmem:s23+$0x130];
	_ =	sdelay $0x4  }
0x111: {  	v0 =	vshll.u32 v0, $0x3  }
0x112: {  	[tilespmem:$0x13370] =	vst v0;
	v0 =	vor.u32 $0x1, v0  }
0x113: {  	[tilespmem:$0x13690] =	vst v0  }
0x114: {  	v0 =	vld [tilespmem:s23+$0x140];
	_ =	sdelay $0x4  }
0x115: {  	v0 =	vshll.u32 v0, $0x3  }
0x116: {  	[tilespmem:$0x13380] =	vst v0;
	v0 =	vor.u32 $0x1, v0  }
0x117: {  	[tilespmem:$0x136A0] =	vst v0  }
0x118: {  	v0 =	vld [tilespmem:s23+$0x150];
	_ =	sdelay $0x4  }
0x119: {  	v0 =	vshll.u32 v0, $0x3  }
0x11a: {  	[tilespmem:$0x13390] =	vst v0;
	v0 =	vor.u32 $0x1, v0  }
0x11b: {  	[tilespmem:$0x136B0] =	vst v0  }
0x11c: {  	v0 =	vld [tilespmem:s23+$0x160];
	_ =	sdelay $0x4  }
0x11d: {  	v0 =	vshll.u32 v0, $0x3  }
0x11e: {  	[tilespmem:$0x133A0] =	vst v0;
	v0 =	vor.u32 $0x1, v0  }
0x11f: {  	[tilespmem:$0x136C0] =	vst v0  }
0x120: {  	v0 =	vld [tilespmem:s23+$0x170];
	_ =	sdelay $0x4  }
0x121: {  	v0 =	vshll.u32 v0, $0x3  }
0x122: {  	[tilespmem:$0x133B0] =	vst v0;
	v0 =	vor.u32 $0x1, v0  }
0x123: {  	[tilespmem:$0x136D0] =	vst v0  }
0x124: {  	v0 =	vld [tilespmem:s23+$0x180];
	_ =	sdelay $0x4  }
0x125: {  	v0 =	vshll.u32 v0, $0x3  }
0x126: {  	[tilespmem:$0x133C0] =	vst v0;
	v0 =	vor.u32 $0x1, v0  }
0x127: {  	[tilespmem:$0x136E0] =	vst v0  }
0x128: {  	v0 =	vld [tilespmem:s23+$0x190];
	_ =	sdelay $0x4  }
0x129: {  	v0 =	vshll.u32 v0, $0x3  }
0x12a: {  	[tilespmem:$0x133D0] =	vst v0;
	v0 =	vor.u32 $0x1, v0  }
0x12b: {  	[tilespmem:$0x136F0] =	vst v0  }
0x12c: {  	v0 =	vld [tilespmem:s23+$0x1A0];
	_ =	sdelay $0x4  }
0x12d: {  	v0 =	vshll.u32 v0, $0x3  }
0x12e: {  	[tilespmem:$0x133E0] =	vst v0;
	v0 =	vor.u32 $0x1, v0  }
0x12f: {  	[tilespmem:$0x13700] =	vst v0  }
0x130: {  	v0 =	vld [tilespmem:s23+$0x1B0];
	_ =	sdelay $0x4  }
0x131: {  	v0 =	vshll.u32 v0, $0x3  }
0x132: {  	[tilespmem:$0x133F0] =	vst v0;
	v0 =	vor.u32 $0x1, v0  }
0x133: {  	[tilespmem:$0x13710] =	vst v0  }
0x134: {  	v0 =	vld [tilespmem:s23+$0x1C0];
	_ =	sdelay $0x4  }
0x135: {  	v0 =	vshll.u32 v0, $0x3  }
0x136: {  	[tilespmem:$0x13400] =	vst v0;
	v0 =	vor.u32 $0x1, v0  }
0x137: {  	[tilespmem:$0x13720] =	vst v0  }
0x138: {  	v0 =	vld [tilespmem:s23+$0x1D0];
	_ =	sdelay $0x4  }
0x139: {  	v0 =	vshll.u32 v0, $0x3  }
0x13a: {  	[tilespmem:$0x13410] =	vst v0;
	v0 =	vor.u32 $0x1, v0  }
0x13b: {  	[tilespmem:$0x13730] =	vst v0  }
0x13c: {  	v0 =	vld [tilespmem:s23+$0x1E0];
	_ =	sdelay $0x4  }
0x13d: {  	v0 =	vshll.u32 v0, $0x3  }
0x13e: {  	[tilespmem:$0x13420] =	vst v0;
	v0 =	vor.u32 $0x1, v0  }
0x13f: {  	[tilespmem:$0x13740] =	vst v0  }
0x140: {  	v0 =	vld [tilespmem:s23+$0x1F0];
	_ =	sdelay $0x4  }
0x141: {  	v0 =	vshll.u32 v0, $0x3  }
0x142: {  	[tilespmem:$0x13430] =	vst v0;
	v0 =	vor.u32 $0x1, v0  }
0x143: {  	[tilespmem:$0x13750] =	vst v0  }
0x144: {  	v0 =	vld [tilespmem:s23+$0x200];
	_ =	sdelay $0x4  }
0x145: {  	v0 =	vshll.u32 v0, $0x3  }
0x146: {  	[tilespmem:$0x13440] =	vst v0;
	v0 =	vor.u32 $0x1, v0  }
0x147: {  	[tilespmem:$0x13760] =	vst v0  }
0x148: {  	v0 =	vld [tilespmem:s23+$0x210];
	_ =	sdelay $0x4  }
0x149: {  	v0 =	vshll.u32 v0, $0x3  }
0x14a: {  	[tilespmem:$0x13450] =	vst v0;
	v0 =	vor.u32 $0x1, v0  }
0x14b: {  	[tilespmem:$0x13770] =	vst v0  }
0x14c: {  	v0 =	vld [tilespmem:s23+$0x220];
	_ =	sdelay $0x4  }
0x14d: {  	v0 =	vshll.u32 v0, $0x3  }
0x14e: {  	[tilespmem:$0x13460] =	vst v0;
	v0 =	vor.u32 $0x1, v0  }
0x14f: {  	[tilespmem:$0x13780] =	vst v0  }
0x150: {  	v0 =	vld [tilespmem:s23+$0x230];
	_ =	sdelay $0x4  }
0x151: {  	v0 =	vshll.u32 v0, $0x3  }
0x152: {  	[tilespmem:$0x13470] =	vst v0;
	v0 =	vor.u32 $0x1, v0  }
0x153: {  	[tilespmem:$0x13790] =	vst v0  }
0x154: {  	v0 =	vld [tilespmem:s23+$0x240];
	_ =	sdelay $0x4  }
0x155: {  	v0 =	vshll.u32 v0, $0x3  }
0x156: {  	[tilespmem:$0x13480] =	vst v0;
	v0 =	vor.u32 $0x1, v0  }
0x157: {  	[tilespmem:$0x137A0] =	vst v0  }
0x158: {  	v0 =	vld [tilespmem:s23+$0x250];
	_ =	sdelay $0x4  }
0x159: {  	v0 =	vshll.u32 v0, $0x3  }
0x15a: {  	[tilespmem:$0x13490] =	vst v0;
	v0 =	vor.u32 $0x1, v0  }
0x15b: {  	[tilespmem:$0x137B0] =	vst v0  }
0x15c: {  	v0 =	vld [tilespmem:s23+$0x260];
	_ =	sdelay $0x4  }
0x15d: {  	v0 =	vshll.u32 v0, $0x3  }
0x15e: {  	[tilespmem:$0x134A0] =	vst v0;
	v0 =	vor.u32 $0x1, v0  }
0x15f: {  	[tilespmem:$0x137C0] =	vst v0  }
0x160: {  	v0 =	vld [tilespmem:s23+$0x270];
	_ =	sdelay $0x4  }
0x161: {  	v0 =	vshll.u32 v0, $0x3  }
0x162: {  	[tilespmem:$0x134B0] =	vst v0;
	v0 =	vor.u32 $0x1, v0  }
0x163: {  	[tilespmem:$0x137D0] =	vst v0  }
0x164: {  	v0 =	vld [tilespmem:s23+$0x280];
	_ =	sdelay $0x4  }
0x165: {  	v0 =	vshll.u32 v0, $0x3  }
0x166: {  	[tilespmem:$0x134C0] =	vst v0;
	v0 =	vor.u32 $0x1, v0  }
0x167: {  	[tilespmem:$0x137E0] =	vst v0  }
0x168: {  	v0 =	vld [tilespmem:s23+$0x290];
	_ =	sdelay $0x4  }
0x169: {  	v0 =	vshll.u32 v0, $0x3  }
0x16a: {  	[tilespmem:$0x134D0] =	vst v0;
	v0 =	vor.u32 $0x1, v0  }
0x16b: {  	[tilespmem:$0x137F0] =	vst v0  }
0x16c: {  	v0 =	vld [tilespmem:s23+$0x2A0];
	_ =	sdelay $0x4  }
0x16d: {  	v0 =	vshll.u32 v0, $0x3  }
0x16e: {  	[tilespmem:$0x134E0] =	vst v0;
	v0 =	vor.u32 $0x1, v0  }
0x16f: {  	[tilespmem:$0x13800] =	vst v0  }
0x170: {  	v0 =	vld [tilespmem:s23+$0x2B0];
	_ =	sdelay $0x4  }
0x171: {  	v0 =	vshll.u32 v0, $0x3  }
0x172: {  	[tilespmem:$0x134F0] =	vst v0;
	v0 =	vor.u32 $0x1, v0  }
0x173: {  	[tilespmem:$0x13810] =	vst v0  }
0x174: {  	v0 =	vld [tilespmem:s23+$0x2C0];
	_ =	sdelay $0x4  }
0x175: {  	v0 =	vshll.u32 v0, $0x3  }
0x176: {  	[tilespmem:$0x13500] =	vst v0;
	v0 =	vor.u32 $0x1, v0  }
0x177: {  	[tilespmem:$0x13820] =	vst v0  }
0x178: {  	v0 =	vld [tilespmem:s23+$0x2D0];
	_ =	sdelay $0x4  }
0x179: {  	v0 =	vshll.u32 v0, $0x3  }
0x17a: {  	[tilespmem:$0x13510] =	vst v0;
	v0 =	vor.u32 $0x1, v0  }
0x17b: {  	[tilespmem:$0x13830] =	vst v0  }
0x17c: {  	v0 =	vld [tilespmem:s23+$0x2E0];
	_ =	sdelay $0x4  }
0x17d: {  	v0 =	vshll.u32 v0, $0x3  }
0x17e: {  	[tilespmem:$0x13520] =	vst v0;
	v0 =	vor.u32 $0x1, v0  }
0x17f: {  	[tilespmem:$0x13840] =	vst v0  }
0x180: {  	v0 =	vld [tilespmem:s23+$0x2F0];
	_ =	sdelay $0x4  }
0x181: {  	v0 =	vshll.u32 v0, $0x3  }
0x182: {  	[tilespmem:$0x13530] =	vst v0;
	v0 =	vor.u32 $0x1, v0  }
0x183: {  	[tilespmem:$0x13850] =	vst v0  }
0x184: {  	v0 =	vld [tilespmem:s23+$0x300];
	_ =	sdelay $0x4  }
0x185: {  	v0 =	vshll.u32 v0, $0x3  }
0x186: {  	[tilespmem:$0x13540] =	vst v0;
	v0 =	vor.u32 $0x1, v0  }
0x187: {  	[tilespmem:$0x13860] =	vst v0  }
0x188: {  	v0 =	vld [tilespmem:s23+$0x310];
	_ =	sdelay $0x4  }
0x189: {  	v0 =	vshll.u32 v0, $0x3  }
0x18a: {  	[tilespmem:$0x13550] =	vst v0;
	v0 =	vor.u32 $0x1, v0  }
0x18b: {  	s26 =	simm.s32 $0x13240;
	s24 =	simm.s32 $0xC800;
	[tilespmem:$0x13870] =	vst v0  }
0x18c: {  	[tilespmem:s24], [sflag:$0x2] =	stream.indirect.gather [hbm4b:s4+s9], $0x10, s26, s9, $0xb8;
	[tilespmem:$0x19C80] =	vst v63  }
0x18d: {  	s28 =	simm.s32 $0x13560;
	s29 =	simm.s32 $0xFA00  }
0x18e: {  	[tilespmem:s29], [sflag:$0x2] =	stream.indirect.gather [hbm4b:s4+s9], $0x10, s28, s9, $0xb8;
	[tilespmem:$0x19C80] =	vst v63  }
0x18f: {  	s25 =	simm.s32 $0x132C0;
	s26 =	simm.s32 $0xD000  }
0x190: {  	[tilespmem:s26], [sflag:$0x2] =	stream.indirect.gather [hbm4b:s4+s9], $0x10, s25, s9, $0xb8;
	[tilespmem:$0x19C80] =	vst v63  }
0x191: {  	s28 =	simm.s32 $0x135E0;
	s29 =	simm.s32 $0x10200  }
0x192: {  	[tilespmem:s29], [sflag:$0x2] =	stream.indirect.gather [hbm4b:s4+s9], $0x10, s28, s9, $0xb8;
	[tilespmem:$0x19C80] =	vst v63  }
0x193: {  	s25 =	simm.s32 $0x13340;
	s26 =	simm.s32 $0xD800  }
0x194: {  	[tilespmem:s26], [sflag:$0x2] =	stream.indirect.gather [hbm4b:s4+s9], $0x10, s25, s9, $0xb8;
	[tilespmem:$0x19C80] =	vst v63  }
0x195: {  	s28 =	simm.s32 $0x13660;
	s29 =	simm.s32 $0x10A00  }
0x196: {  	[tilespmem:s29], [sflag:$0x2] =	stream.indirect.gather [hbm4b:s4+s9], $0x10, s28, s9, $0xb8;
	[tilespmem:$0x19C80] =	vst v63  }
0x197: {  	s24 =	simm.s32 $0x133C0;
	s25 =	simm.s32 $0xE000  }
0x198: {  	[tilespmem:s25], [sflag:$0x2] =	stream.indirect.gather [hbm4b:s4+s9], $0x10, s24, s9, $0xb8;
	[tilespmem:$0x19C80] =	vst v63  }
0x199: {  	s26 =	simm.s32 $0x136E0;
	s28 =	simm.s32 $0x11200  }
0x19a: {  	[tilespmem:s28], [sflag:$0x2] =	stream.indirect.gather [hbm4b:s4+s9], $0x10, s26, s9, $0xb8;
	[tilespmem:$0x19C80] =	vst v63  }
0x19b: {  	s29 =	simm.s32 $0x13440  }
0x19c: {  	[tilespmem:s1], [sflag:$0x2] =	stream.indirect.gather [hbm4b:s4+s9], $0x10, s29, s9, $0xb8;
	[tilespmem:$0x19C80] =	vst v63  }
0x19d: {  	_ = 	snop  }
0x19e: {  	[tilespmem:s5], [sflag:$0x2] =	stream.indirect.gather [hbm4b:s4+s9], $0x10, s0, s9, $0xb8;
	[tilespmem:$0x19C80] =	vst v63  }
0x19f: {  	_ = 	snop  }
0x1a0: {  	[tilespmem:s10], [sflag:$0x2] =	stream.indirect.gather [hbm4b:s4+s9], $0x10, s8, s9, $0xb8;
	[tilespmem:$0x19C80] =	vst v63  }
0x1a1: {  	_ = 	snop  }
0x1a2: {  	[tilespmem:s12], [sflag:$0x2] =	stream.indirect.gather [hbm4b:s4+s9], $0x10, s11, s9, $0xb8;
	[tilespmem:$0x19C80] =	vst v63  }
0x1a3: {  	p0 =	seq.s32 s21, $0x0  }
0x1a4: {  	[tilespmem:s15], [sflag:$0x2] =	stream.indirect.gather [hbm4b:s4+s7], $0x10, s14, s7, $0xb8;
	[tilespmem:$0x19C80] =	vst v63  }
0x1a5: {  	s23 =	simm.s32 @!p0 $0x3  }
0x1a6: {  	[tilespmem:s17], [sflag:$0x2] =	stream.indirect.gather [hbm4b:s4+s7], $0x10, s16, s7, $0xb8;
	[tilespmem:$0x19C80] =	vst v63  }
0x1a7: {  	_ =	swait.ge @!p0 [sflag:s23], $0x6400  }
0x1a8: {  	s30 =	simm.s32 $0x13920;
	s31 =	simm.s32 $0x9650;
	[sflag:s23] =	ssyncset.done @!p0 $0x0  }
0x1a9: {  	s26 =	simm.s32 $0x6450;
	[sflag:s23] =	ssyncadd.s32 @!p0 $0xFFFF9C00;
	s23 =	simm.s32 $0x0  }
.LBB2_3:
0x1aa: {  	v0 =	vld [tilespmem:s26+$0xFFFFFFB0];
	_ =	sdelay $0x4  }
0x1ab: {  	[tilespmem:s30+$0xFFFFFF60] =	vst v0  }
0x1ac: {  	v0 =	vld [tilespmem:s31+$0xFFFFFFB0];
	_ =	sdelay $0x4  }
0x1ad: {  	[tilespmem:s30+$0xFFFFFF70] =	vst v0  }
0x1ae: {  	v0 =	vld [tilespmem:s26+$0xFFFFFFC0];
	_ =	sdelay $0x4  }
0x1af: {  	[tilespmem:s30+$0xFFFFFF80] =	vst v0  }
0x1b0: {  	v0 =	vld [tilespmem:s31+$0xFFFFFFC0];
	_ =	sdelay $0x4  }
0x1b1: {  	[tilespmem:s30+$0xFFFFFF90] =	vst v0  }
0x1b2: {  	v0 =	vld [tilespmem:s26+$0xFFFFFFD0];
	_ =	sdelay $0x4  }
0x1b3: {  	[tilespmem:s30+$0xFFFFFFA0] =	vst v0  }
0x1b4: {  	v0 =	vld [tilespmem:s31+$0xFFFFFFD0];
	_ =	sdelay $0x4  }
0x1b5: {  	[tilespmem:s30+$0xFFFFFFB0] =	vst v0  }
0x1b6: {  	v0 =	vld [tilespmem:s26+$0xFFFFFFE0];
	_ =	sdelay $0x4  }
0x1b7: {  	[tilespmem:s30+$0xFFFFFFC0] =	vst v0  }
0x1b8: {  	v0 =	vld [tilespmem:s31+$0xFFFFFFE0];
	_ =	sdelay $0x4  }
0x1b9: {  	[tilespmem:s30+$0xFFFFFFD0] =	vst v0  }
0x1ba: {  	v0 =	vld [tilespmem:s26+$0xFFFFFFF0];
	_ =	sdelay $0x4  }
0x1bb: {  	[tilespmem:s30+$0xFFFFFFE0] =	vst v0  }
0x1bc: {  	v0 =	vld [tilespmem:s31+$0xFFFFFFF0];
	_ =	sdelay $0x4  }
0x1bd: {  	[tilespmem:s30+$0xFFFFFFF0] =	vst v0  }
0x1be: {  	v0 =	vld [tilespmem:s26+$0x0];
	_ =	sdelay $0x4  }
0x1bf: {  	[tilespmem:s30+$0x0] =	vst v0  }
0x1c0: {  	v0 =	vld [tilespmem:s31+$0x0];
	_ =	sdelay $0x4  }
0x1c1: {  	[tilespmem:s30+$0x10] =	vst v0  }
0x1c2: {  	v0 =	vld [tilespmem:s26+$0x10];
	_ =	sdelay $0x4  }
0x1c3: {  	[tilespmem:s30+$0x20] =	vst v0  }
0x1c4: {  	v0 =	vld [tilespmem:s31+$0x10];
	_ =	sdelay $0x4  }
0x1c5: {  	[tilespmem:s30+$0x30] =	vst v0  }
0x1c6: {  	v0 =	vld [tilespmem:s26+$0x20];
	_ =	sdelay $0x4  }
0x1c7: {  	[tilespmem:s30+$0x40] =	vst v0  }
0x1c8: {  	v0 =	vld [tilespmem:s31+$0x20];
	_ =	sdelay $0x4  }
0x1c9: {  	[tilespmem:s30+$0x50] =	vst v0  }
0x1ca: {  	v0 =	vld [tilespmem:s26+$0x30];
	_ =	sdelay $0x4  }
0x1cb: {  	[tilespmem:s30+$0x60] =	vst v0  }
0x1cc: {  	v0 =	vld [tilespmem:s31+$0x30];
	_ =	sdelay $0x4  }
0x1cd: {  	[tilespmem:s30+$0x70] =	vst v0  }
0x1ce: {  	v0 =	vld [tilespmem:s26+$0x40];
	_ =	sdelay $0x4  }
0x1cf: {  	[tilespmem:s30+$0x80] =	vst v0  }
0x1d0: {  	v0 =	vld [tilespmem:s31+$0x40];
	_ =	sdelay $0x3  }
0x1d1: {  	s28 =	simm.s32 $0x0  }
0x1d2: {  	s29 =	sadd.s32 $0xA0, s26;
	s24 =	smov.u32 s30;
	s25 =	smov.u32 s31;
	[tilespmem:s30+$0x90] =	vst v0  }
.LBB2_4:
0x1d3: {  	v0 =	vld [tilespmem:s29+$0xFFFFFFB0];
	s28 =	sadd.s32 $0xA, s28  }
0x1d4: {  	p0 =	slt.u32 s28, $0x28;
	_ =	sdelay $0x2  }
0x1d5: {  	s24 =	sadd.s32 $0x140, s24  }
0x1d6: {  	s25 =	sadd.s32 $0xA0, s25;
	[tilespmem:s24+$0xFFFFFF60] =	vst v0  }
0x1d7: {  	v0 =	vld [tilespmem:s25+$0xFFFFFFB0];
	_ =	sdelay $0x4  }
0x1d8: {  	[tilespmem:s24+$0xFFFFFF70] =	vst v0  }
0x1d9: {  	v0 =	vld [tilespmem:s29+$0xFFFFFFC0];
	_ =	sdelay $0x4  }
0x1da: {  	[tilespmem:s24+$0xFFFFFF80] =	vst v0  }
0x1db: {  	v0 =	vld [tilespmem:s25+$0xFFFFFFC0];
	_ =	sdelay $0x4  }
0x1dc: {  	[tilespmem:s24+$0xFFFFFF90] =	vst v0  }
0x1dd: {  	v0 =	vld [tilespmem:s29+$0xFFFFFFD0];
	_ =	sdelay $0x4  }
0x1de: {  	[tilespmem:s24+$0xFFFFFFA0] =	vst v0  }
0x1df: {  	v0 =	vld [tilespmem:s25+$0xFFFFFFD0];
	_ =	sdelay $0x4  }
0x1e0: {  	[tilespmem:s24+$0xFFFFFFB0] =	vst v0  }
0x1e1: {  	v0 =	vld [tilespmem:s29+$0xFFFFFFE0];
	_ =	sdelay $0x4  }
0x1e2: {  	[tilespmem:s24+$0xFFFFFFC0] =	vst v0  }
0x1e3: {  	v0 =	vld [tilespmem:s25+$0xFFFFFFE0];
	_ =	sdelay $0x4  }
0x1e4: {  	[tilespmem:s24+$0xFFFFFFD0] =	vst v0  }
0x1e5: {  	v0 =	vld [tilespmem:s29+$0xFFFFFFF0];
	_ =	sdelay $0x4  }
0x1e6: {  	[tilespmem:s24+$0xFFFFFFE0] =	vst v0  }
0x1e7: {  	v0 =	vld [tilespmem:s25+$0xFFFFFFF0];
	_ =	sdelay $0x4  }
0x1e8: {  	[tilespmem:s24+$0xFFFFFFF0] =	vst v0  }
0x1e9: {  	v0 =	vld [tilespmem:s29+$0x0];
	_ =	sdelay $0x4  }
0x1ea: {  	[tilespmem:s24+$0x0] =	vst v0  }
0x1eb: {  	v0 =	vld [tilespmem:s25+$0x0];
	_ =	sdelay $0x4  }
0x1ec: {  	[tilespmem:s24+$0x10] =	vst v0  }
0x1ed: {  	v0 =	vld [tilespmem:s29+$0x10];
	_ =	sdelay $0x4  }
0x1ee: {  	[tilespmem:s24+$0x20] =	vst v0  }
0x1ef: {  	v0 =	vld [tilespmem:s25+$0x10];
	_ =	sdelay $0x4  }
0x1f0: {  	[tilespmem:s24+$0x30] =	vst v0  }
0x1f1: {  	v0 =	vld [tilespmem:s29+$0x20];
	_ =	sdelay $0x4  }
0x1f2: {  	[tilespmem:s24+$0x40] =	vst v0  }
0x1f3: {  	v0 =	vld [tilespmem:s25+$0x20];
	_ =	sdelay $0x4  }
0x1f4: {  	[tilespmem:s24+$0x50] =	vst v0  }
0x1f5: {  	v0 =	vld [tilespmem:s29+$0x30];
	_ =	sdelay $0x4  }
0x1f6: {  	[tilespmem:s24+$0x60] =	vst v0  }
0x1f7: {  	v0 =	vld [tilespmem:s25+$0x30];
	_ =	sdelay $0x4  }
0x1f8: {  	[tilespmem:s24+$0x70] =	vst v0  }
0x1f9: {  	v0 =	vld [tilespmem:s29+$0x40];
	_ =	sdelay $0x4  }
0x1fa: {  	[tilespmem:s24+$0x80] =	vst v0  }
0x1fb: {  	v0 =	vld [tilespmem:s25+$0x40]  }
.Ltmp0:
0x1fc: {  	(pc) =	sbr.rel @p0 .LBB2_4-.Ltmp0, $2  }
0x1fd: {  	_ =	sdelay $0x2  }
0x1fe: {  	s29 =	sadd.s32 $0xA0, s29;
	[tilespmem:s24+$0x90] =	vst v0  }
0x1ff: {  	s23 =	sadd.s32 $0x1, s23  }
0x200: {  	p0 =	sne.s32 s23, $0x10  }
.Ltmp1:
0x201: {  	_ = 	snop;
	(pc) =	sbr.rel @p0 .LBB2_3-.Ltmp1, $2  }
0x202: {  	_ =	sdelay $0x2  }
0x203: {  	s30 =	sadd.s32 $0x640, s30;
	s31 =	sadd.s32 $0x320, s31;
	s26 =	sadd.s32 $0x320, s26  }
0x204: {  	s23 =	sshll.u32 s21, $0x5  }
0x205: {  	s23 =	sadd.s32 s6, s23  }
0x206: {  	s23 =	smul.u32 $0xC8, s23;
	_ =	sdelay $0x1  }
0x207: {  	s23 =	sadd.s32 s2, s23  }
0x208: {  	[hbm4b:s23+s3] =	stream.linear.scatter [tilespmem:s18], [sflag:$0x3], $0x6400, $0x38;
	[tilespmem:$0x19C80] =	vst v63  }
0x209: {  	_ =	swait.ge [sflag:s19], $0x800  }
0x20a: {  	[sflag:s19] =	ssyncset.done $0x0  }
0x20b: {  	[sflag:s19] =	ssyncadd.s32 $0xFFFFF800  }
0x20c: {  	_ =	swait.ge [sflag:s19], $0x800  }
0x20d: {  	[sflag:s19] =	ssyncset.done $0x0  }
0x20e: {  	[sflag:s19] =	ssyncadd.s32 $0xFFFFF800  }
0x20f: {  	_ =	swait.ge [sflag:s19], $0x800  }
0x210: {  	[sflag:s19] =	ssyncset.done $0x0  }
0x211: {  	[sflag:s19] =	ssyncadd.s32 $0xFFFFF800  }
0x212: {  	_ =	swait.ge [sflag:s19], $0x800  }
0x213: {  	[sflag:s19] =	ssyncset.done $0x0  }
0x214: {  	[sflag:s19] =	ssyncadd.s32 $0xFFFFF800  }
0x215: {  	_ =	swait.ge [sflag:s19], $0x800  }
0x216: {  	[sflag:s19] =	ssyncset.done $0x0  }
0x217: {  	[sflag:s19] =	ssyncadd.s32 $0xFFFFF800  }
0x218: {  	_ =	swait.ge [sflag:s19], $0x800  }
0x219: {  	[sflag:s19] =	ssyncset.done $0x0  }
0x21a: {  	[sflag:s19] =	ssyncadd.s32 $0xFFFFF800  }
0x21b: {  	_ =	swait.ge [sflag:s19], $0x800  }
0x21c: {  	[sflag:s19] =	ssyncset.done $0x0  }
0x21d: {  	[sflag:s19] =	ssyncadd.s32 $0xFFFFF800  }
0x21e: {  	_ =	swait.ge [sflag:s19], $0x800  }
0x21f: {  	[sflag:s19] =	ssyncset.done $0x0  }
0x220: {  	[sflag:s19] =	ssyncadd.s32 $0xFFFFF800  }
0x221: {  	_ =	swait.ge [sflag:s19], $0x800  }
0x222: {  	[sflag:s19] =	ssyncset.done $0x0  }
0x223: {  	[sflag:s19] =	ssyncadd.s32 $0xFFFFF800  }
0x224: {  	_ =	swait.ge [sflag:s19], $0x800  }
0x225: {  	[sflag:s19] =	ssyncset.done $0x0  }
0x226: {  	[sflag:s19] =	ssyncadd.s32 $0xFFFFF800  }
0x227: {  	_ =	swait.ge [sflag:s19], $0x800  }
0x228: {  	[sflag:s19] =	ssyncset.done $0x0  }
0x229: {  	[sflag:s19] =	ssyncadd.s32 $0xFFFFF800  }
0x22a: {  	_ =	swait.ge [sflag:s19], $0x800  }
0x22b: {  	[sflag:s19] =	ssyncset.done $0x0  }
0x22c: {  	[sflag:s19] =	ssyncadd.s32 $0xFFFFF800  }
0x22d: {  	p0 =	seq.s32 s21, $0xF;
	_ =	swait.ge [sflag:s19], $0x200  }
.Ltmp2:
0x22e: {  	[sflag:s19] =	ssyncset.done $0x0;
	(pc) =	sbr.rel @p0 .LBB2_8-.Ltmp2, $4  }
0x22f: {  	[sflag:s19] =	ssyncadd.s32 $0xFFFFFE00  }
0x230: {  	_ =	swait.ge [sflag:s19], $0x200  }
0x231: {  	[sflag:s19] =	ssyncset.done $0x0  }
0x232: {  	[sflag:s19] =	ssyncadd.s32 $0xFFFFFE00  }
0x233: {  	s23 =	smul.u32 $0x1900, s21;
	_ =	sdelay $0x1  }
0x234: {  	s23 =	sshra.s32 s23, $0x2  }
0x235: {  	v0 =	vld [tilespmem:s23+$0x640];
	_ =	sdelay $0x4  }
0x236: {  	v0 =	vshll.u32 v0, $0x3  }
0x237: {  	[tilespmem:$0x12C00] =	vst v0;
	v0 =	vor.u32 $0x1, v0  }
0x238: {  	[tilespmem:$0x12F20] =	vst v0  }
0x239: {  	v0 =	vld [tilespmem:s23+$0x650];
	_ =	sdelay $0x4  }
0x23a: {  	v0 =	vshll.u32 v0, $0x3  }
0x23b: {  	[tilespmem:$0x12C10] =	vst v0;
	v0 =	vor.u32 $0x1, v0  }
0x23c: {  	[tilespmem:$0x12F30] =	vst v0  }
0x23d: {  	v0 =	vld [tilespmem:s23+$0x660];
	_ =	sdelay $0x4  }
0x23e: {  	v0 =	vshll.u32 v0, $0x3  }
0x23f: {  	[tilespmem:$0x12C20] =	vst v0;
	v0 =	vor.u32 $0x1, v0  }
0x240: {  	[tilespmem:$0x12F40] =	vst v0  }
0x241: {  	v0 =	vld [tilespmem:s23+$0x670];
	_ =	sdelay $0x4  }
0x242: {  	v0 =	vshll.u32 v0, $0x3  }
0x243: {  	[tilespmem:$0x12C30] =	vst v0;
	v0 =	vor.u32 $0x1, v0  }
0x244: {  	[tilespmem:$0x12F50] =	vst v0  }
0x245: {  	v0 =	vld [tilespmem:s23+$0x680];
	_ =	sdelay $0x4  }
0x246: {  	v0 =	vshll.u32 v0, $0x3  }
0x247: {  	[tilespmem:$0x12C40] =	vst v0;
	v0 =	vor.u32 $0x1, v0  }
0x248: {  	[tilespmem:$0x12F60] =	vst v0  }
0x249: {  	v0 =	vld [tilespmem:s23+$0x690];
	_ =	sdelay $0x4  }
0x24a: {  	v0 =	vshll.u32 v0, $0x3  }
0x24b: {  	[tilespmem:$0x12C50] =	vst v0;
	v0 =	vor.u32 $0x1, v0  }
0x24c: {  	[tilespmem:$0x12F70] =	vst v0  }
0x24d: {  	v0 =	vld [tilespmem:s23+$0x6A0];
	_ =	sdelay $0x4  }
0x24e: {  	v0 =	vshll.u32 v0, $0x3  }
0x24f: {  	[tilespmem:$0x12C60] =	vst v0;
	v0 =	vor.u32 $0x1, v0  }
0x250: {  	[tilespmem:$0x12F80] =	vst v0  }
0x251: {  	v0 =	vld [tilespmem:s23+$0x6B0];
	_ =	sdelay $0x4  }
0x252: {  	v0 =	vshll.u32 v0, $0x3  }
0x253: {  	[tilespmem:$0x12C70] =	vst v0;
	v0 =	vor.u32 $0x1, v0  }
0x254: {  	[tilespmem:$0x12F90] =	vst v0  }
0x255: {  	v0 =	vld [tilespmem:s23+$0x6C0];
	_ =	sdelay $0x4  }
0x256: {  	v0 =	vshll.u32 v0, $0x3  }
0x257: {  	[tilespmem:$0x12C80] =	vst v0;
	v0 =	vor.u32 $0x1, v0  }
0x258: {  	[tilespmem:$0x12FA0] =	vst v0  }
0x259: {  	v0 =	vld [tilespmem:s23+$0x6D0];
	_ =	sdelay $0x4  }
0x25a: {  	v0 =	vshll.u32 v0, $0x3  }
0x25b: {  	[tilespmem:$0x12C90] =	vst v0;
	v0 =	vor.u32 $0x1, v0  }
0x25c: {  	[tilespmem:$0x12FB0] =	vst v0  }
0x25d: {  	v0 =	vld [tilespmem:s23+$0x6E0];
	_ =	sdelay $0x4  }
0x25e: {  	v0 =	vshll.u32 v0, $0x3  }
0x25f: {  	[tilespmem:$0x12CA0] =	vst v0;
	v0 =	vor.u32 $0x1, v0  }
0x260: {  	[tilespmem:$0x12FC0] =	vst v0  }
0x261: {  	v0 =	vld [tilespmem:s23+$0x6F0];
	_ =	sdelay $0x4  }
0x262: {  	v0 =	vshll.u32 v0, $0x3  }
0x263: {  	[tilespmem:$0x12CB0] =	vst v0;
	v0 =	vor.u32 $0x1, v0  }
0x264: {  	[tilespmem:$0x12FD0] =	vst v0  }
0x265: {  	v0 =	vld [tilespmem:s23+$0x700];
	_ =	sdelay $0x4  }
0x266: {  	v0 =	vshll.u32 v0, $0x3  }
0x267: {  	[tilespmem:$0x12CC0] =	vst v0;
	v0 =	vor.u32 $0x1, v0  }
0x268: {  	[tilespmem:$0x12FE0] =	vst v0  }
0x269: {  	v0 =	vld [tilespmem:s23+$0x710];
	_ =	sdelay $0x4  }
0x26a: {  	v0 =	vshll.u32 v0, $0x3  }
0x26b: {  	[tilespmem:$0x12CD0] =	vst v0;
	v0 =	vor.u32 $0x1, v0  }
0x26c: {  	[tilespmem:$0x12FF0] =	vst v0  }
0x26d: {  	v0 =	vld [tilespmem:s23+$0x720];
	_ =	sdelay $0x4  }
0x26e: {  	v0 =	vshll.u32 v0, $0x3  }
0x26f: {  	[tilespmem:$0x12CE0] =	vst v0;
	v0 =	vor.u32 $0x1, v0  }
0x270: {  	[tilespmem:$0x13000] =	vst v0  }
0x271: {  	v0 =	vld [tilespmem:s23+$0x730];
	_ =	sdelay $0x4  }
0x272: {  	v0 =	vshll.u32 v0, $0x3  }
0x273: {  	[tilespmem:$0x12CF0] =	vst v0;
	v0 =	vor.u32 $0x1, v0  }
0x274: {  	[tilespmem:$0x13010] =	vst v0  }
0x275: {  	v0 =	vld [tilespmem:s23+$0x740];
	_ =	sdelay $0x4  }
0x276: {  	v0 =	vshll.u32 v0, $0x3  }
0x277: {  	[tilespmem:$0x12D00] =	vst v0;
	v0 =	vor.u32 $0x1, v0  }
0x278: {  	[tilespmem:$0x13020] =	vst v0  }
0x279: {  	v0 =	vld [tilespmem:s23+$0x750];
	_ =	sdelay $0x4  }
0x27a: {  	v0 =	vshll.u32 v0, $0x3  }
0x27b: {  	[tilespmem:$0x12D10] =	vst v0;
	v0 =	vor.u32 $0x1, v0  }
0x27c: {  	[tilespmem:$0x13030] =	vst v0  }
0x27d: {  	v0 =	vld [tilespmem:s23+$0x760];
	_ =	sdelay $0x4  }
0x27e: {  	v0 =	vshll.u32 v0, $0x3  }
0x27f: {  	[tilespmem:$0x12D20] =	vst v0;
	v0 =	vor.u32 $0x1, v0  }
0x280: {  	[tilespmem:$0x13040] =	vst v0  }
0x281: {  	v0 =	vld [tilespmem:s23+$0x770];
	_ =	sdelay $0x4  }
0x282: {  	v0 =	vshll.u32 v0, $0x3  }
0x283: {  	[tilespmem:$0x12D30] =	vst v0;
	v0 =	vor.u32 $0x1, v0  }
0x284: {  	[tilespmem:$0x13050] =	vst v0  }
0x285: {  	v0 =	vld [tilespmem:s23+$0x780];
	_ =	sdelay $0x4  }
0x286: {  	v0 =	vshll.u32 v0, $0x3  }
0x287: {  	[tilespmem:$0x12D40] =	vst v0;
	v0 =	vor.u32 $0x1, v0  }
0x288: {  	[tilespmem:$0x13060] =	vst v0  }
0x289: {  	v0 =	vld [tilespmem:s23+$0x790];
	_ =	sdelay $0x4  }
0x28a: {  	v0 =	vshll.u32 v0, $0x3  }
0x28b: {  	[tilespmem:$0x12D50] =	vst v0;
	v0 =	vor.u32 $0x1, v0  }
0x28c: {  	[tilespmem:$0x13070] =	vst v0  }
0x28d: {  	v0 =	vld [tilespmem:s23+$0x7A0];
	_ =	sdelay $0x4  }
0x28e: {  	v0 =	vshll.u32 v0, $0x3  }
0x28f: {  	[tilespmem:$0x12D60] =	vst v0;
	v0 =	vor.u32 $0x1, v0  }
0x290: {  	[tilespmem:$0x13080] =	vst v0  }
0x291: {  	v0 =	vld [tilespmem:s23+$0x7B0];
	_ =	sdelay $0x4  }
0x292: {  	v0 =	vshll.u32 v0, $0x3  }
0x293: {  	[tilespmem:$0x12D70] =	vst v0;
	v0 =	vor.u32 $0x1, v0  }
0x294: {  	[tilespmem:$0x13090] =	vst v0  }
0x295: {  	v0 =	vld [tilespmem:s23+$0x7C0];
	_ =	sdelay $0x4  }
0x296: {  	v0 =	vshll.u32 v0, $0x3  }
0x297: {  	[tilespmem:$0x12D80] =	vst v0;
	v0 =	vor.u32 $0x1, v0  }
0x298: {  	[tilespmem:$0x130A0] =	vst v0  }
0x299: {  	v0 =	vld [tilespmem:s23+$0x7D0];
	_ =	sdelay $0x4  }
0x29a: {  	v0 =	vshll.u32 v0, $0x3  }
0x29b: {  	[tilespmem:$0x12D90] =	vst v0;
	v0 =	vor.u32 $0x1, v0  }
0x29c: {  	[tilespmem:$0x130B0] =	vst v0  }
0x29d: {  	v0 =	vld [tilespmem:s23+$0x7E0];
	_ =	sdelay $0x4  }
0x29e: {  	v0 =	vshll.u32 v0, $0x3  }
0x29f: {  	[tilespmem:$0x12DA0] =	vst v0;
	v0 =	vor.u32 $0x1, v0  }
0x2a0: {  	[tilespmem:$0x130C0] =	vst v0  }
0x2a1: {  	v0 =	vld [tilespmem:s23+$0x7F0];
	_ =	sdelay $0x4  }
0x2a2: {  	v0 =	vshll.u32 v0, $0x3  }
0x2a3: {  	[tilespmem:$0x12DB0] =	vst v0;
	v0 =	vor.u32 $0x1, v0  }
0x2a4: {  	[tilespmem:$0x130D0] =	vst v0  }
0x2a5: {  	v0 =	vld [tilespmem:s23+$0x800];
	_ =	sdelay $0x4  }
0x2a6: {  	v0 =	vshll.u32 v0, $0x3  }
0x2a7: {  	[tilespmem:$0x12DC0] =	vst v0;
	v0 =	vor.u32 $0x1, v0  }
0x2a8: {  	[tilespmem:$0x130E0] =	vst v0  }
0x2a9: {  	v0 =	vld [tilespmem:s23+$0x810];
	_ =	sdelay $0x4  }
0x2aa: {  	v0 =	vshll.u32 v0, $0x3  }
0x2ab: {  	[tilespmem:$0x12DD0] =	vst v0;
	v0 =	vor.u32 $0x1, v0  }
0x2ac: {  	[tilespmem:$0x130F0] =	vst v0  }
0x2ad: {  	v0 =	vld [tilespmem:s23+$0x820];
	_ =	sdelay $0x4  }
0x2ae: {  	v0 =	vshll.u32 v0, $0x3  }
0x2af: {  	[tilespmem:$0x12DE0] =	vst v0;
	v0 =	vor.u32 $0x1, v0  }
0x2b0: {  	[tilespmem:$0x13100] =	vst v0  }
0x2b1: {  	v0 =	vld [tilespmem:s23+$0x830];
	_ =	sdelay $0x4  }
0x2b2: {  	v0 =	vshll.u32 v0, $0x3  }
0x2b3: {  	[tilespmem:$0x12DF0] =	vst v0;
	v0 =	vor.u32 $0x1, v0  }
0x2b4: {  	[tilespmem:$0x13110] =	vst v0  }
0x2b5: {  	v0 =	vld [tilespmem:s23+$0x840];
	_ =	sdelay $0x4  }
0x2b6: {  	v0 =	vshll.u32 v0, $0x3  }
0x2b7: {  	[tilespmem:$0x12E00] =	vst v0;
	v0 =	vor.u32 $0x1, v0  }
0x2b8: {  	[tilespmem:$0x13120] =	vst v0  }
0x2b9: {  	v0 =	vld [tilespmem:s23+$0x850];
	_ =	sdelay $0x4  }
0x2ba: {  	v0 =	vshll.u32 v0, $0x3  }
0x2bb: {  	[tilespmem:$0x12E10] =	vst v0;
	v0 =	vor.u32 $0x1, v0  }
0x2bc: {  	[tilespmem:$0x13130] =	vst v0  }
0x2bd: {  	v0 =	vld [tilespmem:s23+$0x860];
	_ =	sdelay $0x4  }
0x2be: {  	v0 =	vshll.u32 v0, $0x3  }
0x2bf: {  	[tilespmem:$0x12E20] =	vst v0;
	v0 =	vor.u32 $0x1, v0  }
0x2c0: {  	[tilespmem:$0x13140] =	vst v0  }
0x2c1: {  	v0 =	vld [tilespmem:s23+$0x870];
	_ =	sdelay $0x4  }
0x2c2: {  	v0 =	vshll.u32 v0, $0x3  }
0x2c3: {  	[tilespmem:$0x12E30] =	vst v0;
	v0 =	vor.u32 $0x1, v0  }
0x2c4: {  	[tilespmem:$0x13150] =	vst v0  }
0x2c5: {  	v0 =	vld [tilespmem:s23+$0x880];
	_ =	sdelay $0x4  }
0x2c6: {  	v0 =	vshll.u32 v0, $0x3  }
0x2c7: {  	[tilespmem:$0x12E40] =	vst v0;
	v0 =	vor.u32 $0x1, v0  }
0x2c8: {  	[tilespmem:$0x13160] =	vst v0  }
0x2c9: {  	v0 =	vld [tilespmem:s23+$0x890];
	_ =	sdelay $0x4  }
0x2ca: {  	v0 =	vshll.u32 v0, $0x3  }
0x2cb: {  	[tilespmem:$0x12E50] =	vst v0;
	v0 =	vor.u32 $0x1, v0  }
0x2cc: {  	[tilespmem:$0x13170] =	vst v0  }
0x2cd: {  	v0 =	vld [tilespmem:s23+$0x8A0];
	_ =	sdelay $0x4  }
0x2ce: {  	v0 =	vshll.u32 v0, $0x3  }
0x2cf: {  	[tilespmem:$0x12E60] =	vst v0;
	v0 =	vor.u32 $0x1, v0  }
0x2d0: {  	[tilespmem:$0x13180] =	vst v0  }
0x2d1: {  	v0 =	vld [tilespmem:s23+$0x8B0];
	_ =	sdelay $0x4  }
0x2d2: {  	v0 =	vshll.u32 v0, $0x3  }
0x2d3: {  	[tilespmem:$0x12E70] =	vst v0;
	v0 =	vor.u32 $0x1, v0  }
0x2d4: {  	[tilespmem:$0x13190] =	vst v0  }
0x2d5: {  	v0 =	vld [tilespmem:s23+$0x8C0];
	_ =	sdelay $0x4  }
0x2d6: {  	v0 =	vshll.u32 v0, $0x3  }
0x2d7: {  	[tilespmem:$0x12E80] =	vst v0;
	v0 =	vor.u32 $0x1, v0  }
0x2d8: {  	[tilespmem:$0x131A0] =	vst v0  }
0x2d9: {  	v0 =	vld [tilespmem:s23+$0x8D0];
	_ =	sdelay $0x4  }
0x2da: {  	v0 =	vshll.u32 v0, $0x3  }
0x2db: {  	[tilespmem:$0x12E90] =	vst v0;
	v0 =	vor.u32 $0x1, v0  }
0x2dc: {  	[tilespmem:$0x131B0] =	vst v0  }
0x2dd: {  	v0 =	vld [tilespmem:s23+$0x8E0];
	_ =	sdelay $0x4  }
0x2de: {  	v0 =	vshll.u32 v0, $0x3  }
0x2df: {  	[tilespmem:$0x12EA0] =	vst v0;
	v0 =	vor.u32 $0x1, v0  }
0x2e0: {  	[tilespmem:$0x131C0] =	vst v0  }
0x2e1: {  	v0 =	vld [tilespmem:s23+$0x8F0];
	_ =	sdelay $0x4  }
0x2e2: {  	v0 =	vshll.u32 v0, $0x3  }
0x2e3: {  	[tilespmem:$0x12EB0] =	vst v0;
	v0 =	vor.u32 $0x1, v0  }
0x2e4: {  	[tilespmem:$0x131D0] =	vst v0  }
0x2e5: {  	v0 =	vld [tilespmem:s23+$0x900];
	_ =	sdelay $0x4  }
0x2e6: {  	v0 =	vshll.u32 v0, $0x3  }
0x2e7: {  	[tilespmem:$0x12EC0] =	vst v0;
	v0 =	vor.u32 $0x1, v0  }
0x2e8: {  	[tilespmem:$0x131E0] =	vst v0  }
0x2e9: {  	v0 =	vld [tilespmem:s23+$0x910];
	_ =	sdelay $0x4  }
0x2ea: {  	v0 =	vshll.u32 v0, $0x3  }
0x2eb: {  	[tilespmem:$0x12ED0] =	vst v0;
	v0 =	vor.u32 $0x1, v0  }
0x2ec: {  	[tilespmem:$0x131F0] =	vst v0  }
0x2ed: {  	v0 =	vld [tilespmem:s23+$0x920];
	_ =	sdelay $0x4  }
0x2ee: {  	v0 =	vshll.u32 v0, $0x3  }
0x2ef: {  	[tilespmem:$0x12EE0] =	vst v0;
	v0 =	vor.u32 $0x1, v0  }
0x2f0: {  	[tilespmem:$0x13200] =	vst v0  }
0x2f1: {  	v0 =	vld [tilespmem:s23+$0x930];
	_ =	sdelay $0x4  }
0x2f2: {  	v0 =	vshll.u32 v0, $0x3  }
0x2f3: {  	[tilespmem:$0x12EF0] =	vst v0;
	v0 =	vor.u32 $0x1, v0  }
0x2f4: {  	[tilespmem:$0x13210] =	vst v0  }
0x2f5: {  	v0 =	vld [tilespmem:s23+$0x940];
	_ =	sdelay $0x4  }
0x2f6: {  	v0 =	vshll.u32 v0, $0x3  }
0x2f7: {  	[tilespmem:$0x12F00] =	vst v0;
	v0 =	vor.u32 $0x1, v0  }
0x2f8: {  	[tilespmem:$0x13220] =	vst v0  }
0x2f9: {  	v0 =	vld [tilespmem:s23+$0x950];
	_ =	sdelay $0x4  }
0x2fa: {  	v0 =	vshll.u32 v0, $0x3  }
0x2fb: {  	[tilespmem:$0x12F10] =	vst v0;
	v0 =	vor.u32 $0x1, v0  }
0x2fc: {  	s29 =	simm.s32 $0x12C00;
	s24 =	simm.s32 $0x6400;
	[tilespmem:$0x13230] =	vst v0  }
0x2fd: {  	[tilespmem:s24], [sflag:$0x1] =	stream.indirect.gather [hbm4b:s4+s9], $0x10, s29, s9, $0xb8;
	[tilespmem:$0x19C80] =	vst v63  }
0x2fe: {  	s30 =	simm.s32 $0x12F20;
	s31 =	simm.s32 $0x9600  }
0x2ff: {  	[tilespmem:s31], [sflag:$0x1] =	stream.indirect.gather [hbm4b:s4+s9], $0x10, s30, s9, $0xb8;
	[tilespmem:$0x19C80] =	vst v63  }
0x300: {  	s25 =	simm.s32 $0x12C80;
	s26 =	simm.s32 $0x6C00  }
0x301: {  	[tilespmem:s26], [sflag:$0x1] =	stream.indirect.gather [hbm4b:s4+s9], $0x10, s25, s9, $0xb8;
	[tilespmem:$0x19C80] =	vst v63  }
0x302: {  	s28 =	simm.s32 $0x12FA0;
	s29 =	simm.s32 $0x9E00  }
0x303: {  	[tilespmem:s29], [sflag:$0x1] =	stream.indirect.gather [hbm4b:s4+s9], $0x10, s28, s9, $0xb8;
	[tilespmem:$0x19C80] =	vst v63  }
0x304: {  	s30 =	simm.s32 $0x12D00;
	s31 =	simm.s32 $0x7400  }
0x305: {  	[tilespmem:s31], [sflag:$0x1] =	stream.indirect.gather [hbm4b:s4+s9], $0x10, s30, s9, $0xb8;
	[tilespmem:$0x19C80] =	vst v63  }
0x306: {  	s25 =	simm.s32 $0x13020;
	s26 =	simm.s32 $0xA600  }
0x307: {  	[tilespmem:s26], [sflag:$0x1] =	stream.indirect.gather [hbm4b:s4+s9], $0x10, s25, s9, $0xb8;
	[tilespmem:$0x19C80] =	vst v63  }
0x308: {  	s28 =	simm.s32 $0x12D80;
	s29 =	simm.s32 $0x7C00  }
0x309: {  	[tilespmem:s29], [sflag:$0x1] =	stream.indirect.gather [hbm4b:s4+s9], $0x10, s28, s9, $0xb8;
	[tilespmem:$0x19C80] =	vst v63  }
0x30a: {  	s30 =	simm.s32 $0x130A0;
	s31 =	simm.s32 $0xAE00  }
0x30b: {  	[tilespmem:s31], [sflag:$0x1] =	stream.indirect.gather [hbm4b:s4+s9], $0x10, s30, s9, $0xb8;
	[tilespmem:$0x19C80] =	vst v63  }
0x30c: {  	s25 =	simm.s32 $0x12E00;
	s26 =	simm.s32 $0x8400  }
0x30d: {  	[tilespmem:s26], [sflag:$0x1] =	stream.indirect.gather [hbm4b:s4+s9], $0x10, s25, s9, $0xb8;
	[tilespmem:$0x19C80] =	vst v63  }
0x30e: {  	s28 =	simm.s32 $0x13120;
	s29 =	simm.s32 $0xB600  }
0x30f: {  	[tilespmem:s29], [sflag:$0x1] =	stream.indirect.gather [hbm4b:s4+s9], $0x10, s28, s9, $0xb8;
	[tilespmem:$0x19C80] =	vst v63  }
0x310: {  	s30 =	simm.s32 $0x12E80;
	s31 =	simm.s32 $0x8C00  }
0x311: {  	[tilespmem:s31], [sflag:$0x1] =	stream.indirect.gather [hbm4b:s4+s9], $0x10, s30, s9, $0xb8;
	[tilespmem:$0x19C80] =	vst v63  }
0x312: {  	s25 =	simm.s32 $0x131A0;
	s26 =	simm.s32 $0xBE00  }
0x313: {  	[tilespmem:s26], [sflag:$0x1] =	stream.indirect.gather [hbm4b:s4+s9], $0x10, s25, s9, $0xb8;
	[tilespmem:$0x19C80] =	vst v63  }
0x314: {  	s28 =	simm.s32 $0x12F00;
	s29 =	simm.s32 $0x9400  }
0x315: {  	[tilespmem:s29], [sflag:$0x1] =	stream.indirect.gather [hbm4b:s4+s7], $0x10, s28, s7, $0xb8;
	[tilespmem:$0x19C80] =	vst v63  }
0x316: {  	s30 =	simm.s32 $0x13220;
	s31 =	simm.s32 $0xC600  }
0x317: {  	[tilespmem:s31], [sflag:$0x1] =	stream.indirect.gather [hbm4b:s4+s7], $0x10, s30, s7, $0xb8;
	[tilespmem:$0x19C80] =	vst v63  }
.LBB2_8:
0x318: {  	_ =	swait.ge [sflag:s20], $0x6400  }
0x319: {  	s23 =	simm.s32 $0x0;
	s24 =	simm.s32 $0x13920;
	[sflag:s20] =	ssyncset.done $0x0  }
0x31a: {  	s25 =	simm.s32 $0xFA50;
	s26 =	simm.s32 $0xC850;
	[sflag:s20] =	ssyncadd.s32 $0xFFFF9C00  }
.LBB2_9:
0x31b: {  	v0 =	vld [tilespmem:s26+$0xFFFFFFB0];
	_ =	sdelay $0x4  }
0x31c: {  	[tilespmem:s24+$0xFFFFFF60] =	vst v0  }
0x31d: {  	v0 =	vld [tilespmem:s25+$0xFFFFFFB0];
	_ =	sdelay $0x4  }
0x31e: {  	[tilespmem:s24+$0xFFFFFF70] =	vst v0  }
0x31f: {  	v0 =	vld [tilespmem:s26+$0xFFFFFFC0];
	_ =	sdelay $0x4  }
0x320: {  	[tilespmem:s24+$0xFFFFFF80] =	vst v0  }
0x321: {  	v0 =	vld [tilespmem:s25+$0xFFFFFFC0];
	_ =	sdelay $0x4  }
0x322: {  	[tilespmem:s24+$0xFFFFFF90] =	vst v0  }
0x323: {  	v0 =	vld [tilespmem:s26+$0xFFFFFFD0];
	_ =	sdelay $0x4  }
0x324: {  	[tilespmem:s24+$0xFFFFFFA0] =	vst v0  }
0x325: {  	v0 =	vld [tilespmem:s25+$0xFFFFFFD0];
	_ =	sdelay $0x4  }
0x326: {  	[tilespmem:s24+$0xFFFFFFB0] =	vst v0  }
0x327: {  	v0 =	vld [tilespmem:s26+$0xFFFFFFE0];
	_ =	sdelay $0x4  }
0x328: {  	[tilespmem:s24+$0xFFFFFFC0] =	vst v0  }
0x329: {  	v0 =	vld [tilespmem:s25+$0xFFFFFFE0];
	_ =	sdelay $0x4  }
0x32a: {  	[tilespmem:s24+$0xFFFFFFD0] =	vst v0  }
0x32b: {  	v0 =	vld [tilespmem:s26+$0xFFFFFFF0];
	_ =	sdelay $0x4  }
0x32c: {  	[tilespmem:s24+$0xFFFFFFE0] =	vst v0  }
0x32d: {  	v0 =	vld [tilespmem:s25+$0xFFFFFFF0];
	_ =	sdelay $0x4  }
0x32e: {  	[tilespmem:s24+$0xFFFFFFF0] =	vst v0  }
0x32f: {  	v0 =	vld [tilespmem:s26+$0x0];
	_ =	sdelay $0x4  }
0x330: {  	[tilespmem:s24+$0x0] =	vst v0  }
0x331: {  	v0 =	vld [tilespmem:s25+$0x0];
	_ =	sdelay $0x4  }
0x332: {  	[tilespmem:s24+$0x10] =	vst v0  }
0x333: {  	v0 =	vld [tilespmem:s26+$0x10];
	_ =	sdelay $0x4  }
0x334: {  	[tilespmem:s24+$0x20] =	vst v0  }
0x335: {  	v0 =	vld [tilespmem:s25+$0x10];
	_ =	sdelay $0x4  }
0x336: {  	[tilespmem:s24+$0x30] =	vst v0  }
0x337: {  	v0 =	vld [tilespmem:s26+$0x20];
	_ =	sdelay $0x4  }
0x338: {  	[tilespmem:s24+$0x40] =	vst v0  }
0x339: {  	v0 =	vld [tilespmem:s25+$0x20];
	_ =	sdelay $0x4  }
0x33a: {  	[tilespmem:s24+$0x50] =	vst v0  }
0x33b: {  	v0 =	vld [tilespmem:s26+$0x30];
	_ =	sdelay $0x4  }
0x33c: {  	[tilespmem:s24+$0x60] =	vst v0  }
0x33d: {  	v0 =	vld [tilespmem:s25+$0x30];
	_ =	sdelay $0x4  }
0x33e: {  	[tilespmem:s24+$0x70] =	vst v0  }
0x33f: {  	v0 =	vld [tilespmem:s26+$0x40];
	_ =	sdelay $0x4  }
0x340: {  	[tilespmem:s24+$0x80] =	vst v0  }
0x341: {  	v0 =	vld [tilespmem:s25+$0x40];
	_ =	sdelay $0x3  }
0x342: {  	s28 =	simm.s32 $0x0  }
0x343: {  	s29 =	sadd.s32 $0xA0, s26;
	s30 =	smov.u32 s24;
	s31 =	smov.u32 s25;
	[tilespmem:s24+$0x90] =	vst v0  }
.LBB2_10:
0x344: {  	v0 =	vld [tilespmem:s29+$0xFFFFFFB0];
	s28 =	sadd.s32 $0xA, s28  }
0x345: {  	p0 =	slt.u32 s28, $0x28;
	_ =	sdelay $0x2  }
0x346: {  	s30 =	sadd.s32 $0x140, s30  }
0x347: {  	s31 =	sadd.s32 $0xA0, s31;
	[tilespmem:s30+$0xFFFFFF60] =	vst v0  }
0x348: {  	v0 =	vld [tilespmem:s31+$0xFFFFFFB0];
	_ =	sdelay $0x4  }
0x349: {  	[tilespmem:s30+$0xFFFFFF70] =	vst v0  }
0x34a: {  	v0 =	vld [tilespmem:s29+$0xFFFFFFC0];
	_ =	sdelay $0x4  }
0x34b: {  	[tilespmem:s30+$0xFFFFFF80] =	vst v0  }
0x34c: {  	v0 =	vld [tilespmem:s31+$0xFFFFFFC0];
	_ =	sdelay $0x4  }
0x34d: {  	[tilespmem:s30+$0xFFFFFF90] =	vst v0  }
0x34e: {  	v0 =	vld [tilespmem:s29+$0xFFFFFFD0];
	_ =	sdelay $0x4  }
0x34f: {  	[tilespmem:s30+$0xFFFFFFA0] =	vst v0  }
0x350: {  	v0 =	vld [tilespmem:s31+$0xFFFFFFD0];
	_ =	sdelay $0x4  }
0x351: {  	[tilespmem:s30+$0xFFFFFFB0] =	vst v0  }
0x352: {  	v0 =	vld [tilespmem:s29+$0xFFFFFFE0];
	_ =	sdelay $0x4  }
0x353: {  	[tilespmem:s30+$0xFFFFFFC0] =	vst v0  }
0x354: {  	v0 =	vld [tilespmem:s31+$0xFFFFFFE0];
	_ =	sdelay $0x4  }
0x355: {  	[tilespmem:s30+$0xFFFFFFD0] =	vst v0  }
0x356: {  	v0 =	vld [tilespmem:s29+$0xFFFFFFF0];
	_ =	sdelay $0x4  }
0x357: {  	[tilespmem:s30+$0xFFFFFFE0] =	vst v0  }
0x358: {  	v0 =	vld [tilespmem:s31+$0xFFFFFFF0];
	_ =	sdelay $0x4  }
0x359: {  	[tilespmem:s30+$0xFFFFFFF0] =	vst v0  }
0x35a: {  	v0 =	vld [tilespmem:s29+$0x0];
	_ =	sdelay $0x4  }
0x35b: {  	[tilespmem:s30+$0x0] =	vst v0  }
0x35c: {  	v0 =	vld [tilespmem:s31+$0x0];
	_ =	sdelay $0x4  }
0x35d: {  	[tilespmem:s30+$0x10] =	vst v0  }
0x35e: {  	v0 =	vld [tilespmem:s29+$0x10];
	_ =	sdelay $0x4  }
0x35f: {  	[tilespmem:s30+$0x20] =	vst v0  }
0x360: {  	v0 =	vld [tilespmem:s31+$0x10];
	_ =	sdelay $0x4  }
0x361: {  	[tilespmem:s30+$0x30] =	vst v0  }
0x362: {  	v0 =	vld [tilespmem:s29+$0x20];
	_ =	sdelay $0x4  }
0x363: {  	[tilespmem:s30+$0x40] =	vst v0  }
0x364: {  	v0 =	vld [tilespmem:s31+$0x20];
	_ =	sdelay $0x4  }
0x365: {  	[tilespmem:s30+$0x50] =	vst v0  }
0x366: {  	v0 =	vld [tilespmem:s29+$0x30];
	_ =	sdelay $0x4  }
0x367: {  	[tilespmem:s30+$0x60] =	vst v0  }
0x368: {  	v0 =	vld [tilespmem:s31+$0x30];
	_ =	sdelay $0x4  }
0x369: {  	[tilespmem:s30+$0x70] =	vst v0  }
0x36a: {  	v0 =	vld [tilespmem:s29+$0x40];
	_ =	sdelay $0x4  }
0x36b: {  	[tilespmem:s30+$0x80] =	vst v0  }
0x36c: {  	v0 =	vld [tilespmem:s31+$0x40]  }
.Ltmp3:
0x36d: {  	(pc) =	sbr.rel @p0 .LBB2_10-.Ltmp3, $2  }
0x36e: {  	_ =	sdelay $0x2  }
0x36f: {  	s29 =	sadd.s32 $0xA0, s29;
	[tilespmem:s30+$0x90] =	vst v0  }
0x370: {  	s23 =	sadd.s32 $0x1, s23  }
0x371: {  	p0 =	sne.s32 s23, $0x10  }
.Ltmp4:
0x372: {  	_ = 	snop;
	(pc) =	sbr.rel @p0 .LBB2_9-.Ltmp4, $2  }
0x373: {  	_ =	sdelay $0x2  }
0x374: {  	s24 =	sadd.s32 $0x640, s24;
	s25 =	sadd.s32 $0x320, s25;
	s26 =	sadd.s32 $0x320, s26  }
0x375: {  	s21 =	sadd.s32 $0x1, s21  }
0x376: {  	s22 =	sshll.u32 s22, $0x4;
	p0 =	sne.s32 s21, $0x10  }
.Ltmp5:
0x377: {  	s22 =	sadd.s32 s6, s22;
	(pc) =	sbr.rel @p0 .LBB2_2-.Ltmp5, $3  }
0x378: {  	s22 =	smul.u32 $0xC8, s22;
	_ =	sdelay $0x1  }
0x379: {  	s22 =	sadd.s32 s2, s22  }
0x37a: {  	[hbm4b:s22+s3] =	stream.linear.scatter [tilespmem:s18], [sflag:$0x3], $0x6400, $0x38;
	[tilespmem:$0x19C80] =	vst v63  }
0x37b: {  	_ =	swait.ge [sflag:s20], $0x6400  }
0x37c: {  	s22 =	rddreg [dreg:$0x5]  }
0x37d: {  	s21 =	rddreg [dreg:$0x4];
	s22 =	sadd.s32 $0x1, s22  }
0x37e: {  	p0 =	sne.s32 s22, s21  }
.Ltmp6:
0x37f: {  	_ = 	snop;
	(pc) =	sbr.rel @p0 .LBB2_1-.Ltmp6, $3  }
0x380: {  	_ =	sdelay $0x1  }
0x381: {  	[sflag:s20] =	ssyncset.done $0x0  }
0x382: {  	[sflag:s20] =	ssyncadd.s32 $0xFFFF9C00  }
0x383: {  	_ =	sfence.sel $0x180000  }
0x384: {  	[bflag:$0x0] =	sbarrier.arrive $0xFFFF  }
0x385: {  	_ =	strace $0x90000047  }
0x386: {  	s0 =	stileid.u32;
	[bflag:$0x2] =	sbarrier.arrive $0xFFFF  }
0x387: {  	p0 =	sne.s32 s0, $0x0;
	s0 =	rddreg [dreg:$0x2]  }
0x388: {  	s0 =	sadd.s32 @!p0 $0x100000, s0  }
0x389: {  	[sflag:s0] =	ssyncadd.tile.s32 @!p0 $0x1;
	_ =	shalt  }
.Lfunc_end2:
_tile_overlayer_lowered:
.L_overlay_start_2:
0x38a: {  	(tag) =	ssettag $0x2  }
0x38b: {  	s0 =	rddreg [dreg:$0x0];
	s2 =	stileid.u32  }
0x38c: {  	s1 =	rddreg [dreg:$0x1];
	p0 =	sne.s32 s2, $0x0  }
0x38d: {  	s3 =	rddreg [dreg:$0x2];
	[bflag:$0x3] =	sbarrier.arrive $0xFFFF;
	s2 =	simm.s32 @!p0 $0x1C04  }
0x38e: {  	[timem:s3], [sflag:s2] =	dma.local @!p0 [hbm:s0], s1  }
0x38f: {  	s0 =	simm.s32 @!p0 $0x4  }
0x390: {  	_ =	swait.ge @!p0 [sflag:s0], s1  }
0x391: {  	s1 =	ssub.s32 @!p0 $0x0, s1;
	[sflag:s0] =	ssyncset.done @!p0 $0x0  }
0x392: {  	[sflag:s0] =	ssyncadd.s32 @!p0 s1  }
0x393: {  	[bflag:$0x3] =	sbarrier.arrive $0xFFFF  }
0x394: {  	_ =	shalt  }

// kernel: sparse-core-data-format-call.cloned.1.call-start
scs
called_computation_lowered:
.L_overlay_start_0:
0x0: {  	s2 =	sld [smem:$0x3FD9]  }
0x1: {  	s3 =	sld [smem:$0x3FFE];
	_ =	sdelay $0x1  }
0x2: {  	s1 =	srdreg.scid  }
0x3: {  	s0 =	sand.u32 $0x1, s1  }
0x4: {  	s15 =	sshll.u32 s0, $0xA;
	s2 =	sadd.s32 s3, s2  }
0x5: {  	s2 =	sadd.s32 s2, s15  }
0x6: {  	[smem:$0x3FC6] =	sst s2  }
0x7: {  	_ = 	snop  }
0x8: {  	s2 =	sld [smem:$0x3FD0];
	_ =	sdelay $0x2  }
0x9: {  	s16 =	simm.s32 $0xA;
	s4 =	simm.s32 $0x10  }
0xa: {  	[smem:s4], [sflag:s16] =	dma.local [hbm:s2], $0x1  }
0xb: {  	_ =	swait.eq [sflag:s16], $0x1  }
0xc: {  	[sflag:s16] =	ssyncset.done $0x0  }
0xd: {  	[sflag:s16] =	ssyncadd.s32 $0xFFFFFFFF  }
0xe: {  	s17 =	sld [smem:$0x10];
	(tm) =	ssettm $0x1  }
0xf: {  	s18 =	sld [smem:$0x3FFB];
	_ =	sdelay $0x3  }
0x10: {  	_ =	strace s18  }
0x11: {  	s3 =	sld [smem:$0x3FFC];
	_ =	sdelay $0x3  }
0x12: {  	_ =	strace s3  }
0x13: {  	s3 =	sld [smem:$0x3FFD];
	_ =	sdelay $0x3  }
0x14: {  	_ =	strace s3  }
0x15: {  	_ =	strace $0x8FFFFFFF  }
0x16: {  	s19 =	sld [smem:$0x3FDB];
	_ =	sdelay $0x1  }
0x17: {  	s20 =	simm.s32 $_scs_section_size  }
0x18: {  	s5 =	simm.s32 $_size__tile_overlayer_lowered;
	s6 =	simm.s32 $_tile_overlayer_lowered  }
0x19: {  	s23 =	simm.s32 $0x1BFF;
	s22 =	sshll.u32 s6, $0x1;
	s3 =	sadd.s32 s20, s19  }
0x1a: {  	s7 =	simm.s32 $0x0;
	s21 =	sshll.u32 s5, $0x1;
	s5 =	sadd.s32 s22, s3  }
0x1b: {  	[timem:s7], [sflag:s23] =	dma.local [hbm:s5], s21  }
0x1c: {  	_ =	swait.ge [sflag:s23], s21  }
0x1d: {  	s4 =	ssub.s32 $0x0, s21;
	[sflag:s23] =	ssyncset.done $0x0  }
0x1e: {  	[sflag:s23] =	ssyncadd.s32 s4;
	_ =	sdelay $0x1  }
0x1f: {  	s24 =	simm.s32 $0x1B8B  }
0x20: {  	_ =	swait.ge [sflag:s24], $0x1  }
0x21: {  	[sflag:s24] =	ssyncset.done $0x0  }
0x22: {  	s26 =	simm.s32 $0x1B8E;
	s25 =	sld [smem:$0x3FFE];
	[sflag:s24] =	ssyncadd.s32 $0xFFFFFFFF  }
0x23: {  	s27 =	simm.s32 $execute0_lowered;
	[smem:$0x3FD2] =	sst s26  }
0x24: {  	s5 =	sshll.u32 s27, $0x1;
	_ =	strace $0x80000049;
	[dreg:$0x1] =	wrdreg $0xFFFFFFFF  }
0x25: {  	s28 =	simm.s32 $_size_execute0_lowered;
	s3 =	sadd.s32 s3, s5;
	[dreg:$0x0] =	wrdreg $0x0  }
0x26: {  	s5 =	sshll.u32 s28, $0x1;
	[dreg:$0x2] =	wrdreg s3  }
0x27: {  	[dreg:$0x3] =	wrdreg s5  }
0x28: {  	[dreg:$0x4] =	wrdreg $0xC0  }
0x29: {  	_ =	task [dreg:s7], $0x5FFFF  }
0x2a: {  	[dreg:$0x1] =	wrdreg $0xFFFFFFFF  }
0x2b: {  	[dreg:$0x0] =	wrdreg $0x60  }
0x2c: {  	[dreg:$0x2] =	wrdreg s25  }
0x2d: {  	[dreg:$0x3] =	wrdreg s17  }
0x2e: {  	[dreg:$0x4] =	wrdreg $0x9  }
0x2f: {  	_ =	task.clear_ibuf [dreg:s7], $0x5FFFF;
	_ =	strace $0x90000049  }
0x30: {  	s29 =	simm.s32 $0x9;
	_ =	strace $0x8000004B  }
0x31: {  	_ =	swait.ge [sflag:s29], $0x1  }
0x32: {  	[sflag:s29] =	ssyncadd.s32 $0xFFFFFFFF  }
0x33: {  	_ =	strace $0x9000004B  }
0x34: {  	_ =	sfence  }
0x35: {  	s30 =	sld [smem:$0x0];
	_ =	sdelay $0x2  }
0x36: {  	s31 =	sshll.u32 s1, $0xD;
	s1 =	sshrl.u32 s1, $0x2  }
0x37: {  	s3 =	sand.u32 $0x4000, s31;
	s1 =	sadd.s32 s1, s30  }
0x38: {  	s0 =	sor.u32 s3, s0;
	s1 =	sshll.u32 s1, $0x11  }
0x39: {  	s0 =	sor.u32 s1, s0  }
0x3a: {  	s0 =	sadd.s32 $0x8F2B, s0  }
0x3b: {  	[sflag:s0] =	ssyncadd.remote.s32 $0x1  }
0x3c: {  	_ =	sfence.sel $0xFFFF  }
0x3d: {  	[dreg:$0x0] =	wrdreg $0xFFFFFFFF;
	(pc) =	sbr.abs _section_cstart, $3  }
0x3e: {  	[dreg:$0x1] =	wrdreg $0xFFFFFFFF  }
0x3f: {  	_ =	task.clear_ibuf [dreg:s7], $0x2FFFF;
	_ =	strace $0x9FFFFFFF  }
0x40: {  	(tm) =	ssettm $0x7FFFFFFF  }
0x41: {  	_ =	shalt  }
tec
execute0_lowered:
.L_overlay_start_1:
0x0: {  	(tag) =	ssettag $0x1  }
0x1: {  	s0 =	srdreg.scid  }
0x2: {  	s1 =	sshll.u32 s0, $0x4  }
0x3: {  	s0 =	stileid.u32;
	s1 =	sand.u32 $0x10, s1  }
0x4: {  	s1 =	sor.u32 s0, s1  }
0x5: {  	s6 =	rddreg [dreg:$0x0];
	s4 =	simm.s32 $0x1;
	s2 =	sshll.u32 s1, $0x7  }
0x6: {  	s7 =	simm.s32 $0x2;
	s12 =	simm.s32 $0x0;
	s1 =	ssub.s32 $0x4000, s2  }
0x7: {  	s8 =	simm.s32 $0x20000;
	s13 =	simm.s32 $0x0;
	s3 =	sand.u32 $0xF80, s1  }
0x8: {  	s9 =	simm.s32 $0x0;
	s5 =	sshrl.u32 s1, $0xC;
	p0 =	sne.s32 s3, $0x0  }
.Ltmp0:
0x9: {  	s1 =	rddreg [dreg:$0x2];
	s4 =	simm.s32 @!p0 $0x0;
	(pc) =	sbr.rel .LBB1_1-.Ltmp0, $4  }
0xa: {  	s11 =	simm.s32 $0x0;
	s3 =	rddreg [dreg:$0x1];
	s5 =	sadd.s32 s4, s5  }
0xb: {  	_ =	strace $0x8000004A;
	s4 =	simm.s32 $0x1;
	s5 =	smul.u32 $0x32, s5  }
0xc: {  	s6 =	sadd.s32 $0xA00, s6;
	s10 =	smov.u32 s2;
	[sflag:s4] =	ssyncpa.u1 $0x0  }
0xd: {  	p0 =	por $0x0, $0x0;
	[sflag:s7] =	ssyncpa.u1 $0x0;
	s7 =	sor.u32 $0x1, s5  }
.LBB1_4:
0xe: {  	s16 =	sshll.u32 s13, $0x3;
	s17 =	sand.u32 $0x78, s13  }
0xf: {  	s30 =	sand.u32 $0xF800, s13;
	s12 =	sshll.u32 s12, $0x10;
	s16 =	sand.u32 $0x3C00, s16  }
0x10: {  	s31 =	sand.u32 $0x7, s13;
	s16 =	sor.u32 s17, s16;
	s17 =	sadd.s32 s3, s30  }
0x11: {  	s13 =	sshll.u32 s31, $0x12;
	s16 =	sshrl.u32 s16, $0x3;
	s12 =	sadd.s32 s12, s17  }
0x12: {  	[tilespmem:s15+$0x0 ss:$0x81] =	vst.msk $0xffff, v0;
	s13 =	sor.u32 $0x400, s13;
	s12 =	sadd.s32 s16, s12  }
0x13: {  	[hbm4b:s12+s13] =	stream.strided.scatter [tilespmem:s14], [sflag:$0x2], $0x1000, s8, s13, $0x20;
	[tilespmem:$0x4040] =	vst v63  }
.LBB1_5:
0x14: {  	s14 =	sadd.s32 $0x1, s9  }
0x15: {  	s12 =	sadd.s32 $0x1000, s10;
	s16 =	smov.u32 s10;
	p2 =	sgt.s32 s14, $0x31  }
0x16: {  	s16 =	smov.u32 @p2 s12  }
0x17: {  	s14 =	simm.s32 @p2 $0x0;
	p2 =	sgt.s32 s16, $0x3FFF  }
0x18: {  	s16 =	smov.u32 @p2 s2;
	p2 =	sne.s32 s11, s7  }
.Ltmp1:
0x19: {  	p1 =	slt.u32 s11, $0x2;
	(pc) =	sbr.rel @!p2 .LBB1_6-.Ltmp1, $4  }
0x1a: {  	s15 =	simm.s32 @!p1 $0x2  }
0x1b: {  	s13 =	smov.u32 s10;
	p0 =	por !p0, !p0;
	_ =	swait.ge @!p1 [sflag:s15], $0x1000  }
0x1c: {  	s12 =	smov.u32 s9;
	[sflag:s15] =	ssyncset.done @!p1 $0x0;
	s9 =	smov.u32 s14  }
0x1d: {  	s11 =	sadd.s32 $0x1, s11;
	[sflag:s15] =	ssyncadd.s32 @!p1 $0xFFFFF000;
	s10 =	smov.u32 s16  }
.LBB1_1:
0x1e: {  	p1 =	sge.u32 s11, s5  }
0x1f: {  	s14 =	sand.u32 @!p1 $0x1FFFFFF, s9  }
0x20: {  	s15 =	smulhi.u32 @!p1 $0x4924925, s14;
	_ =	sdelay $0x1  }
0x21: {  	s15 =	smul.u32 @!p1 $0x38, s15  }
0x22: {  	s16 =	sxor.u32 @!p1 $0xFFFFFFFF, s11;
	s17 =	smul.u32 @!p1 $0x380, s10  }
0x23: {  	s31 =	sadd.s32 $0xFFFFFFFF, s11;
	s16 =	sshll.u32 @!p1 s16, $0xC;
	s14 =	ssub.s32 @!p1 s14, s15  }
0x24: {  	s15 =	sand.u32 @!p1 $0x1000, s16;
	s16 =	sadd.s32 @!p1 s6, s17;
	s14 =	sshll.u32 @!p1 s14, $0x4  }
0x25: {  	s17 =	simm.s32 @!p1 $0x1C00;
	s14 =	sadd.s32 @!p1 s14, s16;
	s16 =	simm.s32 @!p1 $0x20  }
0x26: {  	[tilespmem:s15], [sflag:$0x1] =	stream.strided.gather @!p1 [hbm4b:s14+s16], $0x1000, s17, s16, $0x38;
	[tilespmem:$0x4040] =	vst v63  }
0x27: {  	p1 =	sge.u32 s31, s5  }
.Ltmp2:
0x28: {  	_ = 	snop;
	(pc) =	sbr.rel @p1 .LBB1_5-.Ltmp2, $1  }
0x29: {  	_ =	sdelay $0x3  }
0x2a: {  	s14 =	simm.s32 $0x1  }
0x2b: {  	_ =	swait.ge [sflag:s4], $0x1000;
	s14 =	simm.s32 @!p0 $0x0  }
0x2c: {  	[sflag:s4] =	ssyncset.done $0x0;
	s15 =	sshll.u32 s14, $0xC  }
0x2d: {  	[sflag:s4] =	ssyncadd.s32 $0xFFFFF000;
	s18 =	sor.u32 $0x10, s15  }
0x2e: {  	s14 =	smul.u32 $0x4080, s14;
	v1 =	vld [tilespmem:s18+$0x0]  }
0x2f: {  	s30 =	sand.u32 $0x1, s11;
	v0 =	vld [tilespmem:s18+$0xFFFFFFF0]  }
0x30: {  	s15 =	smul.u32 $0x4080, s30;
	s14 =	sshrl.u32 s14, $0x2  }
0x31: {  	s16 =	sor.u32 $0x2000, s14  }
0x32: {  	s31 =	sshrl.u32 s15, $0x2;
	s15 =	sadd.s32 $0x0, s16  }
0x33: {  	s17 =	simm.s32 $0x4;
	s18 =	sadd.s32 $0x20, s18;
	s14 =	sor.u32 $0x2000, s31;
	[tilespmem:s15+$0x810 ss:$0x81] =	vst.msk $0xffff, v1  }
.LBB1_3:
0x34: {  	v1 =	vld [tilespmem:s18+$0x0];
	p1 =	sne.s32 s17, $0x1FC;
	[tilespmem:s15+$0x0 ss:$0x81] =	vst.msk $0xffff, v0;
	s15 =	smov.u32 s17;
	s17 =	sadd.s32 $0x4, s17  }
.Ltmp3:
0x35: {  	v0 =	vld [tilespmem:s18+$0xFFFFFFF0];
	(pc) =	sbr.rel @p1 .LBB1_3-.Ltmp3, $4  }
0x36: {  	_ = 	snop  }
0x37: {  	s15 =	sshra.s32 s15, $0x2  }
0x38: {  	s15 =	sadd.s32 s15, s16  }
0x39: {  	s18 =	sadd.s32 $0x20, s18;
	[tilespmem:s15+$0x810 ss:$0x81] =	vst.msk $0xffff, v1  }
.Ltmp4:
0x3a: {  	_ = 	snop;
	(pc) =	sbr.rel .LBB1_4-.Ltmp4, $1  }
0x3b: {  	_ =	sdelay $0x3  }
.LBB1_6:
0x3c: {  	_ =	sfence.sel $0x180000  }
0x3d: {  	s2 =	simm.s32 $0x1;
	[bflag:$0x0] =	sbarrier.arrive $0xFFFF  }
0x3e: {  	s31 =	simm.s32 $0x2;
	[sflag:s2] =	ssyncpa.u1 $0x1  }
0x3f: {  	[sflag:s31] =	ssyncpa.u1 $0x1  }
0x40: {  	p0 =	sne.s32 s0, $0x0;
	_ =	strace $0x9000004A  }
0x41: {  	s0 =	sadd.s32 @!p0 $0x100000, s1;
	[bflag:$0x2] =	sbarrier.arrive $0xFFFF  }
0x42: {  	[sflag:s0] =	ssyncadd.tile.s32 @!p0 $0x1;
	_ =	shalt  }
.Lfunc_end1:
_tile_overlayer_lowered:
.L_overlay_start_2:
0x43: {  	(tag) =	ssettag $0x2  }
0x44: {  	s0 =	rddreg [dreg:$0x0];
	s2 =	stileid.u32  }
0x45: {  	s1 =	rddreg [dreg:$0x1];
	p0 =	sne.s32 s2, $0x0  }
0x46: {  	s3 =	rddreg [dreg:$0x2];
	[bflag:$0x3] =	sbarrier.arrive $0xFFFF;
	s2 =	simm.s32 @!p0 $0x1C01  }
0x47: {  	[timem:s3], [sflag:s2] =	dma.local @!p0 [hbm:s0], s1  }
0x48: {  	s0 =	simm.s32 @!p0 $0x1  }
0x49: {  	_ =	swait.ge @!p0 [sflag:s0], s1  }
0x4a: {  	s1 =	ssub.s32 @!p0 $0x0, s1;
	[sflag:s0] =	ssyncset.done @!p0 $0x0  }
0x4b: {  	[sflag:s0] =	ssyncadd.s32 @!p0 s1  }
0x4c: {  	[bflag:$0x3] =	sbarrier.arrive $0xFFFF  }
0x4d: {  	_ =	shalt  }

</sc_bundles>
